<compile_context>
chip_gen: v7x
topology: tpu7x:2x2x1
jax: 0.10.2.dev20260603
libtpu: 0.0.44.dev20260713+nightly
codegen_flags: <defaults>
</compile_context>

<pallas_src>
import jax
import jax.numpy as jnp
from jax import lax
from jax.experimental import pallas as pl
from jax.experimental.pallas import tpu as pltpu
from jax.experimental.pallas import tpu_sc as plsc

F32 = jnp.float32
I32 = jnp.int32

_N = 10000
_E = 160000
_G = 128
_NP = 10240
_ROWS_PER_TILE = _NP // 16
_PAD_IDX = _N + 16

_NS = 16
_NC = 2
_K = 128

_CHB1 = 16
_EPT1 = _E // _NS
_CH1 = -(-_EPT1 // (_K * _CHB1)) * _CHB1
_EPT1_PAD = _CH1 * _K
_CHB2 = 8
_EPG2 = _E // (_NC * _NS)
_CH2 = -(-_EPG2 // (_K * _CHB2)) * _CHB2
_EPG2_PAD = _CH2 * _K

_NB = _NP // 256



def _dotT(a, w):
    return lax.dot_general(a, w, (((1,), (1,)), ((), ())),
                           preferred_element_type=F32)


def _mm1_body(x_ref, wla_ref, wlb_ref, wr_ref, bl_ref,
              ya_ref, yb_ref, z1_ref):
    xb = x_ref[...]
    ya_ref[...] = _dotT(xb, wla_ref[...])
    yb_ref[...] = _dotT(xb, wlb_ref[...])
    z1_ref[...] = _dotT(xb, wr_ref[...]) + bl_ref[...]


def _run_mm1(xp, wla, wlb, wr1, bl1r):
    return pl.pallas_call(
        _mm1_body,
        grid=(_NB,),
        in_specs=[
            pl.BlockSpec((256, 768), lambda i: (i, 0)),
            pl.BlockSpec((128, 768), lambda i: (0, 0)),
            pl.BlockSpec((128, 768), lambda i: (0, 0)),
            pl.BlockSpec((256, 768), lambda i: (0, 0)),
            pl.BlockSpec((1, 256), lambda i: (0, 0)),
        ],
        out_specs=[
            pl.BlockSpec((256, 128), lambda i: (i, 0)),
            pl.BlockSpec((256, 128), lambda i: (i, 0)),
            pl.BlockSpec((256, 256), lambda i: (i, 0)),
        ],
        out_shape=[
            jax.ShapeDtypeStruct((_NP, 128), F32),
            jax.ShapeDtypeStruct((_NP, 128), F32),
            jax.ShapeDtypeStruct((_NP, 256), F32),
        ],
    )(xp, wla, wlb, wr1, bl1r)


def _mm2_body(aa_ref, ab_ref, z1_ref, d0_ref, d1_ref, wl_ref, wr_ref, bl_ref,
              y2_ref, z2_ref):
    dg = jnp.maximum(d0_ref[...][:, 0:1] + d1_ref[...][:, 0:1], 1.0)
    agg = jnp.concatenate([aa_ref[...], ab_ref[...]], axis=1)
    h1 = jnp.maximum(agg / dg + z1_ref[...], 0.0)
    y2_ref[...] = _dotT(h1, wl_ref[...])
    z2_ref[...] = _dotT(h1, wr_ref[...]) + bl_ref[...]


def _run_mm2(agg, z1, degw, wl2, wr2, bl2r):
    return pl.pallas_call(
        _mm2_body,
        grid=(_NB,),
        in_specs=[
            pl.BlockSpec((256, 128), lambda i: (i, 0)),
            pl.BlockSpec((256, 128), lambda i: (i + _NB, 0)),
            pl.BlockSpec((256, 256), lambda i: (i, 0)),
            pl.BlockSpec((256, 128), lambda i: (i, 0)),
            pl.BlockSpec((256, 128), lambda i: (i + _NB, 0)),
            pl.BlockSpec((128, 256), lambda i: (0, 0)),
            pl.BlockSpec((128, 256), lambda i: (0, 0)),
            pl.BlockSpec((1, 128), lambda i: (0, 0)),
        ],
        out_specs=[
            pl.BlockSpec((256, 128), lambda i: (i, 0)),
            pl.BlockSpec((256, 128), lambda i: (i, 0)),
        ],
        out_shape=[
            jax.ShapeDtypeStruct((_NP, 128), F32),
            jax.ShapeDtypeStruct((_NP, 128), F32),
        ],
    )(agg, agg, z1, degw, degw, wl2, wr2, bl2r)


def _head_body(p0_ref, p1_ref, z2_ref, d0_ref, d1_ref, bat_ref,
               w3_ref, b3_ref, w4_ref, b4_ref,
               out_ref, acc_ref, cnt_ref):
    i = pl.program_id(0)
    nb = pl.num_programs(0)

    @pl.when(i == 0)
    def _():
        acc_ref[...] = jnp.zeros_like(acc_ref)
        cnt_ref[...] = jnp.zeros_like(cnt_ref)

    dg = jnp.maximum(d0_ref[...][:, 0:1] + d1_ref[...][:, 0:1], 1.0)
    h2 = jnp.maximum((p0_ref[...] + p1_ref[...]) / dg + z2_ref[...], 0.0)
    b = bat_ref[0, 0, :]
    onehot = (b[:, None] == lax.broadcasted_iota(I32, (256, _G), 1)).astype(F32)
    acc_ref[...] += lax.dot_general(onehot, h2, (((0,), (0,)), ((), ())),
                                    preferred_element_type=F32)
    cnt_ref[...] += lax.dot_general(onehot, jnp.ones((256, 8), F32),
                                    (((0,), (0,)), ((), ())),
                                    preferred_element_type=F32)

    @pl.when(i == nb - 1)
    def _():
        pool = acc_ref[...] / jnp.maximum(cnt_ref[...][:, 0:1], 1.0)
        t3 = _dotT(pool, w3_ref[...]) + b3_ref[...]
        t4 = _dotT(t3, w4_ref[...]) + b4_ref[...]
        m = jnp.max(t4, axis=-1, keepdims=True)
        e = jnp.exp(t4 - m)
        out_ref[...] = e / jnp.sum(e, axis=-1, keepdims=True)


def _run_head(parts, z2, degw, bat3, w3, b3r, w4, b4r):
    return pl.pallas_call(
        _head_body,
        grid=(_NB,),
        in_specs=[
            pl.BlockSpec((256, 128), lambda i: (i, 0)),
            pl.BlockSpec((256, 128), lambda i: (i + _NB, 0)),
            pl.BlockSpec((256, 128), lambda i: (i, 0)),
            pl.BlockSpec((256, 128), lambda i: (i, 0)),
            pl.BlockSpec((256, 128), lambda i: (i + _NB, 0)),
            pl.BlockSpec((1, 1, 256), lambda i: (i, 0, 0)),
            pl.BlockSpec((64, 128), lambda i: (0, 0)),
            pl.BlockSpec((1, 64), lambda i: (0, 0)),
            pl.BlockSpec((2, 64), lambda i: (0, 0)),
            pl.BlockSpec((1, 2), lambda i: (0, 0)),
        ],
        out_specs=pl.BlockSpec((_G, 2), lambda i: (0, 0)),
        out_shape=jax.ShapeDtypeStruct((_G, 2), F32),
        scratch_shapes=[
            pltpu.VMEM((_G, 128), F32),
            pltpu.VMEM((_G, 8), F32),
        ],
    )(parts, parts, z2, degw, degw, bat3, w3, b3r, w4, b4r)



_MESH = plsc.VectorSubcoreMesh(core_axis_name="c", subcore_axis_name="s")


def _deg_body(dst_hbm, zf_hbm, onesf_hbm,
              degw_hbm,
              dst_v, ones_v, table, sem):
    c = lax.axis_index("c")
    s = lax.axis_index("s")
    f = c * _NS + s
    base = s * _ROWS_PER_TILE

    pltpu.sync_copy(zf_hbm, table.at[pl.ds(base, _ROWS_PER_TILE)])
    pltpu.sync_copy(onesf_hbm, ones_v)

    plsc.subcore_barrier()

    def outer(g, carry):
        pltpu.sync_copy(dst_hbm.at[pl.ds(f * _CH2 + g * _CHB2, _CHB2)], dst_v)
        for j in range(_CHB2):
            pltpu.sync_copy(ones_v, table.at[dst_v.at[j]], add=True)
        return carry

    lax.fori_loop(0, _CH2 // _CHB2, outer, 0)

    plsc.subcore_barrier()

    pltpu.sync_copy(table.at[pl.ds(base, _ROWS_PER_TILE)],
                    degw_hbm.at[pl.ds(c * _NP + base, _ROWS_PER_TILE)])


def _run_deg(dst2, zf, onesf):
    return pl.kernel(
        _deg_body,
        out_type=[jax.ShapeDtypeStruct((2 * _NP, 128), F32)],
        mesh=_MESH,
        scratch_types=[
            pltpu.VMEM((_CHB2, _K), I32),
            pltpu.VMEM((_K, 128), F32),
            pltpu.VMEM_SHARED((_NP, 128), F32),
            pltpu.SemaphoreType.DMA,
        ],
    )(dst2, zf, onesf)


def _pipelined_edges(table_hbm, src_hbm, dst_hbm, src_v, dst_v,
                     buf0, buf1, sem0, sem1, table,
                     idx_src0, idx_dst0, n_refill, chb):
    bufs = (buf0, buf1)
    sems = (sem0, sem1)

    def outer(g, carry):
        pltpu.sync_copy(src_hbm.at[pl.ds(idx_src0 + g * chb, chb)], src_v)
        pltpu.sync_copy(dst_hbm.at[pl.ds(idx_dst0 + g * chb, chb)], dst_v)
        cps = [None, None]
        cps[0] = pltpu.async_copy(table_hbm.at[src_v.at[0]], bufs[0], sems[0])
        cps[1] = pltpu.async_copy(table_hbm.at[src_v.at[1]], bufs[1], sems[1])
        for j in range(chb):
            cps[j % 2].wait()
            pltpu.sync_copy(bufs[j % 2], table.at[dst_v.at[j]], add=True)
            if j + 2 < chb:
                cps[j % 2] = pltpu.async_copy(
                    table_hbm.at[src_v.at[j + 2]],
                    bufs[j % 2], sems[j % 2])
        return carry

    lax.fori_loop(0, n_refill, outer, 0)


def _agg1_body(yall_hbm, src_hbm, dst_hbm, zf_hbm,
               agg_hbm,
               src_v, dst_v, buf0, buf1, table, sem0, sem1):
    c = lax.axis_index("c")
    s = lax.axis_index("s")
    base = s * _ROWS_PER_TILE

    pltpu.sync_copy(zf_hbm, table.at[pl.ds(base, _ROWS_PER_TILE)])

    plsc.subcore_barrier()

    _pipelined_edges(yall_hbm, src_hbm, dst_hbm, src_v, dst_v,
                     buf0, buf1, sem0, sem1, table,
                     c * (_NS * _CH1) + s * _CH1, s * _CH1,
                     _CH1 // _CHB1, _CHB1)

    plsc.subcore_barrier()

    pltpu.sync_copy(table.at[pl.ds(base, _ROWS_PER_TILE)],
                    agg_hbm.at[pl.ds(c * _NP + base, _ROWS_PER_TILE)])


def _run_agg1(yall, src1s, dst1, zf):
    return pl.kernel(
        _agg1_body,
        out_type=[jax.ShapeDtypeStruct((2 * _NP, 128), F32)],
        mesh=_MESH,
        scratch_types=[
            pltpu.VMEM((_CHB1, _K), I32),
            pltpu.VMEM((_CHB1, _K), I32),
            pltpu.VMEM((_K, 128), F32),
            pltpu.VMEM((_K, 128), F32),
            pltpu.VMEM_SHARED((_NP, 128), F32),
            pltpu.SemaphoreType.DMA,
            pltpu.SemaphoreType.DMA,
        ],
    )(yall, src1s, dst1, zf)


def _agg2_body(y2_hbm, src_hbm, dst_hbm, zf_hbm,
               parts_hbm,
               src_v, dst_v, buf0, buf1, table, sem0, sem1):
    c = lax.axis_index("c")
    s = lax.axis_index("s")
    f = c * _NS + s
    base = s * _ROWS_PER_TILE

    pltpu.sync_copy(zf_hbm, table.at[pl.ds(base, _ROWS_PER_TILE)])

    plsc.subcore_barrier()

    _pipelined_edges(y2_hbm, src_hbm, dst_hbm, src_v, dst_v,
                     buf0, buf1, sem0, sem1, table,
                     c * (_NC * _NS * _CH2) + f * _CH2, f * _CH2,
                     _CH2 // _CHB2, _CHB2)

    plsc.subcore_barrier()

    pltpu.sync_copy(table.at[pl.ds(base, _ROWS_PER_TILE)],
                    parts_hbm.at[pl.ds(c * _NP + base, _ROWS_PER_TILE)])


def _run_agg2(y2, src2, dst2, zf):
    return pl.kernel(
        _agg2_body,
        out_type=[jax.ShapeDtypeStruct((2 * _NP, 128), F32)],
        mesh=_MESH,
        scratch_types=[
            pltpu.VMEM((_CHB2, _K), I32),
            pltpu.VMEM((_CHB2, _K), I32),
            pltpu.VMEM((_K, 128), F32),
            pltpu.VMEM((_K, 128), F32),
            pltpu.VMEM_SHARED((_NP, 128), F32),
            pltpu.SemaphoreType.DMA,
            pltpu.SemaphoreType.DMA,
        ],
    )(y2, src2, dst2, zf)



def _edge_layout(v, groups, per_group_pad, chunks):
    v = v.reshape(groups, -1)
    pad = per_group_pad - v.shape[1]
    v = jnp.concatenate(
        [v, jnp.full((groups, pad), _PAD_IDX, dtype=I32)], axis=1)
    return v.reshape(groups * chunks, _K)


@jax.jit
def kernel(x, edge_index, batch, Wl1, bl1, Wr1, Wl2, bl2, Wr2, W3, b3, W4, b4):
    src = edge_index[0]
    dst = edge_index[1]

    xp = jnp.pad(x, ((0, _NP - _N), (0, 0)))
    src1 = _edge_layout(src, _NS, _EPT1_PAD, _CH1)
    src1s = jnp.concatenate([src1, src1 + _NP], axis=0)
    dst1 = _edge_layout(dst, _NS, _EPT1_PAD, _CH1)
    src2 = _edge_layout(src, _NC * _NS, _EPG2_PAD, _CH2)
    src2s = jnp.concatenate([src2, src2 + _NP], axis=0)
    dst2 = _edge_layout(dst, _NC * _NS, _EPG2_PAD, _CH2)
    batp = jnp.concatenate(
        [batch, jnp.full((_NP - _N,), _G, dtype=batch.dtype)]
    ).reshape(_NB, 1, 256)

    zf = jnp.zeros((_ROWS_PER_TILE, 128), F32)
    onesf = jnp.ones((_K, 128), F32)

    degw = _run_deg(dst2, zf, onesf)[0]
    ya, yb, z1 = _run_mm1(xp, Wl1[:128], Wl1[128:], Wr1, bl1.reshape(1, 256))
    yall = jnp.concatenate([ya, yb], axis=0)

    agg = _run_agg1(yall, src1s, dst1, zf)[0]
    y2, z2 = _run_mm2(agg, z1, degw, Wl2, Wr2, bl2.reshape(1, 128))
    y2d = jnp.concatenate([y2, y2], axis=0)
    parts = _run_agg2(y2d, src2s, dst2, zf)[0]
    out = _run_head(parts, z2, degw, batp, W3, b3.reshape(1, 64),
                    W4, b4.reshape(1, 2))
    return out

# --- scband reference (transcript-rebuilt; emitter-appended) ---
"""Pipeline reference for scband-gcn-9225589752224 (READ-ONLY COPY).

The authoritative reference and input builder live on the scoring server;
editing this copy changes nothing except your own understanding.
"""

import jax, jax.numpy as jnp
import numpy as np

N = 10000
E = 160000
G = 128  # number of graphs in the batch for global_mean_pool


def setup_inputs(seed: int = 0) -> dict:
    key = jax.random.key(seed)
    ks = jax.random.split(key, 16)
    x = jax.random.normal(ks[0], (N, 768), dtype=jnp.float32)
    edge_index = jax.random.randint(ks[1], (2, E), 0, N, dtype=jnp.int32)
    batch = jnp.sort(jax.random.randint(ks[2], (N,), 0, G, dtype=jnp.int32))
    s = 0.05
    # SAGEConv1: lin_l (applied to aggregated neighbors, with bias), lin_r (root, no bias)
    Wl1 = jax.random.normal(ks[3], (256, 768), dtype=jnp.float32) * s
    bl1 = jnp.zeros((256,), dtype=jnp.float32)
    Wr1 = jax.random.normal(ks[4], (256, 768), dtype=jnp.float32) * s
    # SAGEConv2
    Wl2 = jax.random.normal(ks[5], (128, 256), dtype=jnp.float32) * s
    bl2 = jnp.zeros((128,), dtype=jnp.float32)
    Wr2 = jax.random.normal(ks[6], (128, 256), dtype=jnp.float32) * s
    # Linear heads
    W3 = jax.random.normal(ks[7], (64, 128), dtype=jnp.float32) * s
    b3 = jnp.zeros((64,), dtype=jnp.float32)
    W4 = jax.random.normal(ks[8], (2, 64), dtype=jnp.float32) * s
    b4 = jnp.zeros((2,), dtype=jnp.float32)
    return {"x": x, "edge_index": edge_index, "batch": batch,
            "Wl1": Wl1, "bl1": bl1, "Wr1": Wr1,
            "Wl2": Wl2, "bl2": bl2, "Wr2": Wr2,
            "W3": W3, "b3": b3, "W4": W4, "b4": b4}


def _sage_conv(x, edge_index, Wl, bl, Wr, num_nodes):
    # PyG SAGEConv with mean aggregation:
    #   out = lin_l(mean_{j in N(i)} x_j) + lin_r(x_i)
    src = edge_index[0]
    dst = edge_index[1]
    msgs = jnp.take(x, src, axis=0)                       # gather [E, d]
    agg = jax.ops.segment_sum(msgs, dst, num_segments=num_nodes)  # scatter-add
    deg = jax.ops.segment_sum(jnp.ones((edge_index.shape[1],), x.dtype), dst,
                              num_segments=num_nodes)
    mean = agg / jnp.clip(deg, 1.0)[:, None]
    return mean @ Wl.T + bl + x @ Wr.T


def _global_mean_pool(h, batch, num_graphs):
    sums = jax.ops.segment_sum(h, batch, num_segments=num_graphs)
    cnts = jax.ops.segment_sum(jnp.ones((h.shape[0],), h.dtype), batch,
                               num_segments=num_graphs)
    return sums / jnp.clip(cnts, 1.0)[:, None]


def reference(x, edge_index, batch, Wl1, bl1, Wr1, Wl2, bl2, Wr2, W3, b3, W4, b4):
    h = _sage_conv(x, edge_index, Wl1, bl1, Wr1, N)
    h = jax.nn.relu(h)
    h = _sage_conv(h, edge_index, Wl2, bl2, Wr2, N)
    h = jax.nn.relu(h)
    p = _global_mean_pool(h, batch, G)
    # F.dropout with training=False -> identity (eval mode)
    p = p @ W3.T + b3
    p = p @ W4.T + b4
    return jax.nn.softmax(p, axis=-1)

if __name__ == "__main__":
    import jax
    _d = setup_inputs()
    print(jax.jit(kernel)(*tuple(_d.values())))

</pallas_src>

<mosaic_0001>
#map = affine_map<(d0, d1) -> (0, 0)>
module attributes {stable_mosaic.version = 14 : i64} {
  func.func @_agg1_body(%arg0: i32, %arg1: i32, %arg2: memref<20480x128xf32, #tpu.memory_space<hbm>>, %arg3: memref<2560x128xi32, #tpu.memory_space<hbm>>, %arg4: memref<1280x128xi32, #tpu.memory_space<hbm>>, %arg5: memref<640x128xf32, #tpu.memory_space<hbm>>, %arg6: memref<20480x128xf32, #tpu.memory_space<hbm>>, %arg7: memref<16x128xi32, #tpu.memory_space<vmem>>, %arg8: memref<16x128xi32, #tpu.memory_space<vmem>>, %arg9: memref<128x128xf32, #tpu.memory_space<vmem>>, %arg10: memref<128x128xf32, #tpu.memory_space<vmem>>, %arg11: memref<10240x128xf32, #tpu.memory_space<vmem_shared>>, %arg12: memref<!tpu.dma_semaphore, #tpu.memory_space<semaphore_mem>>, %arg13: memref<!tpu.dma_semaphore, #tpu.memory_space<semaphore_mem>>) attributes {dimension_semantics = [#tpu.dimension_semantics<core_parallel>, #tpu.dimension_semantics<subcore_parallel>], iteration_bounds = array<i64: 2, 16>, scalar_prefetch = 0 : i64, scratch_operands = 7 : i64, tpu.core_type = #tpu.core_type<sc_vector_subcore>, window_params = [{transform_indices = #map}, {transform_indices = #map}, {transform_indices = #map}, {transform_indices = #map}, {transform_indices = #map}]} {
    %mul3A = arith.constant 640 : i32
    %mul3A_0 = arith.muli %arg1, %mul3A : i32
    "tpu.region"() ({
      %run_scoped3A = tpu.sem_alloc : memref<!tpu.dma_semaphore, #tpu.memory_space<semaphore_mem>>
      %dma_start3A = arith.constant 0 : i32
      %dma_start3A_16 = tpu.memref_slice %arg11[%mul3A_0, %dma_start3A] : memref<10240x128xf32, #tpu.memory_space<vmem_shared>> -> memref<640x128xf32, #tpu.memory_space<vmem_shared>>
      tpu.enqueue_dma source(%arg5 : memref<640x128xf32, #tpu.memory_space<hbm>>) target(%dma_start3A_16 : memref<640x128xf32, #tpu.memory_space<vmem_shared>>) target_semaphore(%run_scoped3A : memref<!tpu.dma_semaphore, #tpu.memory_space<semaphore_mem>>)
      %dma_wait3A = arith.constant 0 : i32
      %dma_wait3A_17 = tpu.memref_slice %arg11[%mul3A_0, %dma_wait3A] : memref<10240x128xf32, #tpu.memory_space<vmem_shared>> -> memref<640x128xf32, #tpu.memory_space<vmem_shared>>
      tpu.wait_dma2 semaphore(%run_scoped3A : memref<!tpu.dma_semaphore, #tpu.memory_space<semaphore_mem>>) src(%arg5 : memref<640x128xf32, #tpu.memory_space<hbm>>) dst(%dma_wait3A_17 : memref<640x128xf32, #tpu.memory_space<vmem_shared>>)
      tpu.yield
    }) : () -> ()
    %barrier3A = arith.constant 0 : index
    tpu.barrier barrier_id(%barrier3A)
    %mul3A_1 = arith.constant 1280 : i32
    %mul3A_2 = arith.muli %arg0, %mul3A_1 : i32
    %mul3A_3 = arith.constant 80 : i32
    %mul3A_4 = arith.muli %arg1, %mul3A_3 : i32
    %add3A = arith.addi %mul3A_2, %mul3A_4 : i32
    %mul3A_5 = arith.constant 80 : i32
    %mul3A_6 = arith.muli %arg1, %mul3A_5 : i32
    %scan3A = arith.constant 0 : i32
    %scan3A_7 = arith.constant 0 : i32
    %scan3A_8 = arith.constant 5 : i32
    %scan3A_9 = arith.addi %scan3A_7, %scan3A_8 : i32
    %scan3A_10 = arith.constant 1 : i32
    scf.for %scan3A_16 = %scan3A_7 to %scan3A_9 step %scan3A_10  : i32 {
      %mul3A_17 = arith.constant 16 : i32
      %mul3A_18 = arith.muli %scan3A_16, %mul3A_17 : i32
      %add3A_19 = arith.addi %add3A, %mul3A_18 : i32
      "tpu.region"() ({
        %run_scoped3A_260 = tpu.sem_alloc : memref<!tpu.dma_semaphore, #tpu.memory_space<semaphore_mem>>
        %dma_start3A_261 = arith.constant 0 : i32
        %dma_start3A_262 = tpu.memref_slice %arg3[%add3A_19, %dma_start3A_261] : memref<2560x128xi32, #tpu.memory_space<hbm>> -> memref<16x128xi32, #tpu.memory_space<hbm>>
        %dma_start3A_263 = arith.constant 0 : i32
        %dma_start3A_264 = tpu.memref_slice %arg3[%add3A_19, %dma_start3A_263] : memref<2560x128xi32, #tpu.memory_space<hbm>> -> memref<16x128xi32, #tpu.memory_space<hbm>>
        tpu.enqueue_dma source(%dma_start3A_264 : memref<16x128xi32, #tpu.memory_space<hbm>>) target(%arg7 : memref<16x128xi32, #tpu.memory_space<vmem>>) target_semaphore(%run_scoped3A_260 : memref<!tpu.dma_semaphore, #tpu.memory_space<semaphore_mem>>)
        %dma_wait3A_265 = arith.constant 0 : i32
        %dma_wait3A_266 = tpu.memref_slice %arg3[%add3A_19, %dma_wait3A_265] : memref<2560x128xi32, #tpu.memory_space<hbm>> -> memref<16x128xi32, #tpu.memory_space<hbm>>
        %dma_wait3A_267 = arith.constant 0 : i32
        %dma_wait3A_268 = tpu.memref_slice %arg3[%add3A_19, %dma_wait3A_267] : memref<2560x128xi32, #tpu.memory_space<hbm>> -> memref<16x128xi32, #tpu.memory_space<hbm>>
        tpu.wait_dma2 semaphore(%run_scoped3A_260 : memref<!tpu.dma_semaphore, #tpu.memory_space<semaphore_mem>>) src(%dma_wait3A_268 : memref<16x128xi32, #tpu.memory_space<hbm>>) dst(%arg7 : memref<16x128xi32, #tpu.memory_space<vmem>>)
        tpu.yield
      }) : () -> ()
      %mul3A_20 = arith.constant 16 : i32
      %mul3A_21 = arith.muli %scan3A_16, %mul3A_20 : i32
      %add3A_22 = arith.addi %mul3A_6, %mul3A_21 : i32
      "tpu.region"() ({
        %run_scoped3A_260 = tpu.sem_alloc : memref<!tpu.dma_semaphore, #tpu.memory_space<semaphore_mem>>
        %dma_start3A_261 = arith.constant 0 : i32
        %dma_start3A_262 = tpu.memref_slice %arg4[%add3A_22, %dma_start3A_261] : memref<1280x128xi32, #tpu.memory_space<hbm>> -> memref<16x128xi32, #tpu.memory_space<hbm>>
        %dma_start3A_263 = arith.constant 0 : i32
        %dma_start3A_264 = tpu.memref_slice %arg4[%add3A_22, %dma_start3A_263] : memref<1280x128xi32, #tpu.memory_space<hbm>> -> memref<16x128xi32, #tpu.memory_space<hbm>>
        tpu.enqueue_dma source(%dma_start3A_264 : memref<16x128xi32, #tpu.memory_space<hbm>>) target(%arg8 : memref<16x128xi32, #tpu.memory_space<vmem>>) target_semaphore(%run_scoped3A_260 : memref<!tpu.dma_semaphore, #tpu.memory_space<semaphore_mem>>)
        %dma_wait3A_265 = arith.constant 0 : i32
        %dma_wait3A_266 = tpu.memref_slice %arg4[%add3A_22, %dma_wait3A_265] : memref<1280x128xi32, #tpu.memory_space<hbm>> -> memref<16x128xi32, #tpu.memory_space<hbm>>
        %dma_wait3A_267 = arith.constant 0 : i32
        %dma_wait3A_268 = tpu.memref_slice %arg4[%add3A_22, %dma_wait3A_267] : memref<1280x128xi32, #tpu.memory_space<hbm>> -> memref<16x128xi32, #tpu.memory_space<hbm>>
        tpu.wait_dma2 semaphore(%run_scoped3A_260 : memref<!tpu.dma_semaphore, #tpu.memory_space<semaphore_mem>>) src(%dma_wait3A_268 : memref<16x128xi32, #tpu.memory_space<hbm>>) dst(%arg8 : memref<16x128xi32, #tpu.memory_space<vmem>>)
        tpu.yield
      }) : () -> ()
      %dma_start3A = arith.constant 0 : i32
      %dma_start3A_23 = arith.constant 0 : i32
      %dma_start3A_24 = tpu.memref_slice %arg7[%dma_start3A, %dma_start3A_23] : memref<16x128xi32, #tpu.memory_space<vmem>> -> memref<1x128xi32, #tpu.memory_space<vmem>>
      %dma_start3A_25 = tpu.memref_squeeze %dma_start3A_24 : memref<1x128xi32, #tpu.memory_space<vmem>> -> memref<128xi32, #tpu.memory_space<vmem>>
      %dma_start3A_26 = arith.constant 0 : i32
      %dma_start3A_27 = arith.constant 0 : i32
      %dma_start3A_28 = tpu.memref_slice %arg2[%dma_start3A_26, %dma_start3A_27] : memref<20480x128xf32, #tpu.memory_space<hbm>> -> memref<20480x128xf32, #tpu.memory_space<hbm>>
      tpu.enqueue_indirect_dma source(%dma_start3A_28 : memref<20480x128xf32, #tpu.memory_space<hbm>>) target(%arg9 : memref<128x128xf32, #tpu.memory_space<vmem>>) offsets(%dma_start3A_25 : memref<128xi32, #tpu.memory_space<vmem>>) semaphore(%arg12 : memref<!tpu.dma_semaphore, #tpu.memory_space<semaphore_mem>>)
      %dma_start3A_29 = arith.constant 1 : i32
      %dma_start3A_30 = arith.constant 0 : i32
      %dma_start3A_31 = tpu.memref_slice %arg7[%dma_start3A_29, %dma_start3A_30] : memref<16x128xi32, #tpu.memory_space<vmem>> -> memref<1x128xi32, #tpu.memory_space<vmem>>
      %dma_start3A_32 = tpu.memref_squeeze %dma_start3A_31 : memref<1x128xi32, #tpu.memory_space<vmem>> -> memref<128xi32, #tpu.memory_space<vmem>>
      %dma_start3A_33 = arith.constant 0 : i32
      %dma_start3A_34 = arith.constant 0 : i32
      %dma_start3A_35 = tpu.memref_slice %arg2[%dma_start3A_33, %dma_start3A_34] : memref<20480x128xf32, #tpu.memory_space<hbm>> -> memref<20480x128xf32, #tpu.memory_space<hbm>>
      tpu.enqueue_indirect_dma source(%dma_start3A_35 : memref<20480x128xf32, #tpu.memory_space<hbm>>) target(%arg10 : memref<128x128xf32, #tpu.memory_space<vmem>>) offsets(%dma_start3A_32 : memref<128xi32, #tpu.memory_space<vmem>>) semaphore(%arg13 : memref<!tpu.dma_semaphore, #tpu.memory_space<semaphore_mem>>)
      %dma_wait3A = arith.constant 0 : i32
      %dma_wait3A_36 = arith.constant 0 : i32
      %dma_wait3A_37 = tpu.memref_slice %arg7[%dma_wait3A, %dma_wait3A_36] : memref<16x128xi32, #tpu.memory_space<vmem>> -> memref<1x128xi32, #tpu.memory_space<vmem>>
      %dma_wait3A_38 = tpu.memref_squeeze %dma_wait3A_37 : memref<1x128xi32, #tpu.memory_space<vmem>> -> memref<128xi32, #tpu.memory_space<vmem>>
      %dma_wait3A_39 = arith.constant 0 : i32
      %dma_wait3A_40 = arith.constant 0 : i32
      %dma_wait3A_41 = tpu.memref_slice %arg2[%dma_wait3A_39, %dma_wait3A_40] : memref<20480x128xf32, #tpu.memory_space<hbm>> -> memref<20480x128xf32, #tpu.memory_space<hbm>>
      tpu.wait_indirect_dma semaphore(%arg12 : memref<!tpu.dma_semaphore, #tpu.memory_space<semaphore_mem>>) src(%dma_wait3A_41 : memref<20480x128xf32, #tpu.memory_space<hbm>>) dst(%arg9 : memref<128x128xf32, #tpu.memory_space<vmem>>)
      %run_scoped3A = arith.constant 0 : i32
      "tpu.region"() ({
        %run_scoped3A_260 = tpu.sem_alloc : memref<!tpu.dma_semaphore, #tpu.memory_space<semaphore_mem>>
        %dma_start3A_261 = arith.constant 0 : i32
        %dma_start3A_262 = tpu.memref_slice %arg8[%run_scoped3A, %dma_start3A_261] : memref<16x128xi32, #tpu.memory_space<vmem>> -> memref<1x128xi32, #tpu.memory_space<vmem>>
        %dma_start3A_263 = tpu.memref_squeeze %dma_start3A_262 : memref<1x128xi32, #tpu.memory_space<vmem>> -> memref<128xi32, #tpu.memory_space<vmem>>
        %dma_start3A_264 = arith.constant 0 : i32
        %dma_start3A_265 = arith.constant 0 : i32
        %dma_start3A_266 = tpu.memref_slice %arg11[%dma_start3A_264, %dma_start3A_265] : memref<10240x128xf32, #tpu.memory_space<vmem_shared>> -> memref<10240x128xf32, #tpu.memory_space<vmem_shared>>
        tpu.enqueue_indirect_dma source(%arg9 : memref<128x128xf32, #tpu.memory_space<vmem>>) target(%dma_start3A_266 : memref<10240x128xf32, #tpu.memory_space<vmem_shared>>) offsets(%dma_start3A_263 : memref<128xi32, #tpu.memory_space<vmem>>) semaphore(%run_scoped3A_260 : memref<!tpu.dma_semaphore, #tpu.memory_space<semaphore_mem>>) {add = true}
        %dma_wait3A_267 = arith.constant 0 : i32
        %dma_wait3A_268 = tpu.memref_slice %arg8[%run_scoped3A, %dma_wait3A_267] : memref<16x128xi32, #tpu.memory_space<vmem>> -> memref<1x128xi32, #tpu.memory_space<vmem>>
        %dma_wait3A_269 = tpu.memref_squeeze %dma_wait3A_268 : memref<1x128xi32, #tpu.memory_space<vmem>> -> memref<128xi32, #tpu.memory_space<vmem>>
        %dma_wait3A_270 = arith.constant 0 : i32
        %dma_wait3A_271 = arith.constant 0 : i32
        %dma_wait3A_272 = tpu.memref_slice %arg11[%dma_wait3A_270, %dma_wait3A_271] : memref<10240x128xf32, #tpu.memory_space<vmem_shared>> -> memref<10240x128xf32, #tpu.memory_space<vmem_shared>>
        tpu.wait_indirect_dma semaphore(%run_scoped3A_260 : memref<!tpu.dma_semaphore, #tpu.memory_space<semaphore_mem>>) src(%arg9 : memref<128x128xf32, #tpu.memory_space<vmem>>) dst(%dma_wait3A_272 : memref<10240x128xf32, #tpu.memory_space<vmem_shared>>)
        tpu.yield
      }) : () -> ()
      %dma_start3A_42 = arith.constant 2 : i32
      %dma_start3A_43 = arith.constant 0 : i32
      %dma_start3A_44 = tpu.memref_slice %arg7[%dma_start3A_42, %dma_start3A_43] : memref<16x128xi32, #tpu.memory_space<vmem>> -> memref<1x128xi32, #tpu.memory_space<vmem>>
      %dma_start3A_45 = tpu.memref_squeeze %dma_start3A_44 : memref<1x128xi32, #tpu.memory_space<vmem>> -> memref<128xi32, #tpu.memory_space<vmem>>
      %dma_start3A_46 = arith.constant 0 : i32
      %dma_start3A_47 = arith.constant 0 : i32
      %dma_start3A_48 = tpu.memref_slice %arg2[%dma_start3A_46, %dma_start3A_47] : memref<20480x128xf32, #tpu.memory_space<hbm>> -> memref<20480x128xf32, #tpu.memory_space<hbm>>
      tpu.enqueue_indirect_dma source(%dma_start3A_48 : memref<20480x128xf32, #tpu.memory_space<hbm>>) target(%arg9 : memref<128x128xf32, #tpu.memory_space<vmem>>) offsets(%dma_start3A_45 : memref<128xi32, #tpu.memory_space<vmem>>) semaphore(%arg12 : memref<!tpu.dma_semaphore, #tpu.memory_space<semaphore_mem>>)
      %dma_wait3A_49 = arith.constant 1 : i32
      %dma_wait3A_50 = arith.constant 0 : i32
      %dma_wait3A_51 = tpu.memref_slice %arg7[%dma_wait3A_49, %dma_wait3A_50] : memref<16x128xi32, #tpu.memory_space<vmem>> -> memref<1x128xi32, #tpu.memory_space<vmem>>
      %dma_wait3A_52 = tpu.memref_squeeze %dma_wait3A_51 : memref<1x128xi32, #tpu.memory_space<vmem>> -> memref<128xi32, #tpu.memory_space<vmem>>
      %dma_wait3A_53 = arith.constant 0 : i32
      %dma_wait3A_54 = arith.constant 0 : i32
      %dma_wait3A_55 = tpu.memref_slice %arg2[%dma_wait3A_53, %dma_wait3A_54] : memref<20480x128xf32, #tpu.memory_space<hbm>> -> memref<20480x128xf32, #tpu.memory_space<hbm>>
      tpu.wait_indirect_dma semaphore(%arg13 : memref<!tpu.dma_semaphore, #tpu.memory_space<semaphore_mem>>) src(%dma_wait3A_55 : memref<20480x128xf32, #tpu.memory_space<hbm>>) dst(%arg10 : memref<128x128xf32, #tpu.memory_space<vmem>>)
      %run_scoped3A_56 = arith.constant 1 : i32
      "tpu.region"() ({
        %run_scoped3A_260 = tpu.sem_alloc : memref<!tpu.dma_semaphore, #tpu.memory_space<semaphore_mem>>
        %dma_start3A_261 = arith.constant 0 : i32
        %dma_start3A_262 = tpu.memref_slice %arg8[%run_scoped3A_56, %dma_start3A_261] : memref<16x128xi32, #tpu.memory_space<vmem>> -> memref<1x128xi32, #tpu.memory_space<vmem>>
        %dma_start3A_263 = tpu.memref_squeeze %dma_start3A_262 : memref<1x128xi32, #tpu.memory_space<vmem>> -> memref<128xi32, #tpu.memory_space<vmem>>
        %dma_start3A_264 = arith.constant 0 : i32
        %dma_start3A_265 = arith.constant 0 : i32
        %dma_start3A_266 = tpu.memref_slice %arg11[%dma_start3A_264, %dma_start3A_265] : memref<10240x128xf32, #tpu.memory_space<vmem_shared>> -> memref<10240x128xf32, #tpu.memory_space<vmem_shared>>
        tpu.enqueue_indirect_dma source(%arg10 : memref<128x128xf32, #tpu.memory_space<vmem>>) target(%dma_start3A_266 : memref<10240x128xf32, #tpu.memory_space<vmem_shared>>) offsets(%dma_start3A_263 : memref<128xi32, #tpu.memory_space<vmem>>) semaphore(%run_scoped3A_260 : memref<!tpu.dma_semaphore, #tpu.memory_space<semaphore_mem>>) {add = true}
        %dma_wait3A_267 = arith.constant 0 : i32
        %dma_wait3A_268 = tpu.memref_slice %arg8[%run_scoped3A_56, %dma_wait3A_267] : memref<16x128xi32, #tpu.memory_space<vmem>> -> memref<1x128xi32, #tpu.memory_space<vmem>>
        %dma_wait3A_269 = tpu.memref_squeeze %dma_wait3A_268 : memref<1x128xi32, #tpu.memory_space<vmem>> -> memref<128xi32, #tpu.memory_space<vmem>>
        %dma_wait3A_270 = arith.constant 0 : i32
        %dma_wait3A_271 = arith.constant 0 : i32
        %dma_wait3A_272 = tpu.memref_slice %arg11[%dma_wait3A_270, %dma_wait3A_271] : memref<10240x128xf32, #tpu.memory_space<vmem_shared>> -> memref<10240x128xf32, #tpu.memory_space<vmem_shared>>
        tpu.wait_indirect_dma semaphore(%run_scoped3A_260 : memref<!tpu.dma_semaphore, #tpu.memory_space<semaphore_mem>>) src(%arg10 : memref<128x128xf32, #tpu.memory_space<vmem>>) dst(%dma_wait3A_272 : memref<10240x128xf32, #tpu.memory_space<vmem_shared>>)
        tpu.yield
      }) : () -> ()
      %dma_start3A_57 = arith.constant 3 : i32
      %dma_start3A_58 = arith.constant 0 : i32
      %dma_start3A_59 = tpu.memref_slice %arg7[%dma_start3A_57, %dma_start3A_58] : memref<16x128xi32, #tpu.memory_space<vmem>> -> memref<1x128xi32, #tpu.memory_space<vmem>>
      %dma_start3A_60 = tpu.memref_squeeze %dma_start3A_59 : memref<1x128xi32, #tpu.memory_space<vmem>> -> memref<128xi32, #tpu.memory_space<vmem>>
      %dma_start3A_61 = arith.constant 0 : i32
      %dma_start3A_62 = arith.constant 0 : i32
      %dma_start3A_63 = tpu.memref_slice %arg2[%dma_start3A_61, %dma_start3A_62] : memref<20480x128xf32, #tpu.memory_space<hbm>> -> memref<20480x128xf32, #tpu.memory_space<hbm>>
      tpu.enqueue_indirect_dma source(%dma_start3A_63 : memref<20480x128xf32, #tpu.memory_space<hbm>>) target(%arg10 : memref<128x128xf32, #tpu.memory_space<vmem>>) offsets(%dma_start3A_60 : memref<128xi32, #tpu.memory_space<vmem>>) semaphore(%arg13 : memref<!tpu.dma_semaphore, #tpu.memory_space<semaphore_mem>>)
      %dma_wait3A_64 = arith.constant 2 : i32
      %dma_wait3A_65 = arith.constant 0 : i32
      %dma_wait3A_66 = tpu.memref_slice %arg7[%dma_wait3A_64, %dma_wait3A_65] : memref<16x128xi32, #tpu.memory_space<vmem>> -> memref<1x128xi32, #tpu.memory_space<vmem>>
      %dma_wait3A_67 = tpu.memref_squeeze %dma_wait3A_66 : memref<1x128xi32, #tpu.memory_space<vmem>> -> memref<128xi32, #tpu.memory_space<vmem>>
      %dma_wait3A_68 = arith.constant 0 : i32
      %dma_wait3A_69 = arith.constant 0 : i32
      %dma_wait3A_70 = tpu.memref_slice %arg2[%dma_wait3A_68, %dma_wait3A_69] : memref<20480x128xf32, #tpu.memory_space<hbm>> -> memref<20480x128xf32, #tpu.memory_space<hbm>>
      tpu.wait_indirect_dma semaphore(%arg12 : memref<!tpu.dma_semaphore, #tpu.memory_space<semaphore_mem>>) src(%dma_wait3A_70 : memref<20480x128xf32, #tpu.memory_space<hbm>>) dst(%arg9 : memref<128x128xf32, #tpu.memory_space<vmem>>)
      %run_scoped3A_71 = arith.constant 2 : i32
      "tpu.region"() ({
        %run_scoped3A_260 = tpu.sem_alloc : memref<!tpu.dma_semaphore, #tpu.memory_space<semaphore_mem>>
        %dma_start3A_261 = arith.constant 0 : i32
        %dma_start3A_262 = tpu.memref_slice %arg8[%run_scoped3A_71, %dma_start3A_261] : memref<16x128xi32, #tpu.memory_space<vmem>> -> memref<1x128xi32, #tpu.memory_space<vmem>>
        %dma_start3A_263 = tpu.memref_squeeze %dma_start3A_262 : memref<1x128xi32, #tpu.memory_space<vmem>> -> memref<128xi32, #tpu.memory_space<vmem>>
        %dma_start3A_264 = arith.constant 0 : i32
        %dma_start3A_265 = arith.constant 0 : i32
        %dma_start3A_266 = tpu.memref_slice %arg11[%dma_start3A_264, %dma_start3A_265] : memref<10240x128xf32, #tpu.memory_space<vmem_shared>> -> memref<10240x128xf32, #tpu.memory_space<vmem_shared>>
        tpu.enqueue_indirect_dma source(%arg9 : memref<128x128xf32, #tpu.memory_space<vmem>>) target(%dma_start3A_266 : memref<10240x128xf32, #tpu.memory_space<vmem_shared>>) offsets(%dma_start3A_263 : memref<128xi32, #tpu.memory_space<vmem>>) semaphore(%run_scoped3A_260 : memref<!tpu.dma_semaphore, #tpu.memory_space<semaphore_mem>>) {add = true}
        %dma_wait3A_267 = arith.constant 0 : i32
        %dma_wait3A_268 = tpu.memref_slice %arg8[%run_scoped3A_71, %dma_wait3A_267] : memref<16x128xi32, #tpu.memory_space<vmem>> -> memref<1x128xi32, #tpu.memory_space<vmem>>
        %dma_wait3A_269 = tpu.memref_squeeze %dma_wait3A_268 : memref<1x128xi32, #tpu.memory_space<vmem>> -> memref<128xi32, #tpu.memory_space<vmem>>
        %dma_wait3A_270 = arith.constant 0 : i32
        %dma_wait3A_271 = arith.constant 0 : i32
        %dma_wait3A_272 = tpu.memref_slice %arg11[%dma_wait3A_270, %dma_wait3A_271] : memref<10240x128xf32, #tpu.memory_space<vmem_shared>> -> memref<10240x128xf32, #tpu.memory_space<vmem_shared>>
        tpu.wait_indirect_dma semaphore(%run_scoped3A_260 : memref<!tpu.dma_semaphore, #tpu.memory_space<semaphore_mem>>) src(%arg9 : memref<128x128xf32, #tpu.memory_space<vmem>>) dst(%dma_wait3A_272 : memref<10240x128xf32, #tpu.memory_space<vmem_shared>>)
        tpu.yield
      }) : () -> ()
      %dma_start3A_72 = arith.constant 4 : i32
      %dma_start3A_73 = arith.constant 0 : i32
      %dma_start3A_74 = tpu.memref_slice %arg7[%dma_start3A_72, %dma_start3A_73] : memref<16x128xi32, #tpu.memory_space<vmem>> -> memref<1x128xi32, #tpu.memory_space<vmem>>
      %dma_start3A_75 = tpu.memref_squeeze %dma_start3A_74 : memref<1x128xi32, #tpu.memory_space<vmem>> -> memref<128xi32, #tpu.memory_space<vmem>>
      %dma_start3A_76 = arith.constant 0 : i32
      %dma_start3A_77 = arith.constant 0 : i32
      %dma_start3A_78 = tpu.memref_slice %arg2[%dma_start3A_76, %dma_start3A_77] : memref<20480x128xf32, #tpu.memory_space<hbm>> -> memref<20480x128xf32, #tpu.memory_space<hbm>>
      tpu.enqueue_indirect_dma source(%dma_start3A_78 : memref<20480x128xf32, #tpu.memory_space<hbm>>) target(%arg9 : memref<128x128xf32, #tpu.memory_space<vmem>>) offsets(%dma_start3A_75 : memref<128xi32, #tpu.memory_space<vmem>>) semaphore(%arg12 : memref<!tpu.dma_semaphore, #tpu.memory_space<semaphore_mem>>)
      %dma_wait3A_79 = arith.constant 3 : i32
      %dma_wait3A_80 = arith.constant 0 : i32
      %dma_wait3A_81 = tpu.memref_slice %arg7[%dma_wait3A_79, %dma_wait3A_80] : memref<16x128xi32, #tpu.memory_space<vmem>> -> memref<1x128xi32, #tpu.memory_space<vmem>>
      %dma_wait3A_82 = tpu.memref_squeeze %dma_wait3A_81 : memref<1x128xi32, #tpu.memory_space<vmem>> -> memref<128xi32, #tpu.memory_space<vmem>>
      %dma_wait3A_83 = arith.constant 0 : i32
      %dma_wait3A_84 = arith.constant 0 : i32
      %dma_wait3A_85 = tpu.memref_slice %arg2[%dma_wait3A_83, %dma_wait3A_84] : memref<20480x128xf32, #tpu.memory_space<hbm>> -> memref<20480x128xf32, #tpu.memory_space<hbm>>
      tpu.wait_indirect_dma semaphore(%arg13 : memref<!tpu.dma_semaphore, #tpu.memory_space<semaphore_mem>>) src(%dma_wait3A_85 : memref<20480x128xf32, #tpu.memory_space<hbm>>) dst(%arg10 : memref<128x128xf32, #tpu.memory_space<vmem>>)
      %run_scoped3A_86 = arith.constant 3 : i32
      "tpu.region"() ({
        %run_scoped3A_260 = tpu.sem_alloc : memref<!tpu.dma_semaphore, #tpu.memory_space<semaphore_mem>>
        %dma_start3A_261 = arith.constant 0 : i32
        %dma_start3A_262 = tpu.memref_slice %arg8[%run_scoped3A_86, %dma_start3A_261] : memref<16x128xi32, #tpu.memory_space<vmem>> -> memref<1x128xi32, #tpu.memory_space<vmem>>
        %dma_start3A_263 = tpu.memref_squeeze %dma_start3A_262 : memref<1x128xi32, #tpu.memory_space<vmem>> -> memref<128xi32, #tpu.memory_space<vmem>>
        %dma_start3A_264 = arith.constant 0 : i32
        %dma_start3A_265 = arith.constant 0 : i32
        %dma_start3A_266 = tpu.memref_slice %arg11[%dma_start3A_264, %dma_start3A_265] : memref<10240x128xf32, #tpu.memory_space<vmem_shared>> -> memref<10240x128xf32, #tpu.memory_space<vmem_shared>>
        tpu.enqueue_indirect_dma source(%arg10 : memref<128x128xf32, #tpu.memory_space<vmem>>) target(%dma_start3A_266 : memref<10240x128xf32, #tpu.memory_space<vmem_shared>>) offsets(%dma_start3A_263 : memref<128xi32, #tpu.memory_space<vmem>>) semaphore(%run_scoped3A_260 : memref<!tpu.dma_semaphore, #tpu.memory_space<semaphore_mem>>) {add = true}
        %dma_wait3A_267 = arith.constant 0 : i32
        %dma_wait3A_268 = tpu.memref_slice %arg8[%run_scoped3A_86, %dma_wait3A_267] : memref<16x128xi32, #tpu.memory_space<vmem>> -> memref<1x128xi32, #tpu.memory_space<vmem>>
        %dma_wait3A_269 = tpu.memref_squeeze %dma_wait3A_268 : memref<1x128xi32, #tpu.memory_space<vmem>> -> memref<128xi32, #tpu.memory_space<vmem>>
        %dma_wait3A_270 = arith.constant 0 : i32
        %dma_wait3A_271 = arith.constant 0 : i32
        %dma_wait3A_272 = tpu.memref_slice %arg11[%dma_wait3A_270, %dma_wait3A_271] : memref<10240x128xf32, #tpu.memory_space<vmem_shared>> -> memref<10240x128xf32, #tpu.memory_space<vmem_shared>>
        tpu.wait_indirect_dma semaphore(%run_scoped3A_260 : memref<!tpu.dma_semaphore, #tpu.memory_space<semaphore_mem>>) src(%arg10 : memref<128x128xf32, #tpu.memory_space<vmem>>) dst(%dma_wait3A_272 : memref<10240x128xf32, #tpu.memory_space<vmem_shared>>)
        tpu.yield
      }) : () -> ()
      %dma_start3A_87 = arith.constant 5 : i32
      %dma_start3A_88 = arith.constant 0 : i32
      %dma_start3A_89 = tpu.memref_slice %arg7[%dma_start3A_87, %dma_start3A_88] : memref<16x128xi32, #tpu.memory_space<vmem>> -> memref<1x128xi32, #tpu.memory_space<vmem>>
      %dma_start3A_90 = tpu.memref_squeeze %dma_start3A_89 : memref<1x128xi32, #tpu.memory_space<vmem>> -> memref<128xi32, #tpu.memory_space<vmem>>
      %dma_start3A_91 = arith.constant 0 : i32
      %dma_start3A_92 = arith.constant 0 : i32
      %dma_start3A_93 = tpu.memref_slice %arg2[%dma_start3A_91, %dma_start3A_92] : memref<20480x128xf32, #tpu.memory_space<hbm>> -> memref<20480x128xf32, #tpu.memory_space<hbm>>
      tpu.enqueue_indirect_dma source(%dma_start3A_93 : memref<20480x128xf32, #tpu.memory_space<hbm>>) target(%arg10 : memref<128x128xf32, #tpu.memory_space<vmem>>) offsets(%dma_start3A_90 : memref<128xi32, #tpu.memory_space<vmem>>) semaphore(%arg13 : memref<!tpu.dma_semaphore, #tpu.memory_space<semaphore_mem>>)
      %dma_wait3A_94 = arith.constant 4 : i32
      %dma_wait3A_95 = arith.constant 0 : i32
      %dma_wait3A_96 = tpu.memref_slice %arg7[%dma_wait3A_94, %dma_wait3A_95] : memref<16x128xi32, #tpu.memory_space<vmem>> -> memref<1x128xi32, #tpu.memory_space<vmem>>
      %dma_wait3A_97 = tpu.memref_squeeze %dma_wait3A_96 : memref<1x128xi32, #tpu.memory_space<vmem>> -> memref<128xi32, #tpu.memory_space<vmem>>
      %dma_wait3A_98 = arith.constant 0 : i32
      %dma_wait3A_99 = arith.constant 0 : i32
      %dma_wait3A_100 = tpu.memref_slice %arg2[%dma_wait3A_98, %dma_wait3A_99] : memref<20480x128xf32, #tpu.memory_space<hbm>> -> memref<20480x128xf32, #tpu.memory_space<hbm>>
      tpu.wait_indirect_dma semaphore(%arg12 : memref<!tpu.dma_semaphore, #tpu.memory_space<semaphore_mem>>) src(%dma_wait3A_100 : memref<20480x128xf32, #tpu.memory_space<hbm>>) dst(%arg9 : memref<128x128xf32, #tpu.memory_space<vmem>>)
      %run_scoped3A_101 = arith.constant 4 : i32
      "tpu.region"() ({
        %run_scoped3A_260 = tpu.sem_alloc : memref<!tpu.dma_semaphore, #tpu.memory_space<semaphore_mem>>
        %dma_start3A_261 = arith.constant 0 : i32
        %dma_start3A_262 = tpu.memref_slice %arg8[%run_scoped3A_101, %dma_start3A_261] : memref<16x128xi32, #tpu.memory_space<vmem>> -> memref<1x128xi32, #tpu.memory_space<vmem>>
        %dma_start3A_263 = tpu.memref_squeeze %dma_start3A_262 : memref<1x128xi32, #tpu.memory_space<vmem>> -> memref<128xi32, #tpu.memory_space<vmem>>
        %dma_start3A_264 = arith.constant 0 : i32
        %dma_start3A_265 = arith.constant 0 : i32
        %dma_start3A_266 = tpu.memref_slice %arg11[%dma_start3A_264, %dma_start3A_265] : memref<10240x128xf32, #tpu.memory_space<vmem_shared>> -> memref<10240x128xf32, #tpu.memory_space<vmem_shared>>
        tpu.enqueue_indirect_dma source(%arg9 : memref<128x128xf32, #tpu.memory_space<vmem>>) target(%dma_start3A_266 : memref<10240x128xf32, #tpu.memory_space<vmem_shared>>) offsets(%dma_start3A_263 : memref<128xi32, #tpu.memory_space<vmem>>) semaphore(%run_scoped3A_260 : memref<!tpu.dma_semaphore, #tpu.memory_space<semaphore_mem>>) {add = true}
        %dma_wait3A_267 = arith.constant 0 : i32
        %dma_wait3A_268 = tpu.memref_slice %arg8[%run_scoped3A_101, %dma_wait3A_267] : memref<16x128xi32, #tpu.memory_space<vmem>> -> memref<1x128xi32, #tpu.memory_space<vmem>>
        %dma_wait3A_269 = tpu.memref_squeeze %dma_wait3A_268 : memref<1x128xi32, #tpu.memory_space<vmem>> -> memref<128xi32, #tpu.memory_space<vmem>>
        %dma_wait3A_270 = arith.constant 0 : i32
        %dma_wait3A_271 = arith.constant 0 : i32
        %dma_wait3A_272 = tpu.memref_slice %arg11[%dma_wait3A_270, %dma_wait3A_271] : memref<10240x128xf32, #tpu.memory_space<vmem_shared>> -> memref<10240x128xf32, #tpu.memory_space<vmem_shared>>
        tpu.wait_indirect_dma semaphore(%run_scoped3A_260 : memref<!tpu.dma_semaphore, #tpu.memory_space<semaphore_mem>>) src(%arg9 : memref<128x128xf32, #tpu.memory_space<vmem>>) dst(%dma_wait3A_272 : memref<10240x128xf32, #tpu.memory_space<vmem_shared>>)
        tpu.yield
      }) : () -> ()
      %dma_start3A_102 = arith.constant 6 : i32
      %dma_start3A_103 = arith.constant 0 : i32
      %dma_start3A_104 = tpu.memref_slice %arg7[%dma_start3A_102, %dma_start3A_103] : memref<16x128xi32, #tpu.memory_space<vmem>> -> memref<1x128xi32, #tpu.memory_space<vmem>>
      %dma_start3A_105 = tpu.memref_squeeze %dma_start3A_104 : memref<1x128xi32, #tpu.memory_space<vmem>> -> memref<128xi32, #tpu.memory_space<vmem>>
      %dma_start3A_106 = arith.constant 0 : i32
      %dma_start3A_107 = arith.constant 0 : i32
      %dma_start3A_108 = tpu.memref_slice %arg2[%dma_start3A_106, %dma_start3A_107] : memref<20480x128xf32, #tpu.memory_space<hbm>> -> memref<20480x128xf32, #tpu.memory_space<hbm>>
      tpu.enqueue_indirect_dma source(%dma_start3A_108 : memref<20480x128xf32, #tpu.memory_space<hbm>>) target(%arg9 : memref<128x128xf32, #tpu.memory_space<vmem>>) offsets(%dma_start3A_105 : memref<128xi32, #tpu.memory_space<vmem>>) semaphore(%arg12 : memref<!tpu.dma_semaphore, #tpu.memory_space<semaphore_mem>>)
      %dma_wait3A_109 = arith.constant 5 : i32
      %dma_wait3A_110 = arith.constant 0 : i32
      %dma_wait3A_111 = tpu.memref_slice %arg7[%dma_wait3A_109, %dma_wait3A_110] : memref<16x128xi32, #tpu.memory_space<vmem>> -> memref<1x128xi32, #tpu.memory_space<vmem>>
      %dma_wait3A_112 = tpu.memref_squeeze %dma_wait3A_111 : memref<1x128xi32, #tpu.memory_space<vmem>> -> memref<128xi32, #tpu.memory_space<vmem>>
      %dma_wait3A_113 = arith.constant 0 : i32
      %dma_wait3A_114 = arith.constant 0 : i32
      %dma_wait3A_115 = tpu.memref_slice %arg2[%dma_wait3A_113, %dma_wait3A_114] : memref<20480x128xf32, #tpu.memory_space<hbm>> -> memref<20480x128xf32, #tpu.memory_space<hbm>>
      tpu.wait_indirect_dma semaphore(%arg13 : memref<!tpu.dma_semaphore, #tpu.memory_space<semaphore_mem>>) src(%dma_wait3A_115 : memref<20480x128xf32, #tpu.memory_space<hbm>>) dst(%arg10 : memref<128x128xf32, #tpu.memory_space<vmem>>)
      %run_scoped3A_116 = arith.constant 5 : i32
      "tpu.region"() ({
        %run_scoped3A_260 = tpu.sem_alloc : memref<!tpu.dma_semaphore, #tpu.memory_space<semaphore_mem>>
        %dma_start3A_261 = arith.constant 0 : i32
        %dma_start3A_262 = tpu.memref_slice %arg8[%run_scoped3A_116, %dma_start3A_261] : memref<16x128xi32, #tpu.memory_space<vmem>> -> memref<1x128xi32, #tpu.memory_space<vmem>>
        %dma_start3A_263 = tpu.memref_squeeze %dma_start3A_262 : memref<1x128xi32, #tpu.memory_space<vmem>> -> memref<128xi32, #tpu.memory_space<vmem>>
        %dma_start3A_264 = arith.constant 0 : i32
        %dma_start3A_265 = arith.constant 0 : i32
        %dma_start3A_266 = tpu.memref_slice %arg11[%dma_start3A_264, %dma_start3A_265] : memref<10240x128xf32, #tpu.memory_space<vmem_shared>> -> memref<10240x128xf32, #tpu.memory_space<vmem_shared>>
        tpu.enqueue_indirect_dma source(%arg10 : memref<128x128xf32, #tpu.memory_space<vmem>>) target(%dma_start3A_266 : memref<10240x128xf32, #tpu.memory_space<vmem_shared>>) offsets(%dma_start3A_263 : memref<128xi32, #tpu.memory_space<vmem>>) semaphore(%run_scoped3A_260 : memref<!tpu.dma_semaphore, #tpu.memory_space<semaphore_mem>>) {add = true}
        %dma_wait3A_267 = arith.constant 0 : i32
        %dma_wait3A_268 = tpu.memref_slice %arg8[%run_scoped3A_116, %dma_wait3A_267] : memref<16x128xi32, #tpu.memory_space<vmem>> -> memref<1x128xi32, #tpu.memory_space<vmem>>
        %dma_wait3A_269 = tpu.memref_squeeze %dma_wait3A_268 : memref<1x128xi32, #tpu.memory_space<vmem>> -> memref<128xi32, #tpu.memory_space<vmem>>
        %dma_wait3A_270 = arith.constant 0 : i32
        %dma_wait3A_271 = arith.constant 0 : i32
        %dma_wait3A_272 = tpu.memref_slice %arg11[%dma_wait3A_270, %dma_wait3A_271] : memref<10240x128xf32, #tpu.memory_space<vmem_shared>> -> memref<10240x128xf32, #tpu.memory_space<vmem_shared>>
        tpu.wait_indirect_dma semaphore(%run_scoped3A_260 : memref<!tpu.dma_semaphore, #tpu.memory_space<semaphore_mem>>) src(%arg10 : memref<128x128xf32, #tpu.memory_space<vmem>>) dst(%dma_wait3A_272 : memref<10240x128xf32, #tpu.memory_space<vmem_shared>>)
        tpu.yield
      }) : () -> ()
      %dma_start3A_117 = arith.constant 7 : i32
      %dma_start3A_118 = arith.constant 0 : i32
      %dma_start3A_119 = tpu.memref_slice %arg7[%dma_start3A_117, %dma_start3A_118] : memref<16x128xi32, #tpu.memory_space<vmem>> -> memref<1x128xi32, #tpu.memory_space<vmem>>
      %dma_start3A_120 = tpu.memref_squeeze %dma_start3A_119 : memref<1x128xi32, #tpu.memory_space<vmem>> -> memref<128xi32, #tpu.memory_space<vmem>>
      %dma_start3A_121 = arith.constant 0 : i32
      %dma_start3A_122 = arith.constant 0 : i32
      %dma_start3A_123 = tpu.memref_slice %arg2[%dma_start3A_121, %dma_start3A_122] : memref<20480x128xf32, #tpu.memory_space<hbm>> -> memref<20480x128xf32, #tpu.memory_space<hbm>>
      tpu.enqueue_indirect_dma source(%dma_start3A_123 : memref<20480x128xf32, #tpu.memory_space<hbm>>) target(%arg10 : memref<128x128xf32, #tpu.memory_space<vmem>>) offsets(%dma_start3A_120 : memref<128xi32, #tpu.memory_space<vmem>>) semaphore(%arg13 : memref<!tpu.dma_semaphore, #tpu.memory_space<semaphore_mem>>)
      %dma_wait3A_124 = arith.constant 6 : i32
      %dma_wait3A_125 = arith.constant 0 : i32
      %dma_wait3A_126 = tpu.memref_slice %arg7[%dma_wait3A_124, %dma_wait3A_125] : memref<16x128xi32, #tpu.memory_space<vmem>> -> memref<1x128xi32, #tpu.memory_space<vmem>>
      %dma_wait3A_127 = tpu.memref_squeeze %dma_wait3A_126 : memref<1x128xi32, #tpu.memory_space<vmem>> -> memref<128xi32, #tpu.memory_space<vmem>>
      %dma_wait3A_128 = arith.constant 0 : i32
      %dma_wait3A_129 = arith.constant 0 : i32
      %dma_wait3A_130 = tpu.memref_slice %arg2[%dma_wait3A_128, %dma_wait3A_129] : memref<20480x128xf32, #tpu.memory_space<hbm>> -> memref<20480x128xf32, #tpu.memory_space<hbm>>
      tpu.wait_indirect_dma semaphore(%arg12 : memref<!tpu.dma_semaphore, #tpu.memory_space<semaphore_mem>>) src(%dma_wait3A_130 : memref<20480x128xf32, #tpu.memory_space<hbm>>) dst(%arg9 : memref<128x128xf32, #tpu.memory_space<vmem>>)
      %run_scoped3A_131 = arith.constant 6 : i32
      "tpu.region"() ({
        %run_scoped3A_260 = tpu.sem_alloc : memref<!tpu.dma_semaphore, #tpu.memory_space<semaphore_mem>>
        %dma_start3A_261 = arith.constant 0 : i32
        %dma_start3A_262 = tpu.memref_slice %arg8[%run_scoped3A_131, %dma_start3A_261] : memref<16x128xi32, #tpu.memory_space<vmem>> -> memref<1x128xi32, #tpu.memory_space<vmem>>
        %dma_start3A_263 = tpu.memref_squeeze %dma_start3A_262 : memref<1x128xi32, #tpu.memory_space<vmem>> -> memref<128xi32, #tpu.memory_space<vmem>>
        %dma_start3A_264 = arith.constant 0 : i32
        %dma_start3A_265 = arith.constant 0 : i32
        %dma_start3A_266 = tpu.memref_slice %arg11[%dma_start3A_264, %dma_start3A_265] : memref<10240x128xf32, #tpu.memory_space<vmem_shared>> -> memref<10240x128xf32, #tpu.memory_space<vmem_shared>>
        tpu.enqueue_indirect_dma source(%arg9 : memref<128x128xf32, #tpu.memory_space<vmem>>) target(%dma_start3A_266 : memref<10240x128xf32, #tpu.memory_space<vmem_shared>>) offsets(%dma_start3A_263 : memref<128xi32, #tpu.memory_space<vmem>>) semaphore(%run_scoped3A_260 : memref<!tpu.dma_semaphore, #tpu.memory_space<semaphore_mem>>) {add = true}
        %dma_wait3A_267 = arith.constant 0 : i32
        %dma_wait3A_268 = tpu.memref_slice %arg8[%run_scoped3A_131, %dma_wait3A_267] : memref<16x128xi32, #tpu.memory_space<vmem>> -> memref<1x128xi32, #tpu.memory_space<vmem>>
        %dma_wait3A_269 = tpu.memref_squeeze %dma_wait3A_268 : memref<1x128xi32, #tpu.memory_space<vmem>> -> memref<128xi32, #tpu.memory_space<vmem>>
        %dma_wait3A_270 = arith.constant 0 : i32
        %dma_wait3A_271 = arith.constant 0 : i32
        %dma_wait3A_272 = tpu.memref_slice %arg11[%dma_wait3A_270, %dma_wait3A_271] : memref<10240x128xf32, #tpu.memory_space<vmem_shared>> -> memref<10240x128xf32, #tpu.memory_space<vmem_shared>>
        tpu.wait_indirect_dma semaphore(%run_scoped3A_260 : memref<!tpu.dma_semaphore, #tpu.memory_space<semaphore_mem>>) src(%arg9 : memref<128x128xf32, #tpu.memory_space<vmem>>) dst(%dma_wait3A_272 : memref<10240x128xf32, #tpu.memory_space<vmem_shared>>)
        tpu.yield
      }) : () -> ()
      %dma_start3A_132 = arith.constant 8 : i32
      %dma_start3A_133 = arith.constant 0 : i32
      %dma_start3A_134 = tpu.memref_slice %arg7[%dma_start3A_132, %dma_start3A_133] : memref<16x128xi32, #tpu.memory_space<vmem>> -> memref<1x128xi32, #tpu.memory_space<vmem>>
      %dma_start3A_135 = tpu.memref_squeeze %dma_start3A_134 : memref<1x128xi32, #tpu.memory_space<vmem>> -> memref<128xi32, #tpu.memory_space<vmem>>
      %dma_start3A_136 = arith.constant 0 : i32
      %dma_start3A_137 = arith.constant 0 : i32
      %dma_start3A_138 = tpu.memref_slice %arg2[%dma_start3A_136, %dma_start3A_137] : memref<20480x128xf32, #tpu.memory_space<hbm>> -> memref<20480x128xf32, #tpu.memory_space<hbm>>
      tpu.enqueue_indirect_dma source(%dma_start3A_138 : memref<20480x128xf32, #tpu.memory_space<hbm>>) target(%arg9 : memref<128x128xf32, #tpu.memory_space<vmem>>) offsets(%dma_start3A_135 : memref<128xi32, #tpu.memory_space<vmem>>) semaphore(%arg12 : memref<!tpu.dma_semaphore, #tpu.memory_space<semaphore_mem>>)
      %dma_wait3A_139 = arith.constant 7 : i32
      %dma_wait3A_140 = arith.constant 0 : i32
      %dma_wait3A_141 = tpu.memref_slice %arg7[%dma_wait3A_139, %dma_wait3A_140] : memref<16x128xi32, #tpu.memory_space<vmem>> -> memref<1x128xi32, #tpu.memory_space<vmem>>
      %dma_wait3A_142 = tpu.memref_squeeze %dma_wait3A_141 : memref<1x128xi32, #tpu.memory_space<vmem>> -> memref<128xi32, #tpu.memory_space<vmem>>
      %dma_wait3A_143 = arith.constant 0 : i32
      %dma_wait3A_144 = arith.constant 0 : i32
      %dma_wait3A_145 = tpu.memref_slice %arg2[%dma_wait3A_143, %dma_wait3A_144] : memref<20480x128xf32, #tpu.memory_space<hbm>> -> memref<20480x128xf32, #tpu.memory_space<hbm>>
      tpu.wait_indirect_dma semaphore(%arg13 : memref<!tpu.dma_semaphore, #tpu.memory_space<semaphore_mem>>) src(%dma_wait3A_145 : memref<20480x128xf32, #tpu.memory_space<hbm>>) dst(%arg10 : memref<128x128xf32, #tpu.memory_space<vmem>>)
      %run_scoped3A_146 = arith.constant 7 : i32
      "tpu.region"() ({
        %run_scoped3A_260 = tpu.sem_alloc : memref<!tpu.dma_semaphore, #tpu.memory_space<semaphore_mem>>
        %dma_start3A_261 = arith.constant 0 : i32
        %dma_start3A_262 = tpu.memref_slice %arg8[%run_scoped3A_146, %dma_start3A_261] : memref<16x128xi32, #tpu.memory_space<vmem>> -> memref<1x128xi32, #tpu.memory_space<vmem>>
        %dma_start3A_263 = tpu.memref_squeeze %dma_start3A_262 : memref<1x128xi32, #tpu.memory_space<vmem>> -> memref<128xi32, #tpu.memory_space<vmem>>
        %dma_start3A_264 = arith.constant 0 : i32
        %dma_start3A_265 = arith.constant 0 : i32
        %dma_start3A_266 = tpu.memref_slice %arg11[%dma_start3A_264, %dma_start3A_265] : memref<10240x128xf32, #tpu.memory_space<vmem_shared>> -> memref<10240x128xf32, #tpu.memory_space<vmem_shared>>
        tpu.enqueue_indirect_dma source(%arg10 : memref<128x128xf32, #tpu.memory_space<vmem>>) target(%dma_start3A_266 : memref<10240x128xf32, #tpu.memory_space<vmem_shared>>) offsets(%dma_start3A_263 : memref<128xi32, #tpu.memory_space<vmem>>) semaphore(%run_scoped3A_260 : memref<!tpu.dma_semaphore, #tpu.memory_space<semaphore_mem>>) {add = true}
        %dma_wait3A_267 = arith.constant 0 : i32
        %dma_wait3A_268 = tpu.memref_slice %arg8[%run_scoped3A_146, %dma_wait3A_267] : memref<16x128xi32, #tpu.memory_space<vmem>> -> memref<1x128xi32, #tpu.memory_space<vmem>>
        %dma_wait3A_269 = tpu.memref_squeeze %dma_wait3A_268 : memref<1x128xi32, #tpu.memory_space<vmem>> -> memref<128xi32, #tpu.memory_space<vmem>>
        %dma_wait3A_270 = arith.constant 0 : i32
        %dma_wait3A_271 = arith.constant 0 : i32
        %dma_wait3A_272 = tpu.memref_slice %arg11[%dma_wait3A_270, %dma_wait3A_271] : memref<10240x128xf32, #tpu.memory_space<vmem_shared>> -> memref<10240x128xf32, #tpu.memory_space<vmem_shared>>
        tpu.wait_indirect_dma semaphore(%run_scoped3A_260 : memref<!tpu.dma_semaphore, #tpu.memory_space<semaphore_mem>>) src(%arg10 : memref<128x128xf32, #tpu.memory_space<vmem>>) dst(%dma_wait3A_272 : memref<10240x128xf32, #tpu.memory_space<vmem_shared>>)
        tpu.yield
      }) : () -> ()
      %dma_start3A_147 = arith.constant 9 : i32
      %dma_start3A_148 = arith.constant 0 : i32
      %dma_start3A_149 = tpu.memref_slice %arg7[%dma_start3A_147, %dma_start3A_148] : memref<16x128xi32, #tpu.memory_space<vmem>> -> memref<1x128xi32, #tpu.memory_space<vmem>>
      %dma_start3A_150 = tpu.memref_squeeze %dma_start3A_149 : memref<1x128xi32, #tpu.memory_space<vmem>> -> memref<128xi32, #tpu.memory_space<vmem>>
      %dma_start3A_151 = arith.constant 0 : i32
      %dma_start3A_152 = arith.constant 0 : i32
      %dma_start3A_153 = tpu.memref_slice %arg2[%dma_start3A_151, %dma_start3A_152] : memref<20480x128xf32, #tpu.memory_space<hbm>> -> memref<20480x128xf32, #tpu.memory_space<hbm>>
      tpu.enqueue_indirect_dma source(%dma_start3A_153 : memref<20480x128xf32, #tpu.memory_space<hbm>>) target(%arg10 : memref<128x128xf32, #tpu.memory_space<vmem>>) offsets(%dma_start3A_150 : memref<128xi32, #tpu.memory_space<vmem>>) semaphore(%arg13 : memref<!tpu.dma_semaphore, #tpu.memory_space<semaphore_mem>>)
      %dma_wait3A_154 = arith.constant 8 : i32
      %dma_wait3A_155 = arith.constant 0 : i32
      %dma_wait3A_156 = tpu.memref_slice %arg7[%dma_wait3A_154, %dma_wait3A_155] : memref<16x128xi32, #tpu.memory_space<vmem>> -> memref<1x128xi32, #tpu.memory_space<vmem>>
      %dma_wait3A_157 = tpu.memref_squeeze %dma_wait3A_156 : memref<1x128xi32, #tpu.memory_space<vmem>> -> memref<128xi32, #tpu.memory_space<vmem>>
      %dma_wait3A_158 = arith.constant 0 : i32
      %dma_wait3A_159 = arith.constant 0 : i32
      %dma_wait3A_160 = tpu.memref_slice %arg2[%dma_wait3A_158, %dma_wait3A_159] : memref<20480x128xf32, #tpu.memory_space<hbm>> -> memref<20480x128xf32, #tpu.memory_space<hbm>>
      tpu.wait_indirect_dma semaphore(%arg12 : memref<!tpu.dma_semaphore, #tpu.memory_space<semaphore_mem>>) src(%dma_wait3A_160 : memref<20480x128xf32, #tpu.memory_space<hbm>>) dst(%arg9 : memref<128x128xf32, #tpu.memory_space<vmem>>)
      %run_scoped3A_161 = arith.constant 8 : i32
      "tpu.region"() ({
        %run_scoped3A_260 = tpu.sem_alloc : memref<!tpu.dma_semaphore, #tpu.memory_space<semaphore_mem>>
        %dma_start3A_261 = arith.constant 0 : i32
        %dma_start3A_262 = tpu.memref_slice %arg8[%run_scoped3A_161, %dma_start3A_261] : memref<16x128xi32, #tpu.memory_space<vmem>> -> memref<1x128xi32, #tpu.memory_space<vmem>>
        %dma_start3A_263 = tpu.memref_squeeze %dma_start3A_262 : memref<1x128xi32, #tpu.memory_space<vmem>> -> memref<128xi32, #tpu.memory_space<vmem>>
        %dma_start3A_264 = arith.constant 0 : i32
        %dma_start3A_265 = arith.constant 0 : i32
        %dma_start3A_266 = tpu.memref_slice %arg11[%dma_start3A_264, %dma_start3A_265] : memref<10240x128xf32, #tpu.memory_space<vmem_shared>> -> memref<10240x128xf32, #tpu.memory_space<vmem_shared>>
        tpu.enqueue_indirect_dma source(%arg9 : memref<128x128xf32, #tpu.memory_space<vmem>>) target(%dma_start3A_266 : memref<10240x128xf32, #tpu.memory_space<vmem_shared>>) offsets(%dma_start3A_263 : memref<128xi32, #tpu.memory_space<vmem>>) semaphore(%run_scoped3A_260 : memref<!tpu.dma_semaphore, #tpu.memory_space<semaphore_mem>>) {add = true}
        %dma_wait3A_267 = arith.constant 0 : i32
        %dma_wait3A_268 = tpu.memref_slice %arg8[%run_scoped3A_161, %dma_wait3A_267] : memref<16x128xi32, #tpu.memory_space<vmem>> -> memref<1x128xi32, #tpu.memory_space<vmem>>
        %dma_wait3A_269 = tpu.memref_squeeze %dma_wait3A_268 : memref<1x128xi32, #tpu.memory_space<vmem>> -> memref<128xi32, #tpu.memory_space<vmem>>
        %dma_wait3A_270 = arith.constant 0 : i32
        %dma_wait3A_271 = arith.constant 0 : i32
        %dma_wait3A_272 = tpu.memref_slice %arg11[%dma_wait3A_270, %dma_wait3A_271] : memref<10240x128xf32, #tpu.memory_space<vmem_shared>> -> memref<10240x128xf32, #tpu.memory_space<vmem_shared>>
        tpu.wait_indirect_dma semaphore(%run_scoped3A_260 : memref<!tpu.dma_semaphore, #tpu.memory_space<semaphore_mem>>) src(%arg9 : memref<128x128xf32, #tpu.memory_space<vmem>>) dst(%dma_wait3A_272 : memref<10240x128xf32, #tpu.memory_space<vmem_shared>>)
        tpu.yield
      }) : () -> ()
      %dma_start3A_162 = arith.constant 10 : i32
      %dma_start3A_163 = arith.constant 0 : i32
      %dma_start3A_164 = tpu.memref_slice %arg7[%dma_start3A_162, %dma_start3A_163] : memref<16x128xi32, #tpu.memory_space<vmem>> -> memref<1x128xi32, #tpu.memory_space<vmem>>
      %dma_start3A_165 = tpu.memref_squeeze %dma_start3A_164 : memref<1x128xi32, #tpu.memory_space<vmem>> -> memref<128xi32, #tpu.memory_space<vmem>>
      %dma_start3A_166 = arith.constant 0 : i32
      %dma_start3A_167 = arith.constant 0 : i32
      %dma_start3A_168 = tpu.memref_slice %arg2[%dma_start3A_166, %dma_start3A_167] : memref<20480x128xf32, #tpu.memory_space<hbm>> -> memref<20480x128xf32, #tpu.memory_space<hbm>>
      tpu.enqueue_indirect_dma source(%dma_start3A_168 : memref<20480x128xf32, #tpu.memory_space<hbm>>) target(%arg9 : memref<128x128xf32, #tpu.memory_space<vmem>>) offsets(%dma_start3A_165 : memref<128xi32, #tpu.memory_space<vmem>>) semaphore(%arg12 : memref<!tpu.dma_semaphore, #tpu.memory_space<semaphore_mem>>)
      %dma_wait3A_169 = arith.constant 9 : i32
      %dma_wait3A_170 = arith.constant 0 : i32
      %dma_wait3A_171 = tpu.memref_slice %arg7[%dma_wait3A_169, %dma_wait3A_170] : memref<16x128xi32, #tpu.memory_space<vmem>> -> memref<1x128xi32, #tpu.memory_space<vmem>>
      %dma_wait3A_172 = tpu.memref_squeeze %dma_wait3A_171 : memref<1x128xi32, #tpu.memory_space<vmem>> -> memref<128xi32, #tpu.memory_space<vmem>>
      %dma_wait3A_173 = arith.constant 0 : i32
      %dma_wait3A_174 = arith.constant 0 : i32
      %dma_wait3A_175 = tpu.memref_slice %arg2[%dma_wait3A_173, %dma_wait3A_174] : memref<20480x128xf32, #tpu.memory_space<hbm>> -> memref<20480x128xf32, #tpu.memory_space<hbm>>
      tpu.wait_indirect_dma semaphore(%arg13 : memref<!tpu.dma_semaphore, #tpu.memory_space<semaphore_mem>>) src(%dma_wait3A_175 : memref<20480x128xf32, #tpu.memory_space<hbm>>) dst(%arg10 : memref<128x128xf32, #tpu.memory_space<vmem>>)
      %run_scoped3A_176 = arith.constant 9 : i32
      "tpu.region"() ({
        %run_scoped3A_260 = tpu.sem_alloc : memref<!tpu.dma_semaphore, #tpu.memory_space<semaphore_mem>>
        %dma_start3A_261 = arith.constant 0 : i32
        %dma_start3A_262 = tpu.memref_slice %arg8[%run_scoped3A_176, %dma_start3A_261] : memref<16x128xi32, #tpu.memory_space<vmem>> -> memref<1x128xi32, #tpu.memory_space<vmem>>
        %dma_start3A_263 = tpu.memref_squeeze %dma_start3A_262 : memref<1x128xi32, #tpu.memory_space<vmem>> -> memref<128xi32, #tpu.memory_space<vmem>>
        %dma_start3A_264 = arith.constant 0 : i32
        %dma_start3A_265 = arith.constant 0 : i32
        %dma_start3A_266 = tpu.memref_slice %arg11[%dma_start3A_264, %dma_start3A_265] : memref<10240x128xf32, #tpu.memory_space<vmem_shared>> -> memref<10240x128xf32, #tpu.memory_space<vmem_shared>>
        tpu.enqueue_indirect_dma source(%arg10 : memref<128x128xf32, #tpu.memory_space<vmem>>) target(%dma_start3A_266 : memref<10240x128xf32, #tpu.memory_space<vmem_shared>>) offsets(%dma_start3A_263 : memref<128xi32, #tpu.memory_space<vmem>>) semaphore(%run_scoped3A_260 : memref<!tpu.dma_semaphore, #tpu.memory_space<semaphore_mem>>) {add = true}
        %dma_wait3A_267 = arith.constant 0 : i32
        %dma_wait3A_268 = tpu.memref_slice %arg8[%run_scoped3A_176, %dma_wait3A_267] : memref<16x128xi32, #tpu.memory_space<vmem>> -> memref<1x128xi32, #tpu.memory_space<vmem>>
        %dma_wait3A_269 = tpu.memref_squeeze %dma_wait3A_268 : memref<1x128xi32, #tpu.memory_space<vmem>> -> memref<128xi32, #tpu.memory_space<vmem>>
        %dma_wait3A_270 = arith.constant 0 : i32
        %dma_wait3A_271 = arith.constant 0 : i32
        %dma_wait3A_272 = tpu.memref_slice %arg11[%dma_wait3A_270, %dma_wait3A_271] : memref<10240x128xf32, #tpu.memory_space<vmem_shared>> -> memref<10240x128xf32, #tpu.memory_space<vmem_shared>>
        tpu.wait_indirect_dma semaphore(%run_scoped3A_260 : memref<!tpu.dma_semaphore, #tpu.memory_space<semaphore_mem>>) src(%arg10 : memref<128x128xf32, #tpu.memory_space<vmem>>) dst(%dma_wait3A_272 : memref<10240x128xf32, #tpu.memory_space<vmem_shared>>)
        tpu.yield
      }) : () -> ()
      %dma_start3A_177 = arith.constant 11 : i32
      %dma_start3A_178 = arith.constant 0 : i32
      %dma_start3A_179 = tpu.memref_slice %arg7[%dma_start3A_177, %dma_start3A_178] : memref<16x128xi32, #tpu.memory_space<vmem>> -> memref<1x128xi32, #tpu.memory_space<vmem>>
      %dma_start3A_180 = tpu.memref_squeeze %dma_start3A_179 : memref<1x128xi32, #tpu.memory_space<vmem>> -> memref<128xi32, #tpu.memory_space<vmem>>
      %dma_start3A_181 = arith.constant 0 : i32
      %dma_start3A_182 = arith.constant 0 : i32
      %dma_start3A_183 = tpu.memref_slice %arg2[%dma_start3A_181, %dma_start3A_182] : memref<20480x128xf32, #tpu.memory_space<hbm>> -> memref<20480x128xf32, #tpu.memory_space<hbm>>
      tpu.enqueue_indirect_dma source(%dma_start3A_183 : memref<20480x128xf32, #tpu.memory_space<hbm>>) target(%arg10 : memref<128x128xf32, #tpu.memory_space<vmem>>) offsets(%dma_start3A_180 : memref<128xi32, #tpu.memory_space<vmem>>) semaphore(%arg13 : memref<!tpu.dma_semaphore, #tpu.memory_space<semaphore_mem>>)
      %dma_wait3A_184 = arith.constant 10 : i32
      %dma_wait3A_185 = arith.constant 0 : i32
      %dma_wait3A_186 = tpu.memref_slice %arg7[%dma_wait3A_184, %dma_wait3A_185] : memref<16x128xi32, #tpu.memory_space<vmem>> -> memref<1x128xi32, #tpu.memory_space<vmem>>
      %dma_wait3A_187 = tpu.memref_squeeze %dma_wait3A_186 : memref<1x128xi32, #tpu.memory_space<vmem>> -> memref<128xi32, #tpu.memory_space<vmem>>
      %dma_wait3A_188 = arith.constant 0 : i32
      %dma_wait3A_189 = arith.constant 0 : i32
      %dma_wait3A_190 = tpu.memref_slice %arg2[%dma_wait3A_188, %dma_wait3A_189] : memref<20480x128xf32, #tpu.memory_space<hbm>> -> memref<20480x128xf32, #tpu.memory_space<hbm>>
      tpu.wait_indirect_dma semaphore(%arg12 : memref<!tpu.dma_semaphore, #tpu.memory_space<semaphore_mem>>) src(%dma_wait3A_190 : memref<20480x128xf32, #tpu.memory_space<hbm>>) dst(%arg9 : memref<128x128xf32, #tpu.memory_space<vmem>>)
      %run_scoped3A_191 = arith.constant 10 : i32
      "tpu.region"() ({
        %run_scoped3A_260 = tpu.sem_alloc : memref<!tpu.dma_semaphore, #tpu.memory_space<semaphore_mem>>
        %dma_start3A_261 = arith.constant 0 : i32
        %dma_start3A_262 = tpu.memref_slice %arg8[%run_scoped3A_191, %dma_start3A_261] : memref<16x128xi32, #tpu.memory_space<vmem>> -> memref<1x128xi32, #tpu.memory_space<vmem>>
        %dma_start3A_263 = tpu.memref_squeeze %dma_start3A_262 : memref<1x128xi32, #tpu.memory_space<vmem>> -> memref<128xi32, #tpu.memory_space<vmem>>
        %dma_start3A_264 = arith.constant 0 : i32
        %dma_start3A_265 = arith.constant 0 : i32
        %dma_start3A_266 = tpu.memref_slice %arg11[%dma_start3A_264, %dma_start3A_265] : memref<10240x128xf32, #tpu.memory_space<vmem_shared>> -> memref<10240x128xf32, #tpu.memory_space<vmem_shared>>
        tpu.enqueue_indirect_dma source(%arg9 : memref<128x128xf32, #tpu.memory_space<vmem>>) target(%dma_start3A_266 : memref<10240x128xf32, #tpu.memory_space<vmem_shared>>) offsets(%dma_start3A_263 : memref<128xi32, #tpu.memory_space<vmem>>) semaphore(%run_scoped3A_260 : memref<!tpu.dma_semaphore, #tpu.memory_space<semaphore_mem>>) {add = true}
        %dma_wait3A_267 = arith.constant 0 : i32
        %dma_wait3A_268 = tpu.memref_slice %arg8[%run_scoped3A_191, %dma_wait3A_267] : memref<16x128xi32, #tpu.memory_space<vmem>> -> memref<1x128xi32, #tpu.memory_space<vmem>>
        %dma_wait3A_269 = tpu.memref_squeeze %dma_wait3A_268 : memref<1x128xi32, #tpu.memory_space<vmem>> -> memref<128xi32, #tpu.memory_space<vmem>>
        %dma_wait3A_270 = arith.constant 0 : i32
        %dma_wait3A_271 = arith.constant 0 : i32
        %dma_wait3A_272 = tpu.memref_slice %arg11[%dma_wait3A_270, %dma_wait3A_271] : memref<10240x128xf32, #tpu.memory_space<vmem_shared>> -> memref<10240x128xf32, #tpu.memory_space<vmem_shared>>
        tpu.wait_indirect_dma semaphore(%run_scoped3A_260 : memref<!tpu.dma_semaphore, #tpu.memory_space<semaphore_mem>>) src(%arg9 : memref<128x128xf32, #tpu.memory_space<vmem>>) dst(%dma_wait3A_272 : memref<10240x128xf32, #tpu.memory_space<vmem_shared>>)
        tpu.yield
      }) : () -> ()
      %dma_start3A_192 = arith.constant 12 : i32
      %dma_start3A_193 = arith.constant 0 : i32
      %dma_start3A_194 = tpu.memref_slice %arg7[%dma_start3A_192, %dma_start3A_193] : memref<16x128xi32, #tpu.memory_space<vmem>> -> memref<1x128xi32, #tpu.memory_space<vmem>>
      %dma_start3A_195 = tpu.memref_squeeze %dma_start3A_194 : memref<1x128xi32, #tpu.memory_space<vmem>> -> memref<128xi32, #tpu.memory_space<vmem>>
      %dma_start3A_196 = arith.constant 0 : i32
      %dma_start3A_197 = arith.constant 0 : i32
      %dma_start3A_198 = tpu.memref_slice %arg2[%dma_start3A_196, %dma_start3A_197] : memref<20480x128xf32, #tpu.memory_space<hbm>> -> memref<20480x128xf32, #tpu.memory_space<hbm>>
      tpu.enqueue_indirect_dma source(%dma_start3A_198 : memref<20480x128xf32, #tpu.memory_space<hbm>>) target(%arg9 : memref<128x128xf32, #tpu.memory_space<vmem>>) offsets(%dma_start3A_195 : memref<128xi32, #tpu.memory_space<vmem>>) semaphore(%arg12 : memref<!tpu.dma_semaphore, #tpu.memory_space<semaphore_mem>>)
      %dma_wait3A_199 = arith.constant 11 : i32
      %dma_wait3A_200 = arith.constant 0 : i32
      %dma_wait3A_201 = tpu.memref_slice %arg7[%dma_wait3A_199, %dma_wait3A_200] : memref<16x128xi32, #tpu.memory_space<vmem>> -> memref<1x128xi32, #tpu.memory_space<vmem>>
      %dma_wait3A_202 = tpu.memref_squeeze %dma_wait3A_201 : memref<1x128xi32, #tpu.memory_space<vmem>> -> memref<128xi32, #tpu.memory_space<vmem>>
      %dma_wait3A_203 = arith.constant 0 : i32
      %dma_wait3A_204 = arith.constant 0 : i32
      %dma_wait3A_205 = tpu.memref_slice %arg2[%dma_wait3A_203, %dma_wait3A_204] : memref<20480x128xf32, #tpu.memory_space<hbm>> -> memref<20480x128xf32, #tpu.memory_space<hbm>>
      tpu.wait_indirect_dma semaphore(%arg13 : memref<!tpu.dma_semaphore, #tpu.memory_space<semaphore_mem>>) src(%dma_wait3A_205 : memref<20480x128xf32, #tpu.memory_space<hbm>>) dst(%arg10 : memref<128x128xf32, #tpu.memory_space<vmem>>)
      %run_scoped3A_206 = arith.constant 11 : i32
      "tpu.region"() ({
        %run_scoped3A_260 = tpu.sem_alloc : memref<!tpu.dma_semaphore, #tpu.memory_space<semaphore_mem>>
        %dma_start3A_261 = arith.constant 0 : i32
        %dma_start3A_262 = tpu.memref_slice %arg8[%run_scoped3A_206, %dma_start3A_261] : memref<16x128xi32, #tpu.memory_space<vmem>> -> memref<1x128xi32, #tpu.memory_space<vmem>>
        %dma_start3A_263 = tpu.memref_squeeze %dma_start3A_262 : memref<1x128xi32, #tpu.memory_space<vmem>> -> memref<128xi32, #tpu.memory_space<vmem>>
        %dma_start3A_264 = arith.constant 0 : i32
        %dma_start3A_265 = arith.constant 0 : i32
        %dma_start3A_266 = tpu.memref_slice %arg11[%dma_start3A_264, %dma_start3A_265] : memref<10240x128xf32, #tpu.memory_space<vmem_shared>> -> memref<10240x128xf32, #tpu.memory_space<vmem_shared>>
        tpu.enqueue_indirect_dma source(%arg10 : memref<128x128xf32, #tpu.memory_space<vmem>>) target(%dma_start3A_266 : memref<10240x128xf32, #tpu.memory_space<vmem_shared>>) offsets(%dma_start3A_263 : memref<128xi32, #tpu.memory_space<vmem>>) semaphore(%run_scoped3A_260 : memref<!tpu.dma_semaphore, #tpu.memory_space<semaphore_mem>>) {add = true}
        %dma_wait3A_267 = arith.constant 0 : i32
        %dma_wait3A_268 = tpu.memref_slice %arg8[%run_scoped3A_206, %dma_wait3A_267] : memref<16x128xi32, #tpu.memory_space<vmem>> -> memref<1x128xi32, #tpu.memory_space<vmem>>
        %dma_wait3A_269 = tpu.memref_squeeze %dma_wait3A_268 : memref<1x128xi32, #tpu.memory_space<vmem>> -> memref<128xi32, #tpu.memory_space<vmem>>
        %dma_wait3A_270 = arith.constant 0 : i32
        %dma_wait3A_271 = arith.constant 0 : i32
        %dma_wait3A_272 = tpu.memref_slice %arg11[%dma_wait3A_270, %dma_wait3A_271] : memref<10240x128xf32, #tpu.memory_space<vmem_shared>> -> memref<10240x128xf32, #tpu.memory_space<vmem_shared>>
        tpu.wait_indirect_dma semaphore(%run_scoped3A_260 : memref<!tpu.dma_semaphore, #tpu.memory_space<semaphore_mem>>) src(%arg10 : memref<128x128xf32, #tpu.memory_space<vmem>>) dst(%dma_wait3A_272 : memref<10240x128xf32, #tpu.memory_space<vmem_shared>>)
        tpu.yield
      }) : () -> ()
      %dma_start3A_207 = arith.constant 13 : i32
      %dma_start3A_208 = arith.constant 0 : i32
      %dma_start3A_209 = tpu.memref_slice %arg7[%dma_start3A_207, %dma_start3A_208] : memref<16x128xi32, #tpu.memory_space<vmem>> -> memref<1x128xi32, #tpu.memory_space<vmem>>
      %dma_start3A_210 = tpu.memref_squeeze %dma_start3A_209 : memref<1x128xi32, #tpu.memory_space<vmem>> -> memref<128xi32, #tpu.memory_space<vmem>>
      %dma_start3A_211 = arith.constant 0 : i32
      %dma_start3A_212 = arith.constant 0 : i32
      %dma_start3A_213 = tpu.memref_slice %arg2[%dma_start3A_211, %dma_start3A_212] : memref<20480x128xf32, #tpu.memory_space<hbm>> -> memref<20480x128xf32, #tpu.memory_space<hbm>>
      tpu.enqueue_indirect_dma source(%dma_start3A_213 : memref<20480x128xf32, #tpu.memory_space<hbm>>) target(%arg10 : memref<128x128xf32, #tpu.memory_space<vmem>>) offsets(%dma_start3A_210 : memref<128xi32, #tpu.memory_space<vmem>>) semaphore(%arg13 : memref<!tpu.dma_semaphore, #tpu.memory_space<semaphore_mem>>)
      %dma_wait3A_214 = arith.constant 12 : i32
      %dma_wait3A_215 = arith.constant 0 : i32
      %dma_wait3A_216 = tpu.memref_slice %arg7[%dma_wait3A_214, %dma_wait3A_215] : memref<16x128xi32, #tpu.memory_space<vmem>> -> memref<1x128xi32, #tpu.memory_space<vmem>>
      %dma_wait3A_217 = tpu.memref_squeeze %dma_wait3A_216 : memref<1x128xi32, #tpu.memory_space<vmem>> -> memref<128xi32, #tpu.memory_space<vmem>>
      %dma_wait3A_218 = arith.constant 0 : i32
      %dma_wait3A_219 = arith.constant 0 : i32
      %dma_wait3A_220 = tpu.memref_slice %arg2[%dma_wait3A_218, %dma_wait3A_219] : memref<20480x128xf32, #tpu.memory_space<hbm>> -> memref<20480x128xf32, #tpu.memory_space<hbm>>
      tpu.wait_indirect_dma semaphore(%arg12 : memref<!tpu.dma_semaphore, #tpu.memory_space<semaphore_mem>>) src(%dma_wait3A_220 : memref<20480x128xf32, #tpu.memory_space<hbm>>) dst(%arg9 : memref<128x128xf32, #tpu.memory_space<vmem>>)
      %run_scoped3A_221 = arith.constant 12 : i32
      "tpu.region"() ({
        %run_scoped3A_260 = tpu.sem_alloc : memref<!tpu.dma_semaphore, #tpu.memory_space<semaphore_mem>>
        %dma_start3A_261 = arith.constant 0 : i32
        %dma_start3A_262 = tpu.memref_slice %arg8[%run_scoped3A_221, %dma_start3A_261] : memref<16x128xi32, #tpu.memory_space<vmem>> -> memref<1x128xi32, #tpu.memory_space<vmem>>
        %dma_start3A_263 = tpu.memref_squeeze %dma_start3A_262 : memref<1x128xi32, #tpu.memory_space<vmem>> -> memref<128xi32, #tpu.memory_space<vmem>>
        %dma_start3A_264 = arith.constant 0 : i32
        %dma_start3A_265 = arith.constant 0 : i32
        %dma_start3A_266 = tpu.memref_slice %arg11[%dma_start3A_264, %dma_start3A_265] : memref<10240x128xf32, #tpu.memory_space<vmem_shared>> -> memref<10240x128xf32, #tpu.memory_space<vmem_shared>>
        tpu.enqueue_indirect_dma source(%arg9 : memref<128x128xf32, #tpu.memory_space<vmem>>) target(%dma_start3A_266 : memref<10240x128xf32, #tpu.memory_space<vmem_shared>>) offsets(%dma_start3A_263 : memref<128xi32, #tpu.memory_space<vmem>>) semaphore(%run_scoped3A_260 : memref<!tpu.dma_semaphore, #tpu.memory_space<semaphore_mem>>) {add = true}
        %dma_wait3A_267 = arith.constant 0 : i32
        %dma_wait3A_268 = tpu.memref_slice %arg8[%run_scoped3A_221, %dma_wait3A_267] : memref<16x128xi32, #tpu.memory_space<vmem>> -> memref<1x128xi32, #tpu.memory_space<vmem>>
        %dma_wait3A_269 = tpu.memref_squeeze %dma_wait3A_268 : memref<1x128xi32, #tpu.memory_space<vmem>> -> memref<128xi32, #tpu.memory_space<vmem>>
        %dma_wait3A_270 = arith.constant 0 : i32
        %dma_wait3A_271 = arith.constant 0 : i32
        %dma_wait3A_272 = tpu.memref_slice %arg11[%dma_wait3A_270, %dma_wait3A_271] : memref<10240x128xf32, #tpu.memory_space<vmem_shared>> -> memref<10240x128xf32, #tpu.memory_space<vmem_shared>>
        tpu.wait_indirect_dma semaphore(%run_scoped3A_260 : memref<!tpu.dma_semaphore, #tpu.memory_space<semaphore_mem>>) src(%arg9 : memref<128x128xf32, #tpu.memory_space<vmem>>) dst(%dma_wait3A_272 : memref<10240x128xf32, #tpu.memory_space<vmem_shared>>)
        tpu.yield
      }) : () -> ()
      %dma_start3A_222 = arith.constant 14 : i32
      %dma_start3A_223 = arith.constant 0 : i32
      %dma_start3A_224 = tpu.memref_slice %arg7[%dma_start3A_222, %dma_start3A_223] : memref<16x128xi32, #tpu.memory_space<vmem>> -> memref<1x128xi32, #tpu.memory_space<vmem>>
      %dma_start3A_225 = tpu.memref_squeeze %dma_start3A_224 : memref<1x128xi32, #tpu.memory_space<vmem>> -> memref<128xi32, #tpu.memory_space<vmem>>
      %dma_start3A_226 = arith.constant 0 : i32
      %dma_start3A_227 = arith.constant 0 : i32
      %dma_start3A_228 = tpu.memref_slice %arg2[%dma_start3A_226, %dma_start3A_227] : memref<20480x128xf32, #tpu.memory_space<hbm>> -> memref<20480x128xf32, #tpu.memory_space<hbm>>
      tpu.enqueue_indirect_dma source(%dma_start3A_228 : memref<20480x128xf32, #tpu.memory_space<hbm>>) target(%arg9 : memref<128x128xf32, #tpu.memory_space<vmem>>) offsets(%dma_start3A_225 : memref<128xi32, #tpu.memory_space<vmem>>) semaphore(%arg12 : memref<!tpu.dma_semaphore, #tpu.memory_space<semaphore_mem>>)
      %dma_wait3A_229 = arith.constant 13 : i32
      %dma_wait3A_230 = arith.constant 0 : i32
      %dma_wait3A_231 = tpu.memref_slice %arg7[%dma_wait3A_229, %dma_wait3A_230] : memref<16x128xi32, #tpu.memory_space<vmem>> -> memref<1x128xi32, #tpu.memory_space<vmem>>
      %dma_wait3A_232 = tpu.memref_squeeze %dma_wait3A_231 : memref<1x128xi32, #tpu.memory_space<vmem>> -> memref<128xi32, #tpu.memory_space<vmem>>
      %dma_wait3A_233 = arith.constant 0 : i32
      %dma_wait3A_234 = arith.constant 0 : i32
      %dma_wait3A_235 = tpu.memref_slice %arg2[%dma_wait3A_233, %dma_wait3A_234] : memref<20480x128xf32, #tpu.memory_space<hbm>> -> memref<20480x128xf32, #tpu.memory_space<hbm>>
      tpu.wait_indirect_dma semaphore(%arg13 : memref<!tpu.dma_semaphore, #tpu.memory_space<semaphore_mem>>) src(%dma_wait3A_235 : memref<20480x128xf32, #tpu.memory_space<hbm>>) dst(%arg10 : memref<128x128xf32, #tpu.memory_space<vmem>>)
      %run_scoped3A_236 = arith.constant 13 : i32
      "tpu.region"() ({
        %run_scoped3A_260 = tpu.sem_alloc : memref<!tpu.dma_semaphore, #tpu.memory_space<semaphore_mem>>
        %dma_start3A_261 = arith.constant 0 : i32
        %dma_start3A_262 = tpu.memref_slice %arg8[%run_scoped3A_236, %dma_start3A_261] : memref<16x128xi32, #tpu.memory_space<vmem>> -> memref<1x128xi32, #tpu.memory_space<vmem>>
        %dma_start3A_263 = tpu.memref_squeeze %dma_start3A_262 : memref<1x128xi32, #tpu.memory_space<vmem>> -> memref<128xi32, #tpu.memory_space<vmem>>
        %dma_start3A_264 = arith.constant 0 : i32
        %dma_start3A_265 = arith.constant 0 : i32
        %dma_start3A_266 = tpu.memref_slice %arg11[%dma_start3A_264, %dma_start3A_265] : memref<10240x128xf32, #tpu.memory_space<vmem_shared>> -> memref<10240x128xf32, #tpu.memory_space<vmem_shared>>
        tpu.enqueue_indirect_dma source(%arg10 : memref<128x128xf32, #tpu.memory_space<vmem>>) target(%dma_start3A_266 : memref<10240x128xf32, #tpu.memory_space<vmem_shared>>) offsets(%dma_start3A_263 : memref<128xi32, #tpu.memory_space<vmem>>) semaphore(%run_scoped3A_260 : memref<!tpu.dma_semaphore, #tpu.memory_space<semaphore_mem>>) {add = true}
        %dma_wait3A_267 = arith.constant 0 : i32
        %dma_wait3A_268 = tpu.memref_slice %arg8[%run_scoped3A_236, %dma_wait3A_267] : memref<16x128xi32, #tpu.memory_space<vmem>> -> memref<1x128xi32, #tpu.memory_space<vmem>>
        %dma_wait3A_269 = tpu.memref_squeeze %dma_wait3A_268 : memref<1x128xi32, #tpu.memory_space<vmem>> -> memref<128xi32, #tpu.memory_space<vmem>>
        %dma_wait3A_270 = arith.constant 0 : i32
        %dma_wait3A_271 = arith.constant 0 : i32
        %dma_wait3A_272 = tpu.memref_slice %arg11[%dma_wait3A_270, %dma_wait3A_271] : memref<10240x128xf32, #tpu.memory_space<vmem_shared>> -> memref<10240x128xf32, #tpu.memory_space<vmem_shared>>
        tpu.wait_indirect_dma semaphore(%run_scoped3A_260 : memref<!tpu.dma_semaphore, #tpu.memory_space<semaphore_mem>>) src(%arg10 : memref<128x128xf32, #tpu.memory_space<vmem>>) dst(%dma_wait3A_272 : memref<10240x128xf32, #tpu.memory_space<vmem_shared>>)
        tpu.yield
      }) : () -> ()
      %dma_start3A_237 = arith.constant 15 : i32
      %dma_start3A_238 = arith.constant 0 : i32
      %dma_start3A_239 = tpu.memref_slice %arg7[%dma_start3A_237, %dma_start3A_238] : memref<16x128xi32, #tpu.memory_space<vmem>> -> memref<1x128xi32, #tpu.memory_space<vmem>>
      %dma_start3A_240 = tpu.memref_squeeze %dma_start3A_239 : memref<1x128xi32, #tpu.memory_space<vmem>> -> memref<128xi32, #tpu.memory_space<vmem>>
      %dma_start3A_241 = arith.constant 0 : i32
      %dma_start3A_242 = arith.constant 0 : i32
      %dma_start3A_243 = tpu.memref_slice %arg2[%dma_start3A_241, %dma_start3A_242] : memref<20480x128xf32, #tpu.memory_space<hbm>> -> memref<20480x128xf32, #tpu.memory_space<hbm>>
      tpu.enqueue_indirect_dma source(%dma_start3A_243 : memref<20480x128xf32, #tpu.memory_space<hbm>>) target(%arg10 : memref<128x128xf32, #tpu.memory_space<vmem>>) offsets(%dma_start3A_240 : memref<128xi32, #tpu.memory_space<vmem>>) semaphore(%arg13 : memref<!tpu.dma_semaphore, #tpu.memory_space<semaphore_mem>>)
      %dma_wait3A_244 = arith.constant 14 : i32
      %dma_wait3A_245 = arith.constant 0 : i32
      %dma_wait3A_246 = tpu.memref_slice %arg7[%dma_wait3A_244, %dma_wait3A_245] : memref<16x128xi32, #tpu.memory_space<vmem>> -> memref<1x128xi32, #tpu.memory_space<vmem>>
      %dma_wait3A_247 = tpu.memref_squeeze %dma_wait3A_246 : memref<1x128xi32, #tpu.memory_space<vmem>> -> memref<128xi32, #tpu.memory_space<vmem>>
      %dma_wait3A_248 = arith.constant 0 : i32
      %dma_wait3A_249 = arith.constant 0 : i32
      %dma_wait3A_250 = tpu.memref_slice %arg2[%dma_wait3A_248, %dma_wait3A_249] : memref<20480x128xf32, #tpu.memory_space<hbm>> -> memref<20480x128xf32, #tpu.memory_space<hbm>>
      tpu.wait_indirect_dma semaphore(%arg12 : memref<!tpu.dma_semaphore, #tpu.memory_space<semaphore_mem>>) src(%dma_wait3A_250 : memref<20480x128xf32, #tpu.memory_space<hbm>>) dst(%arg9 : memref<128x128xf32, #tpu.memory_space<vmem>>)
      %run_scoped3A_251 = arith.constant 14 : i32
      "tpu.region"() ({
        %run_scoped3A_260 = tpu.sem_alloc : memref<!tpu.dma_semaphore, #tpu.memory_space<semaphore_mem>>
        %dma_start3A_261 = arith.constant 0 : i32
        %dma_start3A_262 = tpu.memref_slice %arg8[%run_scoped3A_251, %dma_start3A_261] : memref<16x128xi32, #tpu.memory_space<vmem>> -> memref<1x128xi32, #tpu.memory_space<vmem>>
        %dma_start3A_263 = tpu.memref_squeeze %dma_start3A_262 : memref<1x128xi32, #tpu.memory_space<vmem>> -> memref<128xi32, #tpu.memory_space<vmem>>
        %dma_start3A_264 = arith.constant 0 : i32
        %dma_start3A_265 = arith.constant 0 : i32
        %dma_start3A_266 = tpu.memref_slice %arg11[%dma_start3A_264, %dma_start3A_265] : memref<10240x128xf32, #tpu.memory_space<vmem_shared>> -> memref<10240x128xf32, #tpu.memory_space<vmem_shared>>
        tpu.enqueue_indirect_dma source(%arg9 : memref<128x128xf32, #tpu.memory_space<vmem>>) target(%dma_start3A_266 : memref<10240x128xf32, #tpu.memory_space<vmem_shared>>) offsets(%dma_start3A_263 : memref<128xi32, #tpu.memory_space<vmem>>) semaphore(%run_scoped3A_260 : memref<!tpu.dma_semaphore, #tpu.memory_space<semaphore_mem>>) {add = true}
        %dma_wait3A_267 = arith.constant 0 : i32
        %dma_wait3A_268 = tpu.memref_slice %arg8[%run_scoped3A_251, %dma_wait3A_267] : memref<16x128xi32, #tpu.memory_space<vmem>> -> memref<1x128xi32, #tpu.memory_space<vmem>>
        %dma_wait3A_269 = tpu.memref_squeeze %dma_wait3A_268 : memref<1x128xi32, #tpu.memory_space<vmem>> -> memref<128xi32, #tpu.memory_space<vmem>>
        %dma_wait3A_270 = arith.constant 0 : i32
        %dma_wait3A_271 = arith.constant 0 : i32
        %dma_wait3A_272 = tpu.memref_slice %arg11[%dma_wait3A_270, %dma_wait3A_271] : memref<10240x128xf32, #tpu.memory_space<vmem_shared>> -> memref<10240x128xf32, #tpu.memory_space<vmem_shared>>
        tpu.wait_indirect_dma semaphore(%run_scoped3A_260 : memref<!tpu.dma_semaphore, #tpu.memory_space<semaphore_mem>>) src(%arg9 : memref<128x128xf32, #tpu.memory_space<vmem>>) dst(%dma_wait3A_272 : memref<10240x128xf32, #tpu.memory_space<vmem_shared>>)
        tpu.yield
      }) : () -> ()
      %dma_wait3A_252 = arith.constant 15 : i32
      %dma_wait3A_253 = arith.constant 0 : i32
      %dma_wait3A_254 = tpu.memref_slice %arg7[%dma_wait3A_252, %dma_wait3A_253] : memref<16x128xi32, #tpu.memory_space<vmem>> -> memref<1x128xi32, #tpu.memory_space<vmem>>
      %dma_wait3A_255 = tpu.memref_squeeze %dma_wait3A_254 : memref<1x128xi32, #tpu.memory_space<vmem>> -> memref<128xi32, #tpu.memory_space<vmem>>
      %dma_wait3A_256 = arith.constant 0 : i32
      %dma_wait3A_257 = arith.constant 0 : i32
      %dma_wait3A_258 = tpu.memref_slice %arg2[%dma_wait3A_256, %dma_wait3A_257] : memref<20480x128xf32, #tpu.memory_space<hbm>> -> memref<20480x128xf32, #tpu.memory_space<hbm>>
      tpu.wait_indirect_dma semaphore(%arg13 : memref<!tpu.dma_semaphore, #tpu.memory_space<semaphore_mem>>) src(%dma_wait3A_258 : memref<20480x128xf32, #tpu.memory_space<hbm>>) dst(%arg10 : memref<128x128xf32, #tpu.memory_space<vmem>>)
      %run_scoped3A_259 = arith.constant 15 : i32
      "tpu.region"() ({
        %run_scoped3A_260 = tpu.sem_alloc : memref<!tpu.dma_semaphore, #tpu.memory_space<semaphore_mem>>
        %dma_start3A_261 = arith.constant 0 : i32
        %dma_start3A_262 = tpu.memref_slice %arg8[%run_scoped3A_259, %dma_start3A_261] : memref<16x128xi32, #tpu.memory_space<vmem>> -> memref<1x128xi32, #tpu.memory_space<vmem>>
        %dma_start3A_263 = tpu.memref_squeeze %dma_start3A_262 : memref<1x128xi32, #tpu.memory_space<vmem>> -> memref<128xi32, #tpu.memory_space<vmem>>
        %dma_start3A_264 = arith.constant 0 : i32
        %dma_start3A_265 = arith.constant 0 : i32
        %dma_start3A_266 = tpu.memref_slice %arg11[%dma_start3A_264, %dma_start3A_265] : memref<10240x128xf32, #tpu.memory_space<vmem_shared>> -> memref<10240x128xf32, #tpu.memory_space<vmem_shared>>
        tpu.enqueue_indirect_dma source(%arg10 : memref<128x128xf32, #tpu.memory_space<vmem>>) target(%dma_start3A_266 : memref<10240x128xf32, #tpu.memory_space<vmem_shared>>) offsets(%dma_start3A_263 : memref<128xi32, #tpu.memory_space<vmem>>) semaphore(%run_scoped3A_260 : memref<!tpu.dma_semaphore, #tpu.memory_space<semaphore_mem>>) {add = true}
        %dma_wait3A_267 = arith.constant 0 : i32
        %dma_wait3A_268 = tpu.memref_slice %arg8[%run_scoped3A_259, %dma_wait3A_267] : memref<16x128xi32, #tpu.memory_space<vmem>> -> memref<1x128xi32, #tpu.memory_space<vmem>>
        %dma_wait3A_269 = tpu.memref_squeeze %dma_wait3A_268 : memref<1x128xi32, #tpu.memory_space<vmem>> -> memref<128xi32, #tpu.memory_space<vmem>>
        %dma_wait3A_270 = arith.constant 0 : i32
        %dma_wait3A_271 = arith.constant 0 : i32
        %dma_wait3A_272 = tpu.memref_slice %arg11[%dma_wait3A_270, %dma_wait3A_271] : memref<10240x128xf32, #tpu.memory_space<vmem_shared>> -> memref<10240x128xf32, #tpu.memory_space<vmem_shared>>
        tpu.wait_indirect_dma semaphore(%run_scoped3A_260 : memref<!tpu.dma_semaphore, #tpu.memory_space<semaphore_mem>>) src(%arg10 : memref<128x128xf32, #tpu.memory_space<vmem>>) dst(%dma_wait3A_272 : memref<10240x128xf32, #tpu.memory_space<vmem_shared>>)
        tpu.yield
      }) : () -> ()
    }
    %scan3A_11 = arith.constant 5 : i32
    %barrier3A_12 = arith.constant 0 : index
    tpu.barrier barrier_id(%barrier3A_12)
    %mul3A_13 = arith.constant 10240 : i32
    %mul3A_14 = arith.muli %arg0, %mul3A_13 : i32
    %add3A_15 = arith.addi %mul3A_14, %mul3A_0 : i32
    "tpu.region"() ({
      %run_scoped3A = tpu.sem_alloc : memref<!tpu.dma_semaphore, #tpu.memory_space<semaphore_mem>>
      %dma_start3A = arith.constant 0 : i32
      %dma_start3A_16 = tpu.memref_slice %arg6[%add3A_15, %dma_start3A] : memref<20480x128xf32, #tpu.memory_space<hbm>> -> memref<640x128xf32, #tpu.memory_space<hbm>>
      %dma_start3A_17 = arith.constant 0 : i32
      %dma_start3A_18 = tpu.memref_slice %arg11[%mul3A_0, %dma_start3A_17] : memref<10240x128xf32, #tpu.memory_space<vmem_shared>> -> memref<640x128xf32, #tpu.memory_space<vmem_shared>>
      tpu.enqueue_dma source(%dma_start3A_18 : memref<640x128xf32, #tpu.memory_space<vmem_shared>>) target(%dma_start3A_16 : memref<640x128xf32, #tpu.memory_space<hbm>>) target_semaphore(%run_scoped3A : memref<!tpu.dma_semaphore, #tpu.memory_space<semaphore_mem>>)
      %dma_wait3A = arith.constant 0 : i32
      %dma_wait3A_19 = tpu.memref_slice %arg6[%add3A_15, %dma_wait3A] : memref<20480x128xf32, #tpu.memory_space<hbm>> -> memref<640x128xf32, #tpu.memory_space<hbm>>
      %dma_wait3A_20 = arith.constant 0 : i32
      %dma_wait3A_21 = tpu.memref_slice %arg11[%mul3A_0, %dma_wait3A_20] : memref<10240x128xf32, #tpu.memory_space<vmem_shared>> -> memref<640x128xf32, #tpu.memory_space<vmem_shared>>
      tpu.wait_dma2 semaphore(%run_scoped3A : memref<!tpu.dma_semaphore, #tpu.memory_space<semaphore_mem>>) src(%dma_wait3A_21 : memref<640x128xf32, #tpu.memory_space<vmem_shared>>) dst(%dma_wait3A_19 : memref<640x128xf32, #tpu.memory_space<hbm>>)
      tpu.yield
    }) : () -> ()
    return
  }
}

#map = affine_map<(d0, d1) -> (0, 0)>
module attributes {stable_mosaic.version = 14 : i64} {
  func.func @_agg2_body(%arg0: i32, %arg1: i32, %arg2: memref<20480x128xf32, #tpu.memory_space<hbm>>, %arg3: memref<2560x128xi32, #tpu.memory_space<hbm>>, %arg4: memref<1280x128xi32, #tpu.memory_space<hbm>>, %arg5: memref<640x128xf32, #tpu.memory_space<hbm>>, %arg6: memref<20480x128xf32, #tpu.memory_space<hbm>>, %arg7: memref<8x128xi32, #tpu.memory_space<vmem>>, %arg8: memref<8x128xi32, #tpu.memory_space<vmem>>, %arg9: memref<128x128xf32, #tpu.memory_space<vmem>>, %arg10: memref<128x128xf32, #tpu.memory_space<vmem>>, %arg11: memref<10240x128xf32, #tpu.memory_space<vmem_shared>>, %arg12: memref<!tpu.dma_semaphore, #tpu.memory_space<semaphore_mem>>, %arg13: memref<!tpu.dma_semaphore, #tpu.memory_space<semaphore_mem>>) attributes {dimension_semantics = [#tpu.dimension_semantics<core_parallel>, #tpu.dimension_semantics<subcore_parallel>], iteration_bounds = array<i64: 2, 16>, scalar_prefetch = 0 : i64, scratch_operands = 7 : i64, tpu.core_type = #tpu.core_type<sc_vector_subcore>, window_params = [{transform_indices = #map}, {transform_indices = #map}, {transform_indices = #map}, {transform_indices = #map}, {transform_indices = #map}]} {
    %mul3A = arith.constant 16 : i32
    %mul3A_0 = arith.muli %arg0, %mul3A : i32
    %add3A = arith.addi %mul3A_0, %arg1 : i32
    %mul3A_1 = arith.constant 640 : i32
    %mul3A_2 = arith.muli %arg1, %mul3A_1 : i32
    "tpu.region"() ({
      %run_scoped3A = tpu.sem_alloc : memref<!tpu.dma_semaphore, #tpu.memory_space<semaphore_mem>>
      %dma_start3A = arith.constant 0 : i32
      %dma_start3A_19 = tpu.memref_slice %arg11[%mul3A_2, %dma_start3A] : memref<10240x128xf32, #tpu.memory_space<vmem_shared>> -> memref<640x128xf32, #tpu.memory_space<vmem_shared>>
      tpu.enqueue_dma source(%arg5 : memref<640x128xf32, #tpu.memory_space<hbm>>) target(%dma_start3A_19 : memref<640x128xf32, #tpu.memory_space<vmem_shared>>) target_semaphore(%run_scoped3A : memref<!tpu.dma_semaphore, #tpu.memory_space<semaphore_mem>>)
      %dma_wait3A = arith.constant 0 : i32
      %dma_wait3A_20 = tpu.memref_slice %arg11[%mul3A_2, %dma_wait3A] : memref<10240x128xf32, #tpu.memory_space<vmem_shared>> -> memref<640x128xf32, #tpu.memory_space<vmem_shared>>
      tpu.wait_dma2 semaphore(%run_scoped3A : memref<!tpu.dma_semaphore, #tpu.memory_space<semaphore_mem>>) src(%arg5 : memref<640x128xf32, #tpu.memory_space<hbm>>) dst(%dma_wait3A_20 : memref<640x128xf32, #tpu.memory_space<vmem_shared>>)
      tpu.yield
    }) : () -> ()
    %barrier3A = arith.constant 0 : index
    tpu.barrier barrier_id(%barrier3A)
    %mul3A_3 = arith.constant 1280 : i32
    %mul3A_4 = arith.muli %arg0, %mul3A_3 : i32
    %mul3A_5 = arith.constant 40 : i32
    %mul3A_6 = arith.muli %add3A, %mul3A_5 : i32
    %add3A_7 = arith.addi %mul3A_4, %mul3A_6 : i32
    %mul3A_8 = arith.constant 40 : i32
    %mul3A_9 = arith.muli %add3A, %mul3A_8 : i32
    %scan3A = arith.constant 0 : i32
    %scan3A_10 = arith.constant 0 : i32
    %scan3A_11 = arith.constant 5 : i32
    %scan3A_12 = arith.addi %scan3A_10, %scan3A_11 : i32
    %scan3A_13 = arith.constant 1 : i32
    scf.for %scan3A_19 = %scan3A_10 to %scan3A_12 step %scan3A_13  : i32 {
      %mul3A_20 = arith.constant 8 : i32
      %mul3A_21 = arith.muli %scan3A_19, %mul3A_20 : i32
      %add3A_22 = arith.addi %add3A_7, %mul3A_21 : i32
      "tpu.region"() ({
        %run_scoped3A_143 = tpu.sem_alloc : memref<!tpu.dma_semaphore, #tpu.memory_space<semaphore_mem>>
        %dma_start3A_144 = arith.constant 0 : i32
        %dma_start3A_145 = tpu.memref_slice %arg3[%add3A_22, %dma_start3A_144] : memref<2560x128xi32, #tpu.memory_space<hbm>> -> memref<8x128xi32, #tpu.memory_space<hbm>>
        %dma_start3A_146 = arith.constant 0 : i32
        %dma_start3A_147 = tpu.memref_slice %arg3[%add3A_22, %dma_start3A_146] : memref<2560x128xi32, #tpu.memory_space<hbm>> -> memref<8x128xi32, #tpu.memory_space<hbm>>
        tpu.enqueue_dma source(%dma_start3A_147 : memref<8x128xi32, #tpu.memory_space<hbm>>) target(%arg7 : memref<8x128xi32, #tpu.memory_space<vmem>>) target_semaphore(%run_scoped3A_143 : memref<!tpu.dma_semaphore, #tpu.memory_space<semaphore_mem>>)
        %dma_wait3A_148 = arith.constant 0 : i32
        %dma_wait3A_149 = tpu.memref_slice %arg3[%add3A_22, %dma_wait3A_148] : memref<2560x128xi32, #tpu.memory_space<hbm>> -> memref<8x128xi32, #tpu.memory_space<hbm>>
        %dma_wait3A_150 = arith.constant 0 : i32
        %dma_wait3A_151 = tpu.memref_slice %arg3[%add3A_22, %dma_wait3A_150] : memref<2560x128xi32, #tpu.memory_space<hbm>> -> memref<8x128xi32, #tpu.memory_space<hbm>>
        tpu.wait_dma2 semaphore(%run_scoped3A_143 : memref<!tpu.dma_semaphore, #tpu.memory_space<semaphore_mem>>) src(%dma_wait3A_151 : memref<8x128xi32, #tpu.memory_space<hbm>>) dst(%arg7 : memref<8x128xi32, #tpu.memory_space<vmem>>)
        tpu.yield
      }) : () -> ()
      %mul3A_23 = arith.constant 8 : i32
      %mul3A_24 = arith.muli %scan3A_19, %mul3A_23 : i32
      %add3A_25 = arith.addi %mul3A_9, %mul3A_24 : i32
      "tpu.region"() ({
        %run_scoped3A_143 = tpu.sem_alloc : memref<!tpu.dma_semaphore, #tpu.memory_space<semaphore_mem>>
        %dma_start3A_144 = arith.constant 0 : i32
        %dma_start3A_145 = tpu.memref_slice %arg4[%add3A_25, %dma_start3A_144] : memref<1280x128xi32, #tpu.memory_space<hbm>> -> memref<8x128xi32, #tpu.memory_space<hbm>>
        %dma_start3A_146 = arith.constant 0 : i32
        %dma_start3A_147 = tpu.memref_slice %arg4[%add3A_25, %dma_start3A_146] : memref<1280x128xi32, #tpu.memory_space<hbm>> -> memref<8x128xi32, #tpu.memory_space<hbm>>
        tpu.enqueue_dma source(%dma_start3A_147 : memref<8x128xi32, #tpu.memory_space<hbm>>) target(%arg8 : memref<8x128xi32, #tpu.memory_space<vmem>>) target_semaphore(%run_scoped3A_143 : memref<!tpu.dma_semaphore, #tpu.memory_space<semaphore_mem>>)
        %dma_wait3A_148 = arith.constant 0 : i32
        %dma_wait3A_149 = tpu.memref_slice %arg4[%add3A_25, %dma_wait3A_148] : memref<1280x128xi32, #tpu.memory_space<hbm>> -> memref<8x128xi32, #tpu.memory_space<hbm>>
        %dma_wait3A_150 = arith.constant 0 : i32
        %dma_wait3A_151 = tpu.memref_slice %arg4[%add3A_25, %dma_wait3A_150] : memref<1280x128xi32, #tpu.memory_space<hbm>> -> memref<8x128xi32, #tpu.memory_space<hbm>>
        tpu.wait_dma2 semaphore(%run_scoped3A_143 : memref<!tpu.dma_semaphore, #tpu.memory_space<semaphore_mem>>) src(%dma_wait3A_151 : memref<8x128xi32, #tpu.memory_space<hbm>>) dst(%arg8 : memref<8x128xi32, #tpu.memory_space<vmem>>)
        tpu.yield
      }) : () -> ()
      %dma_start3A = arith.constant 0 : i32
      %dma_start3A_26 = arith.constant 0 : i32
      %dma_start3A_27 = tpu.memref_slice %arg7[%dma_start3A, %dma_start3A_26] : memref<8x128xi32, #tpu.memory_space<vmem>> -> memref<1x128xi32, #tpu.memory_space<vmem>>
      %dma_start3A_28 = tpu.memref_squeeze %dma_start3A_27 : memref<1x128xi32, #tpu.memory_space<vmem>> -> memref<128xi32, #tpu.memory_space<vmem>>
      %dma_start3A_29 = arith.constant 0 : i32
      %dma_start3A_30 = arith.constant 0 : i32
      %dma_start3A_31 = tpu.memref_slice %arg2[%dma_start3A_29, %dma_start3A_30] : memref<20480x128xf32, #tpu.memory_space<hbm>> -> memref<20480x128xf32, #tpu.memory_space<hbm>>
      tpu.enqueue_indirect_dma source(%dma_start3A_31 : memref<20480x128xf32, #tpu.memory_space<hbm>>) target(%arg9 : memref<128x128xf32, #tpu.memory_space<vmem>>) offsets(%dma_start3A_28 : memref<128xi32, #tpu.memory_space<vmem>>) semaphore(%arg12 : memref<!tpu.dma_semaphore, #tpu.memory_space<semaphore_mem>>)
      %dma_start3A_32 = arith.constant 1 : i32
      %dma_start3A_33 = arith.constant 0 : i32
      %dma_start3A_34 = tpu.memref_slice %arg7[%dma_start3A_32, %dma_start3A_33] : memref<8x128xi32, #tpu.memory_space<vmem>> -> memref<1x128xi32, #tpu.memory_space<vmem>>
      %dma_start3A_35 = tpu.memref_squeeze %dma_start3A_34 : memref<1x128xi32, #tpu.memory_space<vmem>> -> memref<128xi32, #tpu.memory_space<vmem>>
      %dma_start3A_36 = arith.constant 0 : i32
      %dma_start3A_37 = arith.constant 0 : i32
      %dma_start3A_38 = tpu.memref_slice %arg2[%dma_start3A_36, %dma_start3A_37] : memref<20480x128xf32, #tpu.memory_space<hbm>> -> memref<20480x128xf32, #tpu.memory_space<hbm>>
      tpu.enqueue_indirect_dma source(%dma_start3A_38 : memref<20480x128xf32, #tpu.memory_space<hbm>>) target(%arg10 : memref<128x128xf32, #tpu.memory_space<vmem>>) offsets(%dma_start3A_35 : memref<128xi32, #tpu.memory_space<vmem>>) semaphore(%arg13 : memref<!tpu.dma_semaphore, #tpu.memory_space<semaphore_mem>>)
      %dma_wait3A = arith.constant 0 : i32
      %dma_wait3A_39 = arith.constant 0 : i32
      %dma_wait3A_40 = tpu.memref_slice %arg7[%dma_wait3A, %dma_wait3A_39] : memref<8x128xi32, #tpu.memory_space<vmem>> -> memref<1x128xi32, #tpu.memory_space<vmem>>
      %dma_wait3A_41 = tpu.memref_squeeze %dma_wait3A_40 : memref<1x128xi32, #tpu.memory_space<vmem>> -> memref<128xi32, #tpu.memory_space<vmem>>
      %dma_wait3A_42 = arith.constant 0 : i32
      %dma_wait3A_43 = arith.constant 0 : i32
      %dma_wait3A_44 = tpu.memref_slice %arg2[%dma_wait3A_42, %dma_wait3A_43] : memref<20480x128xf32, #tpu.memory_space<hbm>> -> memref<20480x128xf32, #tpu.memory_space<hbm>>
      tpu.wait_indirect_dma semaphore(%arg12 : memref<!tpu.dma_semaphore, #tpu.memory_space<semaphore_mem>>) src(%dma_wait3A_44 : memref<20480x128xf32, #tpu.memory_space<hbm>>) dst(%arg9 : memref<128x128xf32, #tpu.memory_space<vmem>>)
      %run_scoped3A = arith.constant 0 : i32
      "tpu.region"() ({
        %run_scoped3A_143 = tpu.sem_alloc : memref<!tpu.dma_semaphore, #tpu.memory_space<semaphore_mem>>
        %dma_start3A_144 = arith.constant 0 : i32
        %dma_start3A_145 = tpu.memref_slice %arg8[%run_scoped3A, %dma_start3A_144] : memref<8x128xi32, #tpu.memory_space<vmem>> -> memref<1x128xi32, #tpu.memory_space<vmem>>
        %dma_start3A_146 = tpu.memref_squeeze %dma_start3A_145 : memref<1x128xi32, #tpu.memory_space<vmem>> -> memref<128xi32, #tpu.memory_space<vmem>>
        %dma_start3A_147 = arith.constant 0 : i32
        %dma_start3A_148 = arith.constant 0 : i32
        %dma_start3A_149 = tpu.memref_slice %arg11[%dma_start3A_147, %dma_start3A_148] : memref<10240x128xf32, #tpu.memory_space<vmem_shared>> -> memref<10240x128xf32, #tpu.memory_space<vmem_shared>>
        tpu.enqueue_indirect_dma source(%arg9 : memref<128x128xf32, #tpu.memory_space<vmem>>) target(%dma_start3A_149 : memref<10240x128xf32, #tpu.memory_space<vmem_shared>>) offsets(%dma_start3A_146 : memref<128xi32, #tpu.memory_space<vmem>>) semaphore(%run_scoped3A_143 : memref<!tpu.dma_semaphore, #tpu.memory_space<semaphore_mem>>) {add = true}
        %dma_wait3A_150 = arith.constant 0 : i32
        %dma_wait3A_151 = tpu.memref_slice %arg8[%run_scoped3A, %dma_wait3A_150] : memref<8x128xi32, #tpu.memory_space<vmem>> -> memref<1x128xi32, #tpu.memory_space<vmem>>
        %dma_wait3A_152 = tpu.memref_squeeze %dma_wait3A_151 : memref<1x128xi32, #tpu.memory_space<vmem>> -> memref<128xi32, #tpu.memory_space<vmem>>
        %dma_wait3A_153 = arith.constant 0 : i32
        %dma_wait3A_154 = arith.constant 0 : i32
        %dma_wait3A_155 = tpu.memref_slice %arg11[%dma_wait3A_153, %dma_wait3A_154] : memref<10240x128xf32, #tpu.memory_space<vmem_shared>> -> memref<10240x128xf32, #tpu.memory_space<vmem_shared>>
        tpu.wait_indirect_dma semaphore(%run_scoped3A_143 : memref<!tpu.dma_semaphore, #tpu.memory_space<semaphore_mem>>) src(%arg9 : memref<128x128xf32, #tpu.memory_space<vmem>>) dst(%dma_wait3A_155 : memref<10240x128xf32, #tpu.memory_space<vmem_shared>>)
        tpu.yield
      }) : () -> ()
      %dma_start3A_45 = arith.constant 2 : i32
      %dma_start3A_46 = arith.constant 0 : i32
      %dma_start3A_47 = tpu.memref_slice %arg7[%dma_start3A_45, %dma_start3A_46] : memref<8x128xi32, #tpu.memory_space<vmem>> -> memref<1x128xi32, #tpu.memory_space<vmem>>
      %dma_start3A_48 = tpu.memref_squeeze %dma_start3A_47 : memref<1x128xi32, #tpu.memory_space<vmem>> -> memref<128xi32, #tpu.memory_space<vmem>>
      %dma_start3A_49 = arith.constant 0 : i32
      %dma_start3A_50 = arith.constant 0 : i32
      %dma_start3A_51 = tpu.memref_slice %arg2[%dma_start3A_49, %dma_start3A_50] : memref<20480x128xf32, #tpu.memory_space<hbm>> -> memref<20480x128xf32, #tpu.memory_space<hbm>>
      tpu.enqueue_indirect_dma source(%dma_start3A_51 : memref<20480x128xf32, #tpu.memory_space<hbm>>) target(%arg9 : memref<128x128xf32, #tpu.memory_space<vmem>>) offsets(%dma_start3A_48 : memref<128xi32, #tpu.memory_space<vmem>>) semaphore(%arg12 : memref<!tpu.dma_semaphore, #tpu.memory_space<semaphore_mem>>)
      %dma_wait3A_52 = arith.constant 1 : i32
      %dma_wait3A_53 = arith.constant 0 : i32
      %dma_wait3A_54 = tpu.memref_slice %arg7[%dma_wait3A_52, %dma_wait3A_53] : memref<8x128xi32, #tpu.memory_space<vmem>> -> memref<1x128xi32, #tpu.memory_space<vmem>>
      %dma_wait3A_55 = tpu.memref_squeeze %dma_wait3A_54 : memref<1x128xi32, #tpu.memory_space<vmem>> -> memref<128xi32, #tpu.memory_space<vmem>>
      %dma_wait3A_56 = arith.constant 0 : i32
      %dma_wait3A_57 = arith.constant 0 : i32
      %dma_wait3A_58 = tpu.memref_slice %arg2[%dma_wait3A_56, %dma_wait3A_57] : memref<20480x128xf32, #tpu.memory_space<hbm>> -> memref<20480x128xf32, #tpu.memory_space<hbm>>
      tpu.wait_indirect_dma semaphore(%arg13 : memref<!tpu.dma_semaphore, #tpu.memory_space<semaphore_mem>>) src(%dma_wait3A_58 : memref<20480x128xf32, #tpu.memory_space<hbm>>) dst(%arg10 : memref<128x128xf32, #tpu.memory_space<vmem>>)
      %run_scoped3A_59 = arith.constant 1 : i32
      "tpu.region"() ({
        %run_scoped3A_143 = tpu.sem_alloc : memref<!tpu.dma_semaphore, #tpu.memory_space<semaphore_mem>>
        %dma_start3A_144 = arith.constant 0 : i32
        %dma_start3A_145 = tpu.memref_slice %arg8[%run_scoped3A_59, %dma_start3A_144] : memref<8x128xi32, #tpu.memory_space<vmem>> -> memref<1x128xi32, #tpu.memory_space<vmem>>
        %dma_start3A_146 = tpu.memref_squeeze %dma_start3A_145 : memref<1x128xi32, #tpu.memory_space<vmem>> -> memref<128xi32, #tpu.memory_space<vmem>>
        %dma_start3A_147 = arith.constant 0 : i32
        %dma_start3A_148 = arith.constant 0 : i32
        %dma_start3A_149 = tpu.memref_slice %arg11[%dma_start3A_147, %dma_start3A_148] : memref<10240x128xf32, #tpu.memory_space<vmem_shared>> -> memref<10240x128xf32, #tpu.memory_space<vmem_shared>>
        tpu.enqueue_indirect_dma source(%arg10 : memref<128x128xf32, #tpu.memory_space<vmem>>) target(%dma_start3A_149 : memref<10240x128xf32, #tpu.memory_space<vmem_shared>>) offsets(%dma_start3A_146 : memref<128xi32, #tpu.memory_space<vmem>>) semaphore(%run_scoped3A_143 : memref<!tpu.dma_semaphore, #tpu.memory_space<semaphore_mem>>) {add = true}
        %dma_wait3A_150 = arith.constant 0 : i32
        %dma_wait3A_151 = tpu.memref_slice %arg8[%run_scoped3A_59, %dma_wait3A_150] : memref<8x128xi32, #tpu.memory_space<vmem>> -> memref<1x128xi32, #tpu.memory_space<vmem>>
        %dma_wait3A_152 = tpu.memref_squeeze %dma_wait3A_151 : memref<1x128xi32, #tpu.memory_space<vmem>> -> memref<128xi32, #tpu.memory_space<vmem>>
        %dma_wait3A_153 = arith.constant 0 : i32
        %dma_wait3A_154 = arith.constant 0 : i32
        %dma_wait3A_155 = tpu.memref_slice %arg11[%dma_wait3A_153, %dma_wait3A_154] : memref<10240x128xf32, #tpu.memory_space<vmem_shared>> -> memref<10240x128xf32, #tpu.memory_space<vmem_shared>>
        tpu.wait_indirect_dma semaphore(%run_scoped3A_143 : memref<!tpu.dma_semaphore, #tpu.memory_space<semaphore_mem>>) src(%arg10 : memref<128x128xf32, #tpu.memory_space<vmem>>) dst(%dma_wait3A_155 : memref<10240x128xf32, #tpu.memory_space<vmem_shared>>)
        tpu.yield
      }) : () -> ()
      %dma_start3A_60 = arith.constant 3 : i32
      %dma_start3A_61 = arith.constant 0 : i32
      %dma_start3A_62 = tpu.memref_slice %arg7[%dma_start3A_60, %dma_start3A_61] : memref<8x128xi32, #tpu.memory_space<vmem>> -> memref<1x128xi32, #tpu.memory_space<vmem>>
      %dma_start3A_63 = tpu.memref_squeeze %dma_start3A_62 : memref<1x128xi32, #tpu.memory_space<vmem>> -> memref<128xi32, #tpu.memory_space<vmem>>
      %dma_start3A_64 = arith.constant 0 : i32
      %dma_start3A_65 = arith.constant 0 : i32
      %dma_start3A_66 = tpu.memref_slice %arg2[%dma_start3A_64, %dma_start3A_65] : memref<20480x128xf32, #tpu.memory_space<hbm>> -> memref<20480x128xf32, #tpu.memory_space<hbm>>
      tpu.enqueue_indirect_dma source(%dma_start3A_66 : memref<20480x128xf32, #tpu.memory_space<hbm>>) target(%arg10 : memref<128x128xf32, #tpu.memory_space<vmem>>) offsets(%dma_start3A_63 : memref<128xi32, #tpu.memory_space<vmem>>) semaphore(%arg13 : memref<!tpu.dma_semaphore, #tpu.memory_space<semaphore_mem>>)
      %dma_wait3A_67 = arith.constant 2 : i32
      %dma_wait3A_68 = arith.constant 0 : i32
      %dma_wait3A_69 = tpu.memref_slice %arg7[%dma_wait3A_67, %dma_wait3A_68] : memref<8x128xi32, #tpu.memory_space<vmem>> -> memref<1x128xi32, #tpu.memory_space<vmem>>
      %dma_wait3A_70 = tpu.memref_squeeze %dma_wait3A_69 : memref<1x128xi32, #tpu.memory_space<vmem>> -> memref<128xi32, #tpu.memory_space<vmem>>
      %dma_wait3A_71 = arith.constant 0 : i32
      %dma_wait3A_72 = arith.constant 0 : i32
      %dma_wait3A_73 = tpu.memref_slice %arg2[%dma_wait3A_71, %dma_wait3A_72] : memref<20480x128xf32, #tpu.memory_space<hbm>> -> memref<20480x128xf32, #tpu.memory_space<hbm>>
      tpu.wait_indirect_dma semaphore(%arg12 : memref<!tpu.dma_semaphore, #tpu.memory_space<semaphore_mem>>) src(%dma_wait3A_73 : memref<20480x128xf32, #tpu.memory_space<hbm>>) dst(%arg9 : memref<128x128xf32, #tpu.memory_space<vmem>>)
      %run_scoped3A_74 = arith.constant 2 : i32
      "tpu.region"() ({
        %run_scoped3A_143 = tpu.sem_alloc : memref<!tpu.dma_semaphore, #tpu.memory_space<semaphore_mem>>
        %dma_start3A_144 = arith.constant 0 : i32
        %dma_start3A_145 = tpu.memref_slice %arg8[%run_scoped3A_74, %dma_start3A_144] : memref<8x128xi32, #tpu.memory_space<vmem>> -> memref<1x128xi32, #tpu.memory_space<vmem>>
        %dma_start3A_146 = tpu.memref_squeeze %dma_start3A_145 : memref<1x128xi32, #tpu.memory_space<vmem>> -> memref<128xi32, #tpu.memory_space<vmem>>
        %dma_start3A_147 = arith.constant 0 : i32
        %dma_start3A_148 = arith.constant 0 : i32
        %dma_start3A_149 = tpu.memref_slice %arg11[%dma_start3A_147, %dma_start3A_148] : memref<10240x128xf32, #tpu.memory_space<vmem_shared>> -> memref<10240x128xf32, #tpu.memory_space<vmem_shared>>
        tpu.enqueue_indirect_dma source(%arg9 : memref<128x128xf32, #tpu.memory_space<vmem>>) target(%dma_start3A_149 : memref<10240x128xf32, #tpu.memory_space<vmem_shared>>) offsets(%dma_start3A_146 : memref<128xi32, #tpu.memory_space<vmem>>) semaphore(%run_scoped3A_143 : memref<!tpu.dma_semaphore, #tpu.memory_space<semaphore_mem>>) {add = true}
        %dma_wait3A_150 = arith.constant 0 : i32
        %dma_wait3A_151 = tpu.memref_slice %arg8[%run_scoped3A_74, %dma_wait3A_150] : memref<8x128xi32, #tpu.memory_space<vmem>> -> memref<1x128xi32, #tpu.memory_space<vmem>>
        %dma_wait3A_152 = tpu.memref_squeeze %dma_wait3A_151 : memref<1x128xi32, #tpu.memory_space<vmem>> -> memref<128xi32, #tpu.memory_space<vmem>>
        %dma_wait3A_153 = arith.constant 0 : i32
        %dma_wait3A_154 = arith.constant 0 : i32
        %dma_wait3A_155 = tpu.memref_slice %arg11[%dma_wait3A_153, %dma_wait3A_154] : memref<10240x128xf32, #tpu.memory_space<vmem_shared>> -> memref<10240x128xf32, #tpu.memory_space<vmem_shared>>
        tpu.wait_indirect_dma semaphore(%run_scoped3A_143 : memref<!tpu.dma_semaphore, #tpu.memory_space<semaphore_mem>>) src(%arg9 : memref<128x128xf32, #tpu.memory_space<vmem>>) dst(%dma_wait3A_155 : memref<10240x128xf32, #tpu.memory_space<vmem_shared>>)
        tpu.yield
      }) : () -> ()
      %dma_start3A_75 = arith.constant 4 : i32
      %dma_start3A_76 = arith.constant 0 : i32
      %dma_start3A_77 = tpu.memref_slice %arg7[%dma_start3A_75, %dma_start3A_76] : memref<8x128xi32, #tpu.memory_space<vmem>> -> memref<1x128xi32, #tpu.memory_space<vmem>>
      %dma_start3A_78 = tpu.memref_squeeze %dma_start3A_77 : memref<1x128xi32, #tpu.memory_space<vmem>> -> memref<128xi32, #tpu.memory_space<vmem>>
      %dma_start3A_79 = arith.constant 0 : i32
      %dma_start3A_80 = arith.constant 0 : i32
      %dma_start3A_81 = tpu.memref_slice %arg2[%dma_start3A_79, %dma_start3A_80] : memref<20480x128xf32, #tpu.memory_space<hbm>> -> memref<20480x128xf32, #tpu.memory_space<hbm>>
      tpu.enqueue_indirect_dma source(%dma_start3A_81 : memref<20480x128xf32, #tpu.memory_space<hbm>>) target(%arg9 : memref<128x128xf32, #tpu.memory_space<vmem>>) offsets(%dma_start3A_78 : memref<128xi32, #tpu.memory_space<vmem>>) semaphore(%arg12 : memref<!tpu.dma_semaphore, #tpu.memory_space<semaphore_mem>>)
      %dma_wait3A_82 = arith.constant 3 : i32
      %dma_wait3A_83 = arith.constant 0 : i32
      %dma_wait3A_84 = tpu.memref_slice %arg7[%dma_wait3A_82, %dma_wait3A_83] : memref<8x128xi32, #tpu.memory_space<vmem>> -> memref<1x128xi32, #tpu.memory_space<vmem>>
      %dma_wait3A_85 = tpu.memref_squeeze %dma_wait3A_84 : memref<1x128xi32, #tpu.memory_space<vmem>> -> memref<128xi32, #tpu.memory_space<vmem>>
      %dma_wait3A_86 = arith.constant 0 : i32
      %dma_wait3A_87 = arith.constant 0 : i32
      %dma_wait3A_88 = tpu.memref_slice %arg2[%dma_wait3A_86, %dma_wait3A_87] : memref<20480x128xf32, #tpu.memory_space<hbm>> -> memref<20480x128xf32, #tpu.memory_space<hbm>>
      tpu.wait_indirect_dma semaphore(%arg13 : memref<!tpu.dma_semaphore, #tpu.memory_space<semaphore_mem>>) src(%dma_wait3A_88 : memref<20480x128xf32, #tpu.memory_space<hbm>>) dst(%arg10 : memref<128x128xf32, #tpu.memory_space<vmem>>)
      %run_scoped3A_89 = arith.constant 3 : i32
      "tpu.region"() ({
        %run_scoped3A_143 = tpu.sem_alloc : memref<!tpu.dma_semaphore, #tpu.memory_space<semaphore_mem>>
        %dma_start3A_144 = arith.constant 0 : i32
        %dma_start3A_145 = tpu.memref_slice %arg8[%run_scoped3A_89, %dma_start3A_144] : memref<8x128xi32, #tpu.memory_space<vmem>> -> memref<1x128xi32, #tpu.memory_space<vmem>>
        %dma_start3A_146 = tpu.memref_squeeze %dma_start3A_145 : memref<1x128xi32, #tpu.memory_space<vmem>> -> memref<128xi32, #tpu.memory_space<vmem>>
        %dma_start3A_147 = arith.constant 0 : i32
        %dma_start3A_148 = arith.constant 0 : i32
        %dma_start3A_149 = tpu.memref_slice %arg11[%dma_start3A_147, %dma_start3A_148] : memref<10240x128xf32, #tpu.memory_space<vmem_shared>> -> memref<10240x128xf32, #tpu.memory_space<vmem_shared>>
        tpu.enqueue_indirect_dma source(%arg10 : memref<128x128xf32, #tpu.memory_space<vmem>>) target(%dma_start3A_149 : memref<10240x128xf32, #tpu.memory_space<vmem_shared>>) offsets(%dma_start3A_146 : memref<128xi32, #tpu.memory_space<vmem>>) semaphore(%run_scoped3A_143 : memref<!tpu.dma_semaphore, #tpu.memory_space<semaphore_mem>>) {add = true}
        %dma_wait3A_150 = arith.constant 0 : i32
        %dma_wait3A_151 = tpu.memref_slice %arg8[%run_scoped3A_89, %dma_wait3A_150] : memref<8x128xi32, #tpu.memory_space<vmem>> -> memref<1x128xi32, #tpu.memory_space<vmem>>
        %dma_wait3A_152 = tpu.memref_squeeze %dma_wait3A_151 : memref<1x128xi32, #tpu.memory_space<vmem>> -> memref<128xi32, #tpu.memory_space<vmem>>
        %dma_wait3A_153 = arith.constant 0 : i32
        %dma_wait3A_154 = arith.constant 0 : i32
        %dma_wait3A_155 = tpu.memref_slice %arg11[%dma_wait3A_153, %dma_wait3A_154] : memref<10240x128xf32, #tpu.memory_space<vmem_shared>> -> memref<10240x128xf32, #tpu.memory_space<vmem_shared>>
        tpu.wait_indirect_dma semaphore(%run_scoped3A_143 : memref<!tpu.dma_semaphore, #tpu.memory_space<semaphore_mem>>) src(%arg10 : memref<128x128xf32, #tpu.memory_space<vmem>>) dst(%dma_wait3A_155 : memref<10240x128xf32, #tpu.memory_space<vmem_shared>>)
        tpu.yield
      }) : () -> ()
      %dma_start3A_90 = arith.constant 5 : i32
      %dma_start3A_91 = arith.constant 0 : i32
      %dma_start3A_92 = tpu.memref_slice %arg7[%dma_start3A_90, %dma_start3A_91] : memref<8x128xi32, #tpu.memory_space<vmem>> -> memref<1x128xi32, #tpu.memory_space<vmem>>
      %dma_start3A_93 = tpu.memref_squeeze %dma_start3A_92 : memref<1x128xi32, #tpu.memory_space<vmem>> -> memref<128xi32, #tpu.memory_space<vmem>>
      %dma_start3A_94 = arith.constant 0 : i32
      %dma_start3A_95 = arith.constant 0 : i32
      %dma_start3A_96 = tpu.memref_slice %arg2[%dma_start3A_94, %dma_start3A_95] : memref<20480x128xf32, #tpu.memory_space<hbm>> -> memref<20480x128xf32, #tpu.memory_space<hbm>>
      tpu.enqueue_indirect_dma source(%dma_start3A_96 : memref<20480x128xf32, #tpu.memory_space<hbm>>) target(%arg10 : memref<128x128xf32, #tpu.memory_space<vmem>>) offsets(%dma_start3A_93 : memref<128xi32, #tpu.memory_space<vmem>>) semaphore(%arg13 : memref<!tpu.dma_semaphore, #tpu.memory_space<semaphore_mem>>)
      %dma_wait3A_97 = arith.constant 4 : i32
      %dma_wait3A_98 = arith.constant 0 : i32
      %dma_wait3A_99 = tpu.memref_slice %arg7[%dma_wait3A_97, %dma_wait3A_98] : memref<8x128xi32, #tpu.memory_space<vmem>> -> memref<1x128xi32, #tpu.memory_space<vmem>>
      %dma_wait3A_100 = tpu.memref_squeeze %dma_wait3A_99 : memref<1x128xi32, #tpu.memory_space<vmem>> -> memref<128xi32, #tpu.memory_space<vmem>>
      %dma_wait3A_101 = arith.constant 0 : i32
      %dma_wait3A_102 = arith.constant 0 : i32
      %dma_wait3A_103 = tpu.memref_slice %arg2[%dma_wait3A_101, %dma_wait3A_102] : memref<20480x128xf32, #tpu.memory_space<hbm>> -> memref<20480x128xf32, #tpu.memory_space<hbm>>
      tpu.wait_indirect_dma semaphore(%arg12 : memref<!tpu.dma_semaphore, #tpu.memory_space<semaphore_mem>>) src(%dma_wait3A_103 : memref<20480x128xf32, #tpu.memory_space<hbm>>) dst(%arg9 : memref<128x128xf32, #tpu.memory_space<vmem>>)
      %run_scoped3A_104 = arith.constant 4 : i32
      "tpu.region"() ({
        %run_scoped3A_143 = tpu.sem_alloc : memref<!tpu.dma_semaphore, #tpu.memory_space<semaphore_mem>>
        %dma_start3A_144 = arith.constant 0 : i32
        %dma_start3A_145 = tpu.memref_slice %arg8[%run_scoped3A_104, %dma_start3A_144] : memref<8x128xi32, #tpu.memory_space<vmem>> -> memref<1x128xi32, #tpu.memory_space<vmem>>
        %dma_start3A_146 = tpu.memref_squeeze %dma_start3A_145 : memref<1x128xi32, #tpu.memory_space<vmem>> -> memref<128xi32, #tpu.memory_space<vmem>>
        %dma_start3A_147 = arith.constant 0 : i32
        %dma_start3A_148 = arith.constant 0 : i32
        %dma_start3A_149 = tpu.memref_slice %arg11[%dma_start3A_147, %dma_start3A_148] : memref<10240x128xf32, #tpu.memory_space<vmem_shared>> -> memref<10240x128xf32, #tpu.memory_space<vmem_shared>>
        tpu.enqueue_indirect_dma source(%arg9 : memref<128x128xf32, #tpu.memory_space<vmem>>) target(%dma_start3A_149 : memref<10240x128xf32, #tpu.memory_space<vmem_shared>>) offsets(%dma_start3A_146 : memref<128xi32, #tpu.memory_space<vmem>>) semaphore(%run_scoped3A_143 : memref<!tpu.dma_semaphore, #tpu.memory_space<semaphore_mem>>) {add = true}
        %dma_wait3A_150 = arith.constant 0 : i32
        %dma_wait3A_151 = tpu.memref_slice %arg8[%run_scoped3A_104, %dma_wait3A_150] : memref<8x128xi32, #tpu.memory_space<vmem>> -> memref<1x128xi32, #tpu.memory_space<vmem>>
        %dma_wait3A_152 = tpu.memref_squeeze %dma_wait3A_151 : memref<1x128xi32, #tpu.memory_space<vmem>> -> memref<128xi32, #tpu.memory_space<vmem>>
        %dma_wait3A_153 = arith.constant 0 : i32
        %dma_wait3A_154 = arith.constant 0 : i32
        %dma_wait3A_155 = tpu.memref_slice %arg11[%dma_wait3A_153, %dma_wait3A_154] : memref<10240x128xf32, #tpu.memory_space<vmem_shared>> -> memref<10240x128xf32, #tpu.memory_space<vmem_shared>>
        tpu.wait_indirect_dma semaphore(%run_scoped3A_143 : memref<!tpu.dma_semaphore, #tpu.memory_space<semaphore_mem>>) src(%arg9 : memref<128x128xf32, #tpu.memory_space<vmem>>) dst(%dma_wait3A_155 : memref<10240x128xf32, #tpu.memory_space<vmem_shared>>)
        tpu.yield
      }) : () -> ()
      %dma_start3A_105 = arith.constant 6 : i32
      %dma_start3A_106 = arith.constant 0 : i32
      %dma_start3A_107 = tpu.memref_slice %arg7[%dma_start3A_105, %dma_start3A_106] : memref<8x128xi32, #tpu.memory_space<vmem>> -> memref<1x128xi32, #tpu.memory_space<vmem>>
      %dma_start3A_108 = tpu.memref_squeeze %dma_start3A_107 : memref<1x128xi32, #tpu.memory_space<vmem>> -> memref<128xi32, #tpu.memory_space<vmem>>
      %dma_start3A_109 = arith.constant 0 : i32
      %dma_start3A_110 = arith.constant 0 : i32
      %dma_start3A_111 = tpu.memref_slice %arg2[%dma_start3A_109, %dma_start3A_110] : memref<20480x128xf32, #tpu.memory_space<hbm>> -> memref<20480x128xf32, #tpu.memory_space<hbm>>
      tpu.enqueue_indirect_dma source(%dma_start3A_111 : memref<20480x128xf32, #tpu.memory_space<hbm>>) target(%arg9 : memref<128x128xf32, #tpu.memory_space<vmem>>) offsets(%dma_start3A_108 : memref<128xi32, #tpu.memory_space<vmem>>) semaphore(%arg12 : memref<!tpu.dma_semaphore, #tpu.memory_space<semaphore_mem>>)
      %dma_wait3A_112 = arith.constant 5 : i32
      %dma_wait3A_113 = arith.constant 0 : i32
      %dma_wait3A_114 = tpu.memref_slice %arg7[%dma_wait3A_112, %dma_wait3A_113] : memref<8x128xi32, #tpu.memory_space<vmem>> -> memref<1x128xi32, #tpu.memory_space<vmem>>
      %dma_wait3A_115 = tpu.memref_squeeze %dma_wait3A_114 : memref<1x128xi32, #tpu.memory_space<vmem>> -> memref<128xi32, #tpu.memory_space<vmem>>
      %dma_wait3A_116 = arith.constant 0 : i32
      %dma_wait3A_117 = arith.constant 0 : i32
      %dma_wait3A_118 = tpu.memref_slice %arg2[%dma_wait3A_116, %dma_wait3A_117] : memref<20480x128xf32, #tpu.memory_space<hbm>> -> memref<20480x128xf32, #tpu.memory_space<hbm>>
      tpu.wait_indirect_dma semaphore(%arg13 : memref<!tpu.dma_semaphore, #tpu.memory_space<semaphore_mem>>) src(%dma_wait3A_118 : memref<20480x128xf32, #tpu.memory_space<hbm>>) dst(%arg10 : memref<128x128xf32, #tpu.memory_space<vmem>>)
      %run_scoped3A_119 = arith.constant 5 : i32
      "tpu.region"() ({
        %run_scoped3A_143 = tpu.sem_alloc : memref<!tpu.dma_semaphore, #tpu.memory_space<semaphore_mem>>
        %dma_start3A_144 = arith.constant 0 : i32
        %dma_start3A_145 = tpu.memref_slice %arg8[%run_scoped3A_119, %dma_start3A_144] : memref<8x128xi32, #tpu.memory_space<vmem>> -> memref<1x128xi32, #tpu.memory_space<vmem>>
        %dma_start3A_146 = tpu.memref_squeeze %dma_start3A_145 : memref<1x128xi32, #tpu.memory_space<vmem>> -> memref<128xi32, #tpu.memory_space<vmem>>
        %dma_start3A_147 = arith.constant 0 : i32
        %dma_start3A_148 = arith.constant 0 : i32
        %dma_start3A_149 = tpu.memref_slice %arg11[%dma_start3A_147, %dma_start3A_148] : memref<10240x128xf32, #tpu.memory_space<vmem_shared>> -> memref<10240x128xf32, #tpu.memory_space<vmem_shared>>
        tpu.enqueue_indirect_dma source(%arg10 : memref<128x128xf32, #tpu.memory_space<vmem>>) target(%dma_start3A_149 : memref<10240x128xf32, #tpu.memory_space<vmem_shared>>) offsets(%dma_start3A_146 : memref<128xi32, #tpu.memory_space<vmem>>) semaphore(%run_scoped3A_143 : memref<!tpu.dma_semaphore, #tpu.memory_space<semaphore_mem>>) {add = true}
        %dma_wait3A_150 = arith.constant 0 : i32
        %dma_wait3A_151 = tpu.memref_slice %arg8[%run_scoped3A_119, %dma_wait3A_150] : memref<8x128xi32, #tpu.memory_space<vmem>> -> memref<1x128xi32, #tpu.memory_space<vmem>>
        %dma_wait3A_152 = tpu.memref_squeeze %dma_wait3A_151 : memref<1x128xi32, #tpu.memory_space<vmem>> -> memref<128xi32, #tpu.memory_space<vmem>>
        %dma_wait3A_153 = arith.constant 0 : i32
        %dma_wait3A_154 = arith.constant 0 : i32
        %dma_wait3A_155 = tpu.memref_slice %arg11[%dma_wait3A_153, %dma_wait3A_154] : memref<10240x128xf32, #tpu.memory_space<vmem_shared>> -> memref<10240x128xf32, #tpu.memory_space<vmem_shared>>
        tpu.wait_indirect_dma semaphore(%run_scoped3A_143 : memref<!tpu.dma_semaphore, #tpu.memory_space<semaphore_mem>>) src(%arg10 : memref<128x128xf32, #tpu.memory_space<vmem>>) dst(%dma_wait3A_155 : memref<10240x128xf32, #tpu.memory_space<vmem_shared>>)
        tpu.yield
      }) : () -> ()
      %dma_start3A_120 = arith.constant 7 : i32
      %dma_start3A_121 = arith.constant 0 : i32
      %dma_start3A_122 = tpu.memref_slice %arg7[%dma_start3A_120, %dma_start3A_121] : memref<8x128xi32, #tpu.memory_space<vmem>> -> memref<1x128xi32, #tpu.memory_space<vmem>>
      %dma_start3A_123 = tpu.memref_squeeze %dma_start3A_122 : memref<1x128xi32, #tpu.memory_space<vmem>> -> memref<128xi32, #tpu.memory_space<vmem>>
      %dma_start3A_124 = arith.constant 0 : i32
      %dma_start3A_125 = arith.constant 0 : i32
      %dma_start3A_126 = tpu.memref_slice %arg2[%dma_start3A_124, %dma_start3A_125] : memref<20480x128xf32, #tpu.memory_space<hbm>> -> memref<20480x128xf32, #tpu.memory_space<hbm>>
      tpu.enqueue_indirect_dma source(%dma_start3A_126 : memref<20480x128xf32, #tpu.memory_space<hbm>>) target(%arg10 : memref<128x128xf32, #tpu.memory_space<vmem>>) offsets(%dma_start3A_123 : memref<128xi32, #tpu.memory_space<vmem>>) semaphore(%arg13 : memref<!tpu.dma_semaphore, #tpu.memory_space<semaphore_mem>>)
      %dma_wait3A_127 = arith.constant 6 : i32
      %dma_wait3A_128 = arith.constant 0 : i32
      %dma_wait3A_129 = tpu.memref_slice %arg7[%dma_wait3A_127, %dma_wait3A_128] : memref<8x128xi32, #tpu.memory_space<vmem>> -> memref<1x128xi32, #tpu.memory_space<vmem>>
      %dma_wait3A_130 = tpu.memref_squeeze %dma_wait3A_129 : memref<1x128xi32, #tpu.memory_space<vmem>> -> memref<128xi32, #tpu.memory_space<vmem>>
      %dma_wait3A_131 = arith.constant 0 : i32
      %dma_wait3A_132 = arith.constant 0 : i32
      %dma_wait3A_133 = tpu.memref_slice %arg2[%dma_wait3A_131, %dma_wait3A_132] : memref<20480x128xf32, #tpu.memory_space<hbm>> -> memref<20480x128xf32, #tpu.memory_space<hbm>>
      tpu.wait_indirect_dma semaphore(%arg12 : memref<!tpu.dma_semaphore, #tpu.memory_space<semaphore_mem>>) src(%dma_wait3A_133 : memref<20480x128xf32, #tpu.memory_space<hbm>>) dst(%arg9 : memref<128x128xf32, #tpu.memory_space<vmem>>)
      %run_scoped3A_134 = arith.constant 6 : i32
      "tpu.region"() ({
        %run_scoped3A_143 = tpu.sem_alloc : memref<!tpu.dma_semaphore, #tpu.memory_space<semaphore_mem>>
        %dma_start3A_144 = arith.constant 0 : i32
        %dma_start3A_145 = tpu.memref_slice %arg8[%run_scoped3A_134, %dma_start3A_144] : memref<8x128xi32, #tpu.memory_space<vmem>> -> memref<1x128xi32, #tpu.memory_space<vmem>>
        %dma_start3A_146 = tpu.memref_squeeze %dma_start3A_145 : memref<1x128xi32, #tpu.memory_space<vmem>> -> memref<128xi32, #tpu.memory_space<vmem>>
        %dma_start3A_147 = arith.constant 0 : i32
        %dma_start3A_148 = arith.constant 0 : i32
        %dma_start3A_149 = tpu.memref_slice %arg11[%dma_start3A_147, %dma_start3A_148] : memref<10240x128xf32, #tpu.memory_space<vmem_shared>> -> memref<10240x128xf32, #tpu.memory_space<vmem_shared>>
        tpu.enqueue_indirect_dma source(%arg9 : memref<128x128xf32, #tpu.memory_space<vmem>>) target(%dma_start3A_149 : memref<10240x128xf32, #tpu.memory_space<vmem_shared>>) offsets(%dma_start3A_146 : memref<128xi32, #tpu.memory_space<vmem>>) semaphore(%run_scoped3A_143 : memref<!tpu.dma_semaphore, #tpu.memory_space<semaphore_mem>>) {add = true}
        %dma_wait3A_150 = arith.constant 0 : i32
        %dma_wait3A_151 = tpu.memref_slice %arg8[%run_scoped3A_134, %dma_wait3A_150] : memref<8x128xi32, #tpu.memory_space<vmem>> -> memref<1x128xi32, #tpu.memory_space<vmem>>
        %dma_wait3A_152 = tpu.memref_squeeze %dma_wait3A_151 : memref<1x128xi32, #tpu.memory_space<vmem>> -> memref<128xi32, #tpu.memory_space<vmem>>
        %dma_wait3A_153 = arith.constant 0 : i32
        %dma_wait3A_154 = arith.constant 0 : i32
        %dma_wait3A_155 = tpu.memref_slice %arg11[%dma_wait3A_153, %dma_wait3A_154] : memref<10240x128xf32, #tpu.memory_space<vmem_shared>> -> memref<10240x128xf32, #tpu.memory_space<vmem_shared>>
        tpu.wait_indirect_dma semaphore(%run_scoped3A_143 : memref<!tpu.dma_semaphore, #tpu.memory_space<semaphore_mem>>) src(%arg9 : memref<128x128xf32, #tpu.memory_space<vmem>>) dst(%dma_wait3A_155 : memref<10240x128xf32, #tpu.memory_space<vmem_shared>>)
        tpu.yield
      }) : () -> ()
      %dma_wait3A_135 = arith.constant 7 : i32
      %dma_wait3A_136 = arith.constant 0 : i32
      %dma_wait3A_137 = tpu.memref_slice %arg7[%dma_wait3A_135, %dma_wait3A_136] : memref<8x128xi32, #tpu.memory_space<vmem>> -> memref<1x128xi32, #tpu.memory_space<vmem>>
      %dma_wait3A_138 = tpu.memref_squeeze %dma_wait3A_137 : memref<1x128xi32, #tpu.memory_space<vmem>> -> memref<128xi32, #tpu.memory_space<vmem>>
      %dma_wait3A_139 = arith.constant 0 : i32
      %dma_wait3A_140 = arith.constant 0 : i32
      %dma_wait3A_141 = tpu.memref_slice %arg2[%dma_wait3A_139, %dma_wait3A_140] : memref<20480x128xf32, #tpu.memory_space<hbm>> -> memref<20480x128xf32, #tpu.memory_space<hbm>>
      tpu.wait_indirect_dma semaphore(%arg13 : memref<!tpu.dma_semaphore, #tpu.memory_space<semaphore_mem>>) src(%dma_wait3A_141 : memref<20480x128xf32, #tpu.memory_space<hbm>>) dst(%arg10 : memref<128x128xf32, #tpu.memory_space<vmem>>)
      %run_scoped3A_142 = arith.constant 7 : i32
      "tpu.region"() ({
        %run_scoped3A_143 = tpu.sem_alloc : memref<!tpu.dma_semaphore, #tpu.memory_space<semaphore_mem>>
        %dma_start3A_144 = arith.constant 0 : i32
        %dma_start3A_145 = tpu.memref_slice %arg8[%run_scoped3A_142, %dma_start3A_144] : memref<8x128xi32, #tpu.memory_space<vmem>> -> memref<1x128xi32, #tpu.memory_space<vmem>>
        %dma_start3A_146 = tpu.memref_squeeze %dma_start3A_145 : memref<1x128xi32, #tpu.memory_space<vmem>> -> memref<128xi32, #tpu.memory_space<vmem>>
        %dma_start3A_147 = arith.constant 0 : i32
        %dma_start3A_148 = arith.constant 0 : i32
        %dma_start3A_149 = tpu.memref_slice %arg11[%dma_start3A_147, %dma_start3A_148] : memref<10240x128xf32, #tpu.memory_space<vmem_shared>> -> memref<10240x128xf32, #tpu.memory_space<vmem_shared>>
        tpu.enqueue_indirect_dma source(%arg10 : memref<128x128xf32, #tpu.memory_space<vmem>>) target(%dma_start3A_149 : memref<10240x128xf32, #tpu.memory_space<vmem_shared>>) offsets(%dma_start3A_146 : memref<128xi32, #tpu.memory_space<vmem>>) semaphore(%run_scoped3A_143 : memref<!tpu.dma_semaphore, #tpu.memory_space<semaphore_mem>>) {add = true}
        %dma_wait3A_150 = arith.constant 0 : i32
        %dma_wait3A_151 = tpu.memref_slice %arg8[%run_scoped3A_142, %dma_wait3A_150] : memref<8x128xi32, #tpu.memory_space<vmem>> -> memref<1x128xi32, #tpu.memory_space<vmem>>
        %dma_wait3A_152 = tpu.memref_squeeze %dma_wait3A_151 : memref<1x128xi32, #tpu.memory_space<vmem>> -> memref<128xi32, #tpu.memory_space<vmem>>
        %dma_wait3A_153 = arith.constant 0 : i32
        %dma_wait3A_154 = arith.constant 0 : i32
        %dma_wait3A_155 = tpu.memref_slice %arg11[%dma_wait3A_153, %dma_wait3A_154] : memref<10240x128xf32, #tpu.memory_space<vmem_shared>> -> memref<10240x128xf32, #tpu.memory_space<vmem_shared>>
        tpu.wait_indirect_dma semaphore(%run_scoped3A_143 : memref<!tpu.dma_semaphore, #tpu.memory_space<semaphore_mem>>) src(%arg10 : memref<128x128xf32, #tpu.memory_space<vmem>>) dst(%dma_wait3A_155 : memref<10240x128xf32, #tpu.memory_space<vmem_shared>>)
        tpu.yield
      }) : () -> ()
    }
    %scan3A_14 = arith.constant 5 : i32
    %barrier3A_15 = arith.constant 0 : index
    tpu.barrier barrier_id(%barrier3A_15)
    %mul3A_16 = arith.constant 10240 : i32
    %mul3A_17 = arith.muli %arg0, %mul3A_16 : i32
    %add3A_18 = arith.addi %mul3A_17, %mul3A_2 : i32
    "tpu.region"() ({
      %run_scoped3A = tpu.sem_alloc : memref<!tpu.dma_semaphore, #tpu.memory_space<semaphore_mem>>
      %dma_start3A = arith.constant 0 : i32
      %dma_start3A_19 = tpu.memref_slice %arg6[%add3A_18, %dma_start3A] : memref<20480x128xf32, #tpu.memory_space<hbm>> -> memref<640x128xf32, #tpu.memory_space<hbm>>
      %dma_start3A_20 = arith.constant 0 : i32
      %dma_start3A_21 = tpu.memref_slice %arg11[%mul3A_2, %dma_start3A_20] : memref<10240x128xf32, #tpu.memory_space<vmem_shared>> -> memref<640x128xf32, #tpu.memory_space<vmem_shared>>
      tpu.enqueue_dma source(%dma_start3A_21 : memref<640x128xf32, #tpu.memory_space<vmem_shared>>) target(%dma_start3A_19 : memref<640x128xf32, #tpu.memory_space<hbm>>) target_semaphore(%run_scoped3A : memref<!tpu.dma_semaphore, #tpu.memory_space<semaphore_mem>>)
      %dma_wait3A = arith.constant 0 : i32
      %dma_wait3A_22 = tpu.memref_slice %arg6[%add3A_18, %dma_wait3A] : memref<20480x128xf32, #tpu.memory_space<hbm>> -> memref<640x128xf32, #tpu.memory_space<hbm>>
      %dma_wait3A_23 = arith.constant 0 : i32
      %dma_wait3A_24 = tpu.memref_slice %arg11[%mul3A_2, %dma_wait3A_23] : memref<10240x128xf32, #tpu.memory_space<vmem_shared>> -> memref<640x128xf32, #tpu.memory_space<vmem_shared>>
      tpu.wait_dma2 semaphore(%run_scoped3A : memref<!tpu.dma_semaphore, #tpu.memory_space<semaphore_mem>>) src(%dma_wait3A_24 : memref<640x128xf32, #tpu.memory_space<vmem_shared>>) dst(%dma_wait3A_22 : memref<640x128xf32, #tpu.memory_space<hbm>>)
      tpu.yield
    }) : () -> ()
    return
  }
}

#map = affine_map<(d0, d1) -> (0, 0)>
module attributes {stable_mosaic.version = 14 : i64} {
  func.func @_deg_body(%arg0: i32, %arg1: i32, %arg2: memref<1280x128xi32, #tpu.memory_space<hbm>>, %arg3: memref<640x128xf32, #tpu.memory_space<hbm>>, %arg4: memref<128x128xf32, #tpu.memory_space<hbm>>, %arg5: memref<20480x128xf32, #tpu.memory_space<hbm>>, %arg6: memref<8x128xi32, #tpu.memory_space<vmem>>, %arg7: memref<128x128xf32, #tpu.memory_space<vmem>>, %arg8: memref<10240x128xf32, #tpu.memory_space<vmem_shared>>, %arg9: memref<!tpu.dma_semaphore, #tpu.memory_space<semaphore_mem>>) attributes {dimension_semantics = [#tpu.dimension_semantics<core_parallel>, #tpu.dimension_semantics<subcore_parallel>], iteration_bounds = array<i64: 2, 16>, scalar_prefetch = 0 : i64, scratch_operands = 4 : i64, tpu.core_type = #tpu.core_type<sc_vector_subcore>, window_params = [{transform_indices = #map}, {transform_indices = #map}, {transform_indices = #map}, {transform_indices = #map}]} {
    %mul3A = arith.constant 16 : i32
    %mul3A_0 = arith.muli %arg0, %mul3A : i32
    %add3A = arith.addi %mul3A_0, %arg1 : i32
    %mul3A_1 = arith.constant 640 : i32
    %mul3A_2 = arith.muli %arg1, %mul3A_1 : i32
    "tpu.region"() ({
      %run_scoped3A = tpu.sem_alloc : memref<!tpu.dma_semaphore, #tpu.memory_space<semaphore_mem>>
      %dma_start3A = arith.constant 0 : i32
      %dma_start3A_12 = tpu.memref_slice %arg8[%mul3A_2, %dma_start3A] : memref<10240x128xf32, #tpu.memory_space<vmem_shared>> -> memref<640x128xf32, #tpu.memory_space<vmem_shared>>
      tpu.enqueue_dma source(%arg3 : memref<640x128xf32, #tpu.memory_space<hbm>>) target(%dma_start3A_12 : memref<640x128xf32, #tpu.memory_space<vmem_shared>>) target_semaphore(%run_scoped3A : memref<!tpu.dma_semaphore, #tpu.memory_space<semaphore_mem>>)
      %dma_wait3A = arith.constant 0 : i32
      %dma_wait3A_13 = tpu.memref_slice %arg8[%mul3A_2, %dma_wait3A] : memref<10240x128xf32, #tpu.memory_space<vmem_shared>> -> memref<640x128xf32, #tpu.memory_space<vmem_shared>>
      tpu.wait_dma2 semaphore(%run_scoped3A : memref<!tpu.dma_semaphore, #tpu.memory_space<semaphore_mem>>) src(%arg3 : memref<640x128xf32, #tpu.memory_space<hbm>>) dst(%dma_wait3A_13 : memref<640x128xf32, #tpu.memory_space<vmem_shared>>)
      tpu.yield
    }) : () -> ()
    "tpu.region"() ({
      %run_scoped3A = tpu.sem_alloc : memref<!tpu.dma_semaphore, #tpu.memory_space<semaphore_mem>>
      tpu.enqueue_dma source(%arg4 : memref<128x128xf32, #tpu.memory_space<hbm>>) target(%arg7 : memref<128x128xf32, #tpu.memory_space<vmem>>) target_semaphore(%run_scoped3A : memref<!tpu.dma_semaphore, #tpu.memory_space<semaphore_mem>>)
      tpu.wait_dma2 semaphore(%run_scoped3A : memref<!tpu.dma_semaphore, #tpu.memory_space<semaphore_mem>>) src(%arg4 : memref<128x128xf32, #tpu.memory_space<hbm>>) dst(%arg7 : memref<128x128xf32, #tpu.memory_space<vmem>>)
      tpu.yield
    }) : () -> ()
    %barrier3A = arith.constant 0 : index
    tpu.barrier barrier_id(%barrier3A)
    %scan3A = arith.constant 0 : i32
    %scan3A_3 = arith.constant 0 : i32
    %scan3A_4 = arith.constant 5 : i32
    %scan3A_5 = arith.addi %scan3A_3, %scan3A_4 : i32
    %scan3A_6 = arith.constant 1 : i32
    scf.for %scan3A_12 = %scan3A_3 to %scan3A_5 step %scan3A_6  : i32 {
      %mul3A_13 = arith.constant 40 : i32
      %mul3A_14 = arith.muli %add3A, %mul3A_13 : i32
      %mul3A_15 = arith.constant 8 : i32
      %mul3A_16 = arith.muli %scan3A_12, %mul3A_15 : i32
      %add3A_17 = arith.addi %mul3A_14, %mul3A_16 : i32
      "tpu.region"() ({
        %run_scoped3A_25 = tpu.sem_alloc : memref<!tpu.dma_semaphore, #tpu.memory_space<semaphore_mem>>
        %dma_start3A = arith.constant 0 : i32
        %dma_start3A_26 = tpu.memref_slice %arg2[%add3A_17, %dma_start3A] : memref<1280x128xi32, #tpu.memory_space<hbm>> -> memref<8x128xi32, #tpu.memory_space<hbm>>
        %dma_start3A_27 = arith.constant 0 : i32
        %dma_start3A_28 = tpu.memref_slice %arg2[%add3A_17, %dma_start3A_27] : memref<1280x128xi32, #tpu.memory_space<hbm>> -> memref<8x128xi32, #tpu.memory_space<hbm>>
        tpu.enqueue_dma source(%dma_start3A_28 : memref<8x128xi32, #tpu.memory_space<hbm>>) target(%arg6 : memref<8x128xi32, #tpu.memory_space<vmem>>) target_semaphore(%run_scoped3A_25 : memref<!tpu.dma_semaphore, #tpu.memory_space<semaphore_mem>>)
        %dma_wait3A = arith.constant 0 : i32
        %dma_wait3A_29 = tpu.memref_slice %arg2[%add3A_17, %dma_wait3A] : memref<1280x128xi32, #tpu.memory_space<hbm>> -> memref<8x128xi32, #tpu.memory_space<hbm>>
        %dma_wait3A_30 = arith.constant 0 : i32
        %dma_wait3A_31 = tpu.memref_slice %arg2[%add3A_17, %dma_wait3A_30] : memref<1280x128xi32, #tpu.memory_space<hbm>> -> memref<8x128xi32, #tpu.memory_space<hbm>>
        tpu.wait_dma2 semaphore(%run_scoped3A_25 : memref<!tpu.dma_semaphore, #tpu.memory_space<semaphore_mem>>) src(%dma_wait3A_31 : memref<8x128xi32, #tpu.memory_space<hbm>>) dst(%arg6 : memref<8x128xi32, #tpu.memory_space<vmem>>)
        tpu.yield
      }) : () -> ()
      %run_scoped3A = arith.constant 0 : i32
      "tpu.region"() ({
        %run_scoped3A_25 = tpu.sem_alloc : memref<!tpu.dma_semaphore, #tpu.memory_space<semaphore_mem>>
        %dma_start3A = arith.constant 0 : i32
        %dma_start3A_26 = tpu.memref_slice %arg6[%run_scoped3A, %dma_start3A] : memref<8x128xi32, #tpu.memory_space<vmem>> -> memref<1x128xi32, #tpu.memory_space<vmem>>
        %dma_start3A_27 = tpu.memref_squeeze %dma_start3A_26 : memref<1x128xi32, #tpu.memory_space<vmem>> -> memref<128xi32, #tpu.memory_space<vmem>>
        %dma_start3A_28 = arith.constant 0 : i32
        %dma_start3A_29 = arith.constant 0 : i32
        %dma_start3A_30 = tpu.memref_slice %arg8[%dma_start3A_28, %dma_start3A_29] : memref<10240x128xf32, #tpu.memory_space<vmem_shared>> -> memref<10240x128xf32, #tpu.memory_space<vmem_shared>>
        tpu.enqueue_indirect_dma source(%arg7 : memref<128x128xf32, #tpu.memory_space<vmem>>) target(%dma_start3A_30 : memref<10240x128xf32, #tpu.memory_space<vmem_shared>>) offsets(%dma_start3A_27 : memref<128xi32, #tpu.memory_space<vmem>>) semaphore(%run_scoped3A_25 : memref<!tpu.dma_semaphore, #tpu.memory_space<semaphore_mem>>) {add = true}
        %dma_wait3A = arith.constant 0 : i32
        %dma_wait3A_31 = tpu.memref_slice %arg6[%run_scoped3A, %dma_wait3A] : memref<8x128xi32, #tpu.memory_space<vmem>> -> memref<1x128xi32, #tpu.memory_space<vmem>>
        %dma_wait3A_32 = tpu.memref_squeeze %dma_wait3A_31 : memref<1x128xi32, #tpu.memory_space<vmem>> -> memref<128xi32, #tpu.memory_space<vmem>>
        %dma_wait3A_33 = arith.constant 0 : i32
        %dma_wait3A_34 = arith.constant 0 : i32
        %dma_wait3A_35 = tpu.memref_slice %arg8[%dma_wait3A_33, %dma_wait3A_34] : memref<10240x128xf32, #tpu.memory_space<vmem_shared>> -> memref<10240x128xf32, #tpu.memory_space<vmem_shared>>
        tpu.wait_indirect_dma semaphore(%run_scoped3A_25 : memref<!tpu.dma_semaphore, #tpu.memory_space<semaphore_mem>>) src(%arg7 : memref<128x128xf32, #tpu.memory_space<vmem>>) dst(%dma_wait3A_35 : memref<10240x128xf32, #tpu.memory_space<vmem_shared>>)
        tpu.yield
      }) : () -> ()
      %run_scoped3A_18 = arith.constant 1 : i32
      "tpu.region"() ({
        %run_scoped3A_25 = tpu.sem_alloc : memref<!tpu.dma_semaphore, #tpu.memory_space<semaphore_mem>>
        %dma_start3A = arith.constant 0 : i32
        %dma_start3A_26 = tpu.memref_slice %arg6[%run_scoped3A_18, %dma_start3A] : memref<8x128xi32, #tpu.memory_space<vmem>> -> memref<1x128xi32, #tpu.memory_space<vmem>>
        %dma_start3A_27 = tpu.memref_squeeze %dma_start3A_26 : memref<1x128xi32, #tpu.memory_space<vmem>> -> memref<128xi32, #tpu.memory_space<vmem>>
        %dma_start3A_28 = arith.constant 0 : i32
        %dma_start3A_29 = arith.constant 0 : i32
        %dma_start3A_30 = tpu.memref_slice %arg8[%dma_start3A_28, %dma_start3A_29] : memref<10240x128xf32, #tpu.memory_space<vmem_shared>> -> memref<10240x128xf32, #tpu.memory_space<vmem_shared>>
        tpu.enqueue_indirect_dma source(%arg7 : memref<128x128xf32, #tpu.memory_space<vmem>>) target(%dma_start3A_30 : memref<10240x128xf32, #tpu.memory_space<vmem_shared>>) offsets(%dma_start3A_27 : memref<128xi32, #tpu.memory_space<vmem>>) semaphore(%run_scoped3A_25 : memref<!tpu.dma_semaphore, #tpu.memory_space<semaphore_mem>>) {add = true}
        %dma_wait3A = arith.constant 0 : i32
        %dma_wait3A_31 = tpu.memref_slice %arg6[%run_scoped3A_18, %dma_wait3A] : memref<8x128xi32, #tpu.memory_space<vmem>> -> memref<1x128xi32, #tpu.memory_space<vmem>>
        %dma_wait3A_32 = tpu.memref_squeeze %dma_wait3A_31 : memref<1x128xi32, #tpu.memory_space<vmem>> -> memref<128xi32, #tpu.memory_space<vmem>>
        %dma_wait3A_33 = arith.constant 0 : i32
        %dma_wait3A_34 = arith.constant 0 : i32
        %dma_wait3A_35 = tpu.memref_slice %arg8[%dma_wait3A_33, %dma_wait3A_34] : memref<10240x128xf32, #tpu.memory_space<vmem_shared>> -> memref<10240x128xf32, #tpu.memory_space<vmem_shared>>
        tpu.wait_indirect_dma semaphore(%run_scoped3A_25 : memref<!tpu.dma_semaphore, #tpu.memory_space<semaphore_mem>>) src(%arg7 : memref<128x128xf32, #tpu.memory_space<vmem>>) dst(%dma_wait3A_35 : memref<10240x128xf32, #tpu.memory_space<vmem_shared>>)
        tpu.yield
      }) : () -> ()
      %run_scoped3A_19 = arith.constant 2 : i32
      "tpu.region"() ({
        %run_scoped3A_25 = tpu.sem_alloc : memref<!tpu.dma_semaphore, #tpu.memory_space<semaphore_mem>>
        %dma_start3A = arith.constant 0 : i32
        %dma_start3A_26 = tpu.memref_slice %arg6[%run_scoped3A_19, %dma_start3A] : memref<8x128xi32, #tpu.memory_space<vmem>> -> memref<1x128xi32, #tpu.memory_space<vmem>>
        %dma_start3A_27 = tpu.memref_squeeze %dma_start3A_26 : memref<1x128xi32, #tpu.memory_space<vmem>> -> memref<128xi32, #tpu.memory_space<vmem>>
        %dma_start3A_28 = arith.constant 0 : i32
        %dma_start3A_29 = arith.constant 0 : i32
        %dma_start3A_30 = tpu.memref_slice %arg8[%dma_start3A_28, %dma_start3A_29] : memref<10240x128xf32, #tpu.memory_space<vmem_shared>> -> memref<10240x128xf32, #tpu.memory_space<vmem_shared>>
        tpu.enqueue_indirect_dma source(%arg7 : memref<128x128xf32, #tpu.memory_space<vmem>>) target(%dma_start3A_30 : memref<10240x128xf32, #tpu.memory_space<vmem_shared>>) offsets(%dma_start3A_27 : memref<128xi32, #tpu.memory_space<vmem>>) semaphore(%run_scoped3A_25 : memref<!tpu.dma_semaphore, #tpu.memory_space<semaphore_mem>>) {add = true}
        %dma_wait3A = arith.constant 0 : i32
        %dma_wait3A_31 = tpu.memref_slice %arg6[%run_scoped3A_19, %dma_wait3A] : memref<8x128xi32, #tpu.memory_space<vmem>> -> memref<1x128xi32, #tpu.memory_space<vmem>>
        %dma_wait3A_32 = tpu.memref_squeeze %dma_wait3A_31 : memref<1x128xi32, #tpu.memory_space<vmem>> -> memref<128xi32, #tpu.memory_space<vmem>>
        %dma_wait3A_33 = arith.constant 0 : i32
        %dma_wait3A_34 = arith.constant 0 : i32
        %dma_wait3A_35 = tpu.memref_slice %arg8[%dma_wait3A_33, %dma_wait3A_34] : memref<10240x128xf32, #tpu.memory_space<vmem_shared>> -> memref<10240x128xf32, #tpu.memory_space<vmem_shared>>
        tpu.wait_indirect_dma semaphore(%run_scoped3A_25 : memref<!tpu.dma_semaphore, #tpu.memory_space<semaphore_mem>>) src(%arg7 : memref<128x128xf32, #tpu.memory_space<vmem>>) dst(%dma_wait3A_35 : memref<10240x128xf32, #tpu.memory_space<vmem_shared>>)
        tpu.yield
      }) : () -> ()
      %run_scoped3A_20 = arith.constant 3 : i32
      "tpu.region"() ({
        %run_scoped3A_25 = tpu.sem_alloc : memref<!tpu.dma_semaphore, #tpu.memory_space<semaphore_mem>>
        %dma_start3A = arith.constant 0 : i32
        %dma_start3A_26 = tpu.memref_slice %arg6[%run_scoped3A_20, %dma_start3A] : memref<8x128xi32, #tpu.memory_space<vmem>> -> memref<1x128xi32, #tpu.memory_space<vmem>>
        %dma_start3A_27 = tpu.memref_squeeze %dma_start3A_26 : memref<1x128xi32, #tpu.memory_space<vmem>> -> memref<128xi32, #tpu.memory_space<vmem>>
        %dma_start3A_28 = arith.constant 0 : i32
        %dma_start3A_29 = arith.constant 0 : i32
        %dma_start3A_30 = tpu.memref_slice %arg8[%dma_start3A_28, %dma_start3A_29] : memref<10240x128xf32, #tpu.memory_space<vmem_shared>> -> memref<10240x128xf32, #tpu.memory_space<vmem_shared>>
        tpu.enqueue_indirect_dma source(%arg7 : memref<128x128xf32, #tpu.memory_space<vmem>>) target(%dma_start3A_30 : memref<10240x128xf32, #tpu.memory_space<vmem_shared>>) offsets(%dma_start3A_27 : memref<128xi32, #tpu.memory_space<vmem>>) semaphore(%run_scoped3A_25 : memref<!tpu.dma_semaphore, #tpu.memory_space<semaphore_mem>>) {add = true}
        %dma_wait3A = arith.constant 0 : i32
        %dma_wait3A_31 = tpu.memref_slice %arg6[%run_scoped3A_20, %dma_wait3A] : memref<8x128xi32, #tpu.memory_space<vmem>> -> memref<1x128xi32, #tpu.memory_space<vmem>>
        %dma_wait3A_32 = tpu.memref_squeeze %dma_wait3A_31 : memref<1x128xi32, #tpu.memory_space<vmem>> -> memref<128xi32, #tpu.memory_space<vmem>>
        %dma_wait3A_33 = arith.constant 0 : i32
        %dma_wait3A_34 = arith.constant 0 : i32
        %dma_wait3A_35 = tpu.memref_slice %arg8[%dma_wait3A_33, %dma_wait3A_34] : memref<10240x128xf32, #tpu.memory_space<vmem_shared>> -> memref<10240x128xf32, #tpu.memory_space<vmem_shared>>
        tpu.wait_indirect_dma semaphore(%run_scoped3A_25 : memref<!tpu.dma_semaphore, #tpu.memory_space<semaphore_mem>>) src(%arg7 : memref<128x128xf32, #tpu.memory_space<vmem>>) dst(%dma_wait3A_35 : memref<10240x128xf32, #tpu.memory_space<vmem_shared>>)
        tpu.yield
      }) : () -> ()
      %run_scoped3A_21 = arith.constant 4 : i32
      "tpu.region"() ({
        %run_scoped3A_25 = tpu.sem_alloc : memref<!tpu.dma_semaphore, #tpu.memory_space<semaphore_mem>>
        %dma_start3A = arith.constant 0 : i32
        %dma_start3A_26 = tpu.memref_slice %arg6[%run_scoped3A_21, %dma_start3A] : memref<8x128xi32, #tpu.memory_space<vmem>> -> memref<1x128xi32, #tpu.memory_space<vmem>>
        %dma_start3A_27 = tpu.memref_squeeze %dma_start3A_26 : memref<1x128xi32, #tpu.memory_space<vmem>> -> memref<128xi32, #tpu.memory_space<vmem>>
        %dma_start3A_28 = arith.constant 0 : i32
        %dma_start3A_29 = arith.constant 0 : i32
        %dma_start3A_30 = tpu.memref_slice %arg8[%dma_start3A_28, %dma_start3A_29] : memref<10240x128xf32, #tpu.memory_space<vmem_shared>> -> memref<10240x128xf32, #tpu.memory_space<vmem_shared>>
        tpu.enqueue_indirect_dma source(%arg7 : memref<128x128xf32, #tpu.memory_space<vmem>>) target(%dma_start3A_30 : memref<10240x128xf32, #tpu.memory_space<vmem_shared>>) offsets(%dma_start3A_27 : memref<128xi32, #tpu.memory_space<vmem>>) semaphore(%run_scoped3A_25 : memref<!tpu.dma_semaphore, #tpu.memory_space<semaphore_mem>>) {add = true}
        %dma_wait3A = arith.constant 0 : i32
        %dma_wait3A_31 = tpu.memref_slice %arg6[%run_scoped3A_21, %dma_wait3A] : memref<8x128xi32, #tpu.memory_space<vmem>> -> memref<1x128xi32, #tpu.memory_space<vmem>>
        %dma_wait3A_32 = tpu.memref_squeeze %dma_wait3A_31 : memref<1x128xi32, #tpu.memory_space<vmem>> -> memref<128xi32, #tpu.memory_space<vmem>>
        %dma_wait3A_33 = arith.constant 0 : i32
        %dma_wait3A_34 = arith.constant 0 : i32
        %dma_wait3A_35 = tpu.memref_slice %arg8[%dma_wait3A_33, %dma_wait3A_34] : memref<10240x128xf32, #tpu.memory_space<vmem_shared>> -> memref<10240x128xf32, #tpu.memory_space<vmem_shared>>
        tpu.wait_indirect_dma semaphore(%run_scoped3A_25 : memref<!tpu.dma_semaphore, #tpu.memory_space<semaphore_mem>>) src(%arg7 : memref<128x128xf32, #tpu.memory_space<vmem>>) dst(%dma_wait3A_35 : memref<10240x128xf32, #tpu.memory_space<vmem_shared>>)
        tpu.yield
      }) : () -> ()
      %run_scoped3A_22 = arith.constant 5 : i32
      "tpu.region"() ({
        %run_scoped3A_25 = tpu.sem_alloc : memref<!tpu.dma_semaphore, #tpu.memory_space<semaphore_mem>>
        %dma_start3A = arith.constant 0 : i32
        %dma_start3A_26 = tpu.memref_slice %arg6[%run_scoped3A_22, %dma_start3A] : memref<8x128xi32, #tpu.memory_space<vmem>> -> memref<1x128xi32, #tpu.memory_space<vmem>>
        %dma_start3A_27 = tpu.memref_squeeze %dma_start3A_26 : memref<1x128xi32, #tpu.memory_space<vmem>> -> memref<128xi32, #tpu.memory_space<vmem>>
        %dma_start3A_28 = arith.constant 0 : i32
        %dma_start3A_29 = arith.constant 0 : i32
        %dma_start3A_30 = tpu.memref_slice %arg8[%dma_start3A_28, %dma_start3A_29] : memref<10240x128xf32, #tpu.memory_space<vmem_shared>> -> memref<10240x128xf32, #tpu.memory_space<vmem_shared>>
        tpu.enqueue_indirect_dma source(%arg7 : memref<128x128xf32, #tpu.memory_space<vmem>>) target(%dma_start3A_30 : memref<10240x128xf32, #tpu.memory_space<vmem_shared>>) offsets(%dma_start3A_27 : memref<128xi32, #tpu.memory_space<vmem>>) semaphore(%run_scoped3A_25 : memref<!tpu.dma_semaphore, #tpu.memory_space<semaphore_mem>>) {add = true}
        %dma_wait3A = arith.constant 0 : i32
        %dma_wait3A_31 = tpu.memref_slice %arg6[%run_scoped3A_22, %dma_wait3A] : memref<8x128xi32, #tpu.memory_space<vmem>> -> memref<1x128xi32, #tpu.memory_space<vmem>>
        %dma_wait3A_32 = tpu.memref_squeeze %dma_wait3A_31 : memref<1x128xi32, #tpu.memory_space<vmem>> -> memref<128xi32, #tpu.memory_space<vmem>>
        %dma_wait3A_33 = arith.constant 0 : i32
        %dma_wait3A_34 = arith.constant 0 : i32
        %dma_wait3A_35 = tpu.memref_slice %arg8[%dma_wait3A_33, %dma_wait3A_34] : memref<10240x128xf32, #tpu.memory_space<vmem_shared>> -> memref<10240x128xf32, #tpu.memory_space<vmem_shared>>
        tpu.wait_indirect_dma semaphore(%run_scoped3A_25 : memref<!tpu.dma_semaphore, #tpu.memory_space<semaphore_mem>>) src(%arg7 : memref<128x128xf32, #tpu.memory_space<vmem>>) dst(%dma_wait3A_35 : memref<10240x128xf32, #tpu.memory_space<vmem_shared>>)
        tpu.yield
      }) : () -> ()
      %run_scoped3A_23 = arith.constant 6 : i32
      "tpu.region"() ({
        %run_scoped3A_25 = tpu.sem_alloc : memref<!tpu.dma_semaphore, #tpu.memory_space<semaphore_mem>>
        %dma_start3A = arith.constant 0 : i32
        %dma_start3A_26 = tpu.memref_slice %arg6[%run_scoped3A_23, %dma_start3A] : memref<8x128xi32, #tpu.memory_space<vmem>> -> memref<1x128xi32, #tpu.memory_space<vmem>>
        %dma_start3A_27 = tpu.memref_squeeze %dma_start3A_26 : memref<1x128xi32, #tpu.memory_space<vmem>> -> memref<128xi32, #tpu.memory_space<vmem>>
        %dma_start3A_28 = arith.constant 0 : i32
        %dma_start3A_29 = arith.constant 0 : i32
        %dma_start3A_30 = tpu.memref_slice %arg8[%dma_start3A_28, %dma_start3A_29] : memref<10240x128xf32, #tpu.memory_space<vmem_shared>> -> memref<10240x128xf32, #tpu.memory_space<vmem_shared>>
        tpu.enqueue_indirect_dma source(%arg7 : memref<128x128xf32, #tpu.memory_space<vmem>>) target(%dma_start3A_30 : memref<10240x128xf32, #tpu.memory_space<vmem_shared>>) offsets(%dma_start3A_27 : memref<128xi32, #tpu.memory_space<vmem>>) semaphore(%run_scoped3A_25 : memref<!tpu.dma_semaphore, #tpu.memory_space<semaphore_mem>>) {add = true}
        %dma_wait3A = arith.constant 0 : i32
        %dma_wait3A_31 = tpu.memref_slice %arg6[%run_scoped3A_23, %dma_wait3A] : memref<8x128xi32, #tpu.memory_space<vmem>> -> memref<1x128xi32, #tpu.memory_space<vmem>>
        %dma_wait3A_32 = tpu.memref_squeeze %dma_wait3A_31 : memref<1x128xi32, #tpu.memory_space<vmem>> -> memref<128xi32, #tpu.memory_space<vmem>>
        %dma_wait3A_33 = arith.constant 0 : i32
        %dma_wait3A_34 = arith.constant 0 : i32
        %dma_wait3A_35 = tpu.memref_slice %arg8[%dma_wait3A_33, %dma_wait3A_34] : memref<10240x128xf32, #tpu.memory_space<vmem_shared>> -> memref<10240x128xf32, #tpu.memory_space<vmem_shared>>
        tpu.wait_indirect_dma semaphore(%run_scoped3A_25 : memref<!tpu.dma_semaphore, #tpu.memory_space<semaphore_mem>>) src(%arg7 : memref<128x128xf32, #tpu.memory_space<vmem>>) dst(%dma_wait3A_35 : memref<10240x128xf32, #tpu.memory_space<vmem_shared>>)
        tpu.yield
      }) : () -> ()
      %run_scoped3A_24 = arith.constant 7 : i32
      "tpu.region"() ({
        %run_scoped3A_25 = tpu.sem_alloc : memref<!tpu.dma_semaphore, #tpu.memory_space<semaphore_mem>>
        %dma_start3A = arith.constant 0 : i32
        %dma_start3A_26 = tpu.memref_slice %arg6[%run_scoped3A_24, %dma_start3A] : memref<8x128xi32, #tpu.memory_space<vmem>> -> memref<1x128xi32, #tpu.memory_space<vmem>>
        %dma_start3A_27 = tpu.memref_squeeze %dma_start3A_26 : memref<1x128xi32, #tpu.memory_space<vmem>> -> memref<128xi32, #tpu.memory_space<vmem>>
        %dma_start3A_28 = arith.constant 0 : i32
        %dma_start3A_29 = arith.constant 0 : i32
        %dma_start3A_30 = tpu.memref_slice %arg8[%dma_start3A_28, %dma_start3A_29] : memref<10240x128xf32, #tpu.memory_space<vmem_shared>> -> memref<10240x128xf32, #tpu.memory_space<vmem_shared>>
        tpu.enqueue_indirect_dma source(%arg7 : memref<128x128xf32, #tpu.memory_space<vmem>>) target(%dma_start3A_30 : memref<10240x128xf32, #tpu.memory_space<vmem_shared>>) offsets(%dma_start3A_27 : memref<128xi32, #tpu.memory_space<vmem>>) semaphore(%run_scoped3A_25 : memref<!tpu.dma_semaphore, #tpu.memory_space<semaphore_mem>>) {add = true}
        %dma_wait3A = arith.constant 0 : i32
        %dma_wait3A_31 = tpu.memref_slice %arg6[%run_scoped3A_24, %dma_wait3A] : memref<8x128xi32, #tpu.memory_space<vmem>> -> memref<1x128xi32, #tpu.memory_space<vmem>>
        %dma_wait3A_32 = tpu.memref_squeeze %dma_wait3A_31 : memref<1x128xi32, #tpu.memory_space<vmem>> -> memref<128xi32, #tpu.memory_space<vmem>>
        %dma_wait3A_33 = arith.constant 0 : i32
        %dma_wait3A_34 = arith.constant 0 : i32
        %dma_wait3A_35 = tpu.memref_slice %arg8[%dma_wait3A_33, %dma_wait3A_34] : memref<10240x128xf32, #tpu.memory_space<vmem_shared>> -> memref<10240x128xf32, #tpu.memory_space<vmem_shared>>
        tpu.wait_indirect_dma semaphore(%run_scoped3A_25 : memref<!tpu.dma_semaphore, #tpu.memory_space<semaphore_mem>>) src(%arg7 : memref<128x128xf32, #tpu.memory_space<vmem>>) dst(%dma_wait3A_35 : memref<10240x128xf32, #tpu.memory_space<vmem_shared>>)
        tpu.yield
      }) : () -> ()
    }
    %scan3A_7 = arith.constant 5 : i32
    %barrier3A_8 = arith.constant 0 : index
    tpu.barrier barrier_id(%barrier3A_8)
    %mul3A_9 = arith.constant 10240 : i32
    %mul3A_10 = arith.muli %arg0, %mul3A_9 : i32
    %add3A_11 = arith.addi %mul3A_10, %mul3A_2 : i32
    "tpu.region"() ({
      %run_scoped3A = tpu.sem_alloc : memref<!tpu.dma_semaphore, #tpu.memory_space<semaphore_mem>>
      %dma_start3A = arith.constant 0 : i32
      %dma_start3A_12 = tpu.memref_slice %arg5[%add3A_11, %dma_start3A] : memref<20480x128xf32, #tpu.memory_space<hbm>> -> memref<640x128xf32, #tpu.memory_space<hbm>>
      %dma_start3A_13 = arith.constant 0 : i32
      %dma_start3A_14 = tpu.memref_slice %arg8[%mul3A_2, %dma_start3A_13] : memref<10240x128xf32, #tpu.memory_space<vmem_shared>> -> memref<640x128xf32, #tpu.memory_space<vmem_shared>>
      tpu.enqueue_dma source(%dma_start3A_14 : memref<640x128xf32, #tpu.memory_space<vmem_shared>>) target(%dma_start3A_12 : memref<640x128xf32, #tpu.memory_space<hbm>>) target_semaphore(%run_scoped3A : memref<!tpu.dma_semaphore, #tpu.memory_space<semaphore_mem>>)
      %dma_wait3A = arith.constant 0 : i32
      %dma_wait3A_15 = tpu.memref_slice %arg5[%add3A_11, %dma_wait3A] : memref<20480x128xf32, #tpu.memory_space<hbm>> -> memref<640x128xf32, #tpu.memory_space<hbm>>
      %dma_wait3A_16 = arith.constant 0 : i32
      %dma_wait3A_17 = tpu.memref_slice %arg8[%mul3A_2, %dma_wait3A_16] : memref<10240x128xf32, #tpu.memory_space<vmem_shared>> -> memref<640x128xf32, #tpu.memory_space<vmem_shared>>
      tpu.wait_dma2 semaphore(%run_scoped3A : memref<!tpu.dma_semaphore, #tpu.memory_space<semaphore_mem>>) src(%dma_wait3A_17 : memref<640x128xf32, #tpu.memory_space<vmem_shared>>) dst(%dma_wait3A_15 : memref<640x128xf32, #tpu.memory_space<hbm>>)
      tpu.yield
    }) : () -> ()
    return
  }
}

module attributes {stable_mosaic.version = 14 : i64} {
  func.func @_mm1_body(%arg0: i32, %arg1: memref<256x768xf32, #tpu.memory_space<vmem>>, %arg2: memref<128x768xf32, #tpu.memory_space<vmem>>, %arg3: memref<128x768xf32, #tpu.memory_space<vmem>>, %arg4: memref<256x768xf32, #tpu.memory_space<vmem>>, %arg5: memref<1x256xf32, #tpu.memory_space<vmem>>, %arg6: memref<256x128xf32, #tpu.memory_space<vmem>>, %arg7: memref<256x128xf32, #tpu.memory_space<vmem>>, %arg8: memref<256x256xf32, #tpu.memory_space<vmem>>) attributes {dimension_semantics = [#tpu.dimension_semantics<arbitrary>], iteration_bounds = array<i64: 40>, scalar_prefetch = 0 : i64, scratch_operands = 0 : i64, tpu.core_type = #tpu.core_type<tc>, window_params = [{transform_indices = @transform_0, window_bounds = array<i64: 256, 768>}, {pipeline_mode = #tpu.pipeline_mode<synchronous>, transform_indices = @transform_1, window_bounds = array<i64: 128, 768>}, {pipeline_mode = #tpu.pipeline_mode<synchronous>, transform_indices = @transform_2, window_bounds = array<i64: 128, 768>}, {pipeline_mode = #tpu.pipeline_mode<synchronous>, transform_indices = @transform_3, window_bounds = array<i64: 256, 768>}, {pipeline_mode = #tpu.pipeline_mode<synchronous>, transform_indices = @transform_4, window_bounds = array<i64: 1, 256>}, {transform_indices = @transform_5, window_bounds = array<i64: 256, 128>}, {transform_indices = @transform_6, window_bounds = array<i64: 256, 128>}, {transform_indices = @transform_7, window_bounds = array<i64: 256, 256>}]} {
    %get3A = arith.constant 0 : index
    %get3A_0 = arith.constant 0 : index
    %get3A_1 = vector.load %arg1[%get3A, %get3A_0] : memref<256x768xf32, #tpu.memory_space<vmem>>, vector<256x768xf32>
    %get3A_2 = arith.constant 0 : index
    %get3A_3 = arith.constant 0 : index
    %get3A_4 = vector.load %arg2[%get3A_2, %get3A_3] : memref<128x768xf32, #tpu.memory_space<vmem>>, vector<128x768xf32>
    %dot_general3A = arith.constant dense<0.000000e+00> : vector<256x128xf32>
    %dot_general3A_5 = tpu.matmul %get3A_1, %get3A_4, %dot_general3A {dimension_numbers = #tpu.dot_dimension_numbers<[1], [1], [0], [0], [0, 0, 1, 0], [], []>, transpose_lhs_hint = false} : vector<256x768xf32>, vector<128x768xf32>, vector<256x128xf32> -> vector<256x128xf32>
    %swap3A = arith.constant 0 : index
    %swap3A_6 = arith.constant 0 : index
    %swap3A_7 = vector.load %arg6[%swap3A, %swap3A_6] : memref<256x128xf32, #tpu.memory_space<vmem>>, vector<256x128xf32>
    tpu.vector_store %arg6[%swap3A, %swap3A_6], %dot_general3A_5 {strides = array<i32>} : memref<256x128xf32, #tpu.memory_space<vmem>>, vector<256x128xf32>,
    %get3A_8 = arith.constant 0 : index
    %get3A_9 = arith.constant 0 : index
    %get3A_10 = vector.load %arg3[%get3A_8, %get3A_9] : memref<128x768xf32, #tpu.memory_space<vmem>>, vector<128x768xf32>
    %dot_general3A_11 = arith.constant dense<0.000000e+00> : vector<256x128xf32>
    %dot_general3A_12 = tpu.matmul %get3A_1, %get3A_10, %dot_general3A_11 {dimension_numbers = #tpu.dot_dimension_numbers<[1], [1], [0], [0], [0, 0, 1, 0], [], []>, transpose_lhs_hint = false} : vector<256x768xf32>, vector<128x768xf32>, vector<256x128xf32> -> vector<256x128xf32>
    %swap3A_13 = arith.constant 0 : index
    %swap3A_14 = arith.constant 0 : index
    %swap3A_15 = vector.load %arg7[%swap3A_13, %swap3A_14] : memref<256x128xf32, #tpu.memory_space<vmem>>, vector<256x128xf32>
    tpu.vector_store %arg7[%swap3A_13, %swap3A_14], %dot_general3A_12 {strides = array<i32>} : memref<256x128xf32, #tpu.memory_space<vmem>>, vector<256x128xf32>,
    %get3A_16 = arith.constant 0 : index
    %get3A_17 = arith.constant 0 : index
    %get3A_18 = vector.load %arg4[%get3A_16, %get3A_17] : memref<256x768xf32, #tpu.memory_space<vmem>>, vector<256x768xf32>
    %dot_general3A_19 = arith.constant dense<0.000000e+00> : vector<256x256xf32>
    %dot_general3A_20 = tpu.matmul %get3A_1, %get3A_18, %dot_general3A_19 {dimension_numbers = #tpu.dot_dimension_numbers<[1], [1], [0], [0], [0, 0, 1, 0], [], []>, transpose_lhs_hint = false} : vector<256x768xf32>, vector<256x768xf32>, vector<256x256xf32> -> vector<256x256xf32>
    %get3A_21 = arith.constant 0 : index
    %get3A_22 = arith.constant 0 : index
    %get3A_23 = vector.load %arg5[%get3A_21, %get3A_22] : memref<1x256xf32, #tpu.memory_space<vmem>>, vector<1x256xf32>
    %add3A = vector.broadcast %get3A_23 : vector<1x256xf32> to vector<256x256xf32>
    %add3A_24 = arith.addf %dot_general3A_20, %add3A : vector<256x256xf32>
    %swap3A_25 = arith.constant 0 : index
    %swap3A_26 = arith.constant 0 : index
    %swap3A_27 = vector.load %arg8[%swap3A_25, %swap3A_26] : memref<256x256xf32, #tpu.memory_space<vmem>>, vector<256x256xf32>
    tpu.vector_store %arg8[%swap3A_25, %swap3A_26], %add3A_24 {strides = array<i32>} : memref<256x256xf32, #tpu.memory_space<vmem>>, vector<256x256xf32>,
    return
  }
  func.func @transform_0(%arg0: i32) -> (i32, i32) {
    %c0_i32 = arith.constant 0 : i32
    %c0_i32_0 = arith.constant 0 : i32
    return %arg0, %c0_i32 : i32, i32
  }
  func.func @transform_1(%arg0: i32) -> (i32, i32) {
    %c0_i32 = arith.constant 0 : i32
    %c0_i32_0 = arith.constant 0 : i32
    %c0_i32_1 = arith.constant 0 : i32
    return %c0_i32, %c0_i32_0 : i32, i32
  }
  func.func @transform_2(%arg0: i32) -> (i32, i32) {
    %c0_i32 = arith.constant 0 : i32
    %c0_i32_0 = arith.constant 0 : i32
    %c0_i32_1 = arith.constant 0 : i32
    return %c0_i32, %c0_i32_0 : i32, i32
  }
  func.func @transform_3(%arg0: i32) -> (i32, i32) {
    %c0_i32 = arith.constant 0 : i32
    %c0_i32_0 = arith.constant 0 : i32
    %c0_i32_1 = arith.constant 0 : i32
    return %c0_i32, %c0_i32_0 : i32, i32
  }
  func.func @transform_4(%arg0: i32) -> (i32, i32) {
    %c0_i32 = arith.constant 0 : i32
    %c0_i32_0 = arith.constant 0 : i32
    %c0_i32_1 = arith.constant 0 : i32
    return %c0_i32, %c0_i32_0 : i32, i32
  }
  func.func @transform_5(%arg0: i32) -> (i32, i32) {
    %c0_i32 = arith.constant 0 : i32
    %c0_i32_0 = arith.constant 0 : i32
    return %arg0, %c0_i32 : i32, i32
  }
  func.func @transform_6(%arg0: i32) -> (i32, i32) {
    %c0_i32 = arith.constant 0 : i32
    %c0_i32_0 = arith.constant 0 : i32
    return %arg0, %c0_i32 : i32, i32
  }
  func.func @transform_7(%arg0: i32) -> (i32, i32) {
    %c0_i32 = arith.constant 0 : i32
    %c0_i32_0 = arith.constant 0 : i32
    return %arg0, %c0_i32 : i32, i32
  }
}

module attributes {stable_mosaic.version = 14 : i64} {
  func.func @_mm2_body(%arg0: i32, %arg1: memref<256x128xf32, #tpu.memory_space<vmem>>, %arg2: memref<256x128xf32, #tpu.memory_space<vmem>>, %arg3: memref<256x256xf32, #tpu.memory_space<vmem>>, %arg4: memref<256x128xf32, #tpu.memory_space<vmem>>, %arg5: memref<256x128xf32, #tpu.memory_space<vmem>>, %arg6: memref<128x256xf32, #tpu.memory_space<vmem>>, %arg7: memref<128x256xf32, #tpu.memory_space<vmem>>, %arg8: memref<1x128xf32, #tpu.memory_space<vmem>>, %arg9: memref<256x128xf32, #tpu.memory_space<vmem>>, %arg10: memref<256x128xf32, #tpu.memory_space<vmem>>) attributes {dimension_semantics = [#tpu.dimension_semantics<arbitrary>], iteration_bounds = array<i64: 40>, scalar_prefetch = 0 : i64, scratch_operands = 0 : i64, tpu.core_type = #tpu.core_type<tc>, window_params = [{transform_indices = @transform_0, window_bounds = array<i64: 256, 128>}, {transform_indices = @transform_1, window_bounds = array<i64: 256, 128>}, {transform_indices = @transform_2, window_bounds = array<i64: 256, 256>}, {transform_indices = @transform_3, window_bounds = array<i64: 256, 128>}, {transform_indices = @transform_4, window_bounds = array<i64: 256, 128>}, {pipeline_mode = #tpu.pipeline_mode<synchronous>, transform_indices = @transform_5, window_bounds = array<i64: 128, 256>}, {pipeline_mode = #tpu.pipeline_mode<synchronous>, transform_indices = @transform_6, window_bounds = array<i64: 128, 256>}, {pipeline_mode = #tpu.pipeline_mode<synchronous>, transform_indices = @transform_7, window_bounds = array<i64: 1, 128>}, {transform_indices = @transform_8, window_bounds = array<i64: 256, 128>}, {transform_indices = @transform_9, window_bounds = array<i64: 256, 128>}]} {
    %get3A = arith.constant 0 : index
    %get3A_0 = arith.constant 0 : index
    %get3A_1 = vector.load %arg4[%get3A, %get3A_0] : memref<256x128xf32, #tpu.memory_space<vmem>>, vector<256x128xf32>
    %slice3A = vector.extract_strided_slice %get3A_1 {offsets = [0, 0], sizes = [256, 1], strides = [1, 1]} : vector<256x128xf32> to vector<256x1xf32>
    %get3A_2 = arith.constant 0 : index
    %get3A_3 = arith.constant 0 : index
    %get3A_4 = vector.load %arg5[%get3A_2, %get3A_3] : memref<256x128xf32, #tpu.memory_space<vmem>>, vector<256x128xf32>
    %slice3A_5 = vector.extract_strided_slice %get3A_4 {offsets = [0, 0], sizes = [256, 1], strides = [1, 1]} : vector<256x128xf32> to vector<256x1xf32>
    %add3A = arith.addf %slice3A, %slice3A_5 : vector<256x1xf32>
    %max3A = arith.constant 1.000000e+00 : f32
    %max3A_6 = vector.broadcast %max3A : f32 to vector<256x1xf32>
    %max3A_7 = arith.maximumf %add3A, %max3A_6 : vector<256x1xf32>
    %get3A_8 = arith.constant 0 : index
    %get3A_9 = arith.constant 0 : index
    %get3A_10 = vector.load %arg1[%get3A_8, %get3A_9] : memref<256x128xf32, #tpu.memory_space<vmem>>, vector<256x128xf32>
    %get3A_11 = arith.constant 0 : index
    %get3A_12 = arith.constant 0 : index
    %get3A_13 = vector.load %arg2[%get3A_11, %get3A_12] : memref<256x128xf32, #tpu.memory_space<vmem>>, vector<256x128xf32>
    %concatenate3A = tpu.concatenate %get3A_10, %get3A_13 in 1 : vector<256x128xf32>, vector<256x128xf32> -> vector<256x256xf32>
    %div3A = vector.broadcast %max3A_7 : vector<256x1xf32> to vector<256x256xf32>
    %div3A_14 = arith.divf %concatenate3A, %div3A : vector<256x256xf32>
    %get3A_15 = arith.constant 0 : index
    %get3A_16 = arith.constant 0 : index
    %get3A_17 = vector.load %arg3[%get3A_15, %get3A_16] : memref<256x256xf32, #tpu.memory_space<vmem>>, vector<256x256xf32>
    %add3A_18 = arith.addf %div3A_14, %get3A_17 : vector<256x256xf32>
    %max3A_19 = arith.constant 0.000000e+00 : f32
    %max3A_20 = vector.broadcast %max3A_19 : f32 to vector<256x256xf32>
    %max3A_21 = arith.maximumf %add3A_18, %max3A_20 : vector<256x256xf32>
    %get3A_22 = arith.constant 0 : index
    %get3A_23 = arith.constant 0 : index
    %get3A_24 = vector.load %arg6[%get3A_22, %get3A_23] : memref<128x256xf32, #tpu.memory_space<vmem>>, vector<128x256xf32>
    %dot_general3A = arith.constant dense<0.000000e+00> : vector<256x128xf32>
    %dot_general3A_25 = tpu.matmul %max3A_21, %get3A_24, %dot_general3A {dimension_numbers = #tpu.dot_dimension_numbers<[1], [1], [0], [0], [0, 0, 1, 0], [], []>, transpose_lhs_hint = false} : vector<256x256xf32>, vector<128x256xf32>, vector<256x128xf32> -> vector<256x128xf32>
    %swap3A = arith.constant 0 : index
    %swap3A_26 = arith.constant 0 : index
    %swap3A_27 = vector.load %arg9[%swap3A, %swap3A_26] : memref<256x128xf32, #tpu.memory_space<vmem>>, vector<256x128xf32>
    tpu.vector_store %arg9[%swap3A, %swap3A_26], %dot_general3A_25 {strides = array<i32>} : memref<256x128xf32, #tpu.memory_space<vmem>>, vector<256x128xf32>,
    %get3A_28 = arith.constant 0 : index
    %get3A_29 = arith.constant 0 : index
    %get3A_30 = vector.load %arg7[%get3A_28, %get3A_29] : memref<128x256xf32, #tpu.memory_space<vmem>>, vector<128x256xf32>
    %dot_general3A_31 = arith.constant dense<0.000000e+00> : vector<256x128xf32>
    %dot_general3A_32 = tpu.matmul %max3A_21, %get3A_30, %dot_general3A_31 {dimension_numbers = #tpu.dot_dimension_numbers<[1], [1], [0], [0], [0, 0, 1, 0], [], []>, transpose_lhs_hint = false} : vector<256x256xf32>, vector<128x256xf32>, vector<256x128xf32> -> vector<256x128xf32>
    %get3A_33 = arith.constant 0 : index
    %get3A_34 = arith.constant 0 : index
    %get3A_35 = vector.load %arg8[%get3A_33, %get3A_34] : memref<1x128xf32, #tpu.memory_space<vmem>>, vector<1x128xf32>
    %add3A_36 = vector.broadcast %get3A_35 : vector<1x128xf32> to vector<256x128xf32>
    %add3A_37 = arith.addf %dot_general3A_32, %add3A_36 : vector<256x128xf32>
    %swap3A_38 = arith.constant 0 : index
    %swap3A_39 = arith.constant 0 : index
    %swap3A_40 = vector.load %arg10[%swap3A_38, %swap3A_39] : memref<256x128xf32, #tpu.memory_space<vmem>>, vector<256x128xf32>
    tpu.vector_store %arg10[%swap3A_38, %swap3A_39], %add3A_37 {strides = array<i32>} : memref<256x128xf32, #tpu.memory_space<vmem>>, vector<256x128xf32>,
    return
  }
  func.func @transform_0(%arg0: i32) -> (i32, i32) {
    %c0_i32 = arith.constant 0 : i32
    %c0_i32_0 = arith.constant 0 : i32
    return %arg0, %c0_i32 : i32, i32
  }
  func.func @transform_1(%arg0: i32) -> (i32, i32) {
    %add3A = arith.constant 40 : i32
    %add3A_0 = arith.addi %arg0, %add3A : i32
    %c0_i32 = arith.constant 0 : i32
    %c0_i32_1 = arith.constant 0 : i32
    return %add3A_0, %c0_i32 : i32, i32
  }
  func.func @transform_2(%arg0: i32) -> (i32, i32) {
    %c0_i32 = arith.constant 0 : i32
    %c0_i32_0 = arith.constant 0 : i32
    return %arg0, %c0_i32 : i32, i32
  }
  func.func @transform_3(%arg0: i32) -> (i32, i32) {
    %c0_i32 = arith.constant 0 : i32
    %c0_i32_0 = arith.constant 0 : i32
    return %arg0, %c0_i32 : i32, i32
  }
  func.func @transform_4(%arg0: i32) -> (i32, i32) {
    %add3A = arith.constant 40 : i32
    %add3A_0 = arith.addi %arg0, %add3A : i32
    %c0_i32 = arith.constant 0 : i32
    %c0_i32_1 = arith.constant 0 : i32
    return %add3A_0, %c0_i32 : i32, i32
  }
  func.func @transform_5(%arg0: i32) -> (i32, i32) {
    %c0_i32 = arith.constant 0 : i32
    %c0_i32_0 = arith.constant 0 : i32
    %c0_i32_1 = arith.constant 0 : i32
    return %c0_i32, %c0_i32_0 : i32, i32
  }
  func.func @transform_6(%arg0: i32) -> (i32, i32) {
    %c0_i32 = arith.constant 0 : i32
    %c0_i32_0 = arith.constant 0 : i32
    %c0_i32_1 = arith.constant 0 : i32
    return %c0_i32, %c0_i32_0 : i32, i32
  }
  func.func @transform_7(%arg0: i32) -> (i32, i32) {
    %c0_i32 = arith.constant 0 : i32
    %c0_i32_0 = arith.constant 0 : i32
    %c0_i32_1 = arith.constant 0 : i32
    return %c0_i32, %c0_i32_0 : i32, i32
  }
  func.func @transform_8(%arg0: i32) -> (i32, i32) {
    %c0_i32 = arith.constant 0 : i32
    %c0_i32_0 = arith.constant 0 : i32
    return %arg0, %c0_i32 : i32, i32
  }
  func.func @transform_9(%arg0: i32) -> (i32, i32) {
    %c0_i32 = arith.constant 0 : i32
    %c0_i32_0 = arith.constant 0 : i32
    return %arg0, %c0_i32 : i32, i32
  }
}

module attributes {stable_mosaic.version = 14 : i64} {
  func.func @_head_body(%arg0: i32, %arg1: memref<256x128xf32, #tpu.memory_space<vmem>>, %arg2: memref<256x128xf32, #tpu.memory_space<vmem>>, %arg3: memref<256x128xf32, #tpu.memory_space<vmem>>, %arg4: memref<256x128xf32, #tpu.memory_space<vmem>>, %arg5: memref<256x128xf32, #tpu.memory_space<vmem>>, %arg6: memref<1x1x256xi32, #tpu.memory_space<vmem>>, %arg7: memref<64x128xf32, #tpu.memory_space<vmem>>, %arg8: memref<1x64xf32, #tpu.memory_space<vmem>>, %arg9: memref<2x64xf32, #tpu.memory_space<vmem>>, %arg10: memref<1x2xf32, #tpu.memory_space<vmem>>, %arg11: memref<128x2xf32, #tpu.memory_space<vmem>>, %arg12: memref<128x128xf32, #tpu.memory_space<vmem>>, %arg13: memref<128x8xf32, #tpu.memory_space<vmem>>) attributes {dimension_semantics = [#tpu.dimension_semantics<arbitrary>], iteration_bounds = array<i64: 40>, scalar_prefetch = 0 : i64, scratch_operands = 2 : i64, tpu.core_type = #tpu.core_type<tc>, window_params = [{transform_indices = @transform_0, window_bounds = array<i64: 256, 128>}, {transform_indices = @transform_1, window_bounds = array<i64: 256, 128>}, {transform_indices = @transform_2, window_bounds = array<i64: 256, 128>}, {transform_indices = @transform_3, window_bounds = array<i64: 256, 128>}, {transform_indices = @transform_4, window_bounds = array<i64: 256, 128>}, {transform_indices = @transform_5, window_bounds = array<i64: 1, 1, 256>}, {pipeline_mode = #tpu.pipeline_mode<synchronous>, transform_indices = @transform_6, window_bounds = array<i64: 64, 128>}, {pipeline_mode = #tpu.pipeline_mode<synchronous>, transform_indices = @transform_7, window_bounds = array<i64: 1, 64>}, {pipeline_mode = #tpu.pipeline_mode<synchronous>, transform_indices = @transform_8, window_bounds = array<i64: 2, 64>}, {pipeline_mode = #tpu.pipeline_mode<synchronous>, transform_indices = @transform_9, window_bounds = array<i64: 1, 2>}, {pipeline_mode = #tpu.pipeline_mode<synchronous>, transform_indices = @transform_10, window_bounds = array<i64: 128, 2>}]} {
    %eq3A = arith.constant 0 : i32
    %eq3A_0 = arith.cmpi eq, %arg0, %eq3A : i32
    %convert_element_type3A = arith.extui %eq3A_0 : i1 to i32
    %cond3A = arith.constant 0 : i32
    %cond3A_1 = arith.cmpi ne, %convert_element_type3A, %cond3A : i32
    scf.if %cond3A_1 {
      %broadcast_in_dim3A_57 = arith.constant 0.000000e+00 : f32
      %broadcast_in_dim3A_58 = vector.broadcast %broadcast_in_dim3A_57 : f32 to vector<128x128xf32>
      %swap3A_59 = arith.constant 0 : index
      %swap3A_60 = arith.constant 0 : index
      %swap3A_61 = vector.load %arg12[%swap3A_59, %swap3A_60] : memref<128x128xf32, #tpu.memory_space<vmem>>, vector<128x128xf32>
      tpu.vector_store %arg12[%swap3A_59, %swap3A_60], %broadcast_in_dim3A_58 {strides = array<i32>} : memref<128x128xf32, #tpu.memory_space<vmem>>, vector<128x128xf32>,
      %broadcast_in_dim3A_62 = arith.constant 0.000000e+00 : f32
      %broadcast_in_dim3A_63 = vector.broadcast %broadcast_in_dim3A_62 : f32 to vector<128x8xf32>
      %swap3A_64 = arith.constant 0 : index
      %swap3A_65 = arith.constant 0 : index
      %swap3A_66 = vector.load %arg13[%swap3A_64, %swap3A_65] : memref<128x8xf32, #tpu.memory_space<vmem>>, vector<128x8xf32>
      tpu.vector_store %arg13[%swap3A_64, %swap3A_65], %broadcast_in_dim3A_63 {strides = array<i32>} : memref<128x8xf32, #tpu.memory_space<vmem>>, vector<128x8xf32>,
    } else {
    }
    %get3A = arith.constant 0 : index
    %get3A_2 = arith.constant 0 : index
    %get3A_3 = vector.load %arg4[%get3A, %get3A_2] : memref<256x128xf32, #tpu.memory_space<vmem>>, vector<256x128xf32>
    %slice3A = vector.extract_strided_slice %get3A_3 {offsets = [0, 0], sizes = [256, 1], strides = [1, 1]} : vector<256x128xf32> to vector<256x1xf32>
    %get3A_4 = arith.constant 0 : index
    %get3A_5 = arith.constant 0 : index
    %get3A_6 = vector.load %arg5[%get3A_4, %get3A_5] : memref<256x128xf32, #tpu.memory_space<vmem>>, vector<256x128xf32>
    %slice3A_7 = vector.extract_strided_slice %get3A_6 {offsets = [0, 0], sizes = [256, 1], strides = [1, 1]} : vector<256x128xf32> to vector<256x1xf32>
    %add3A = arith.addf %slice3A, %slice3A_7 : vector<256x1xf32>
    %max3A = arith.constant 1.000000e+00 : f32
    %max3A_8 = vector.broadcast %max3A : f32 to vector<256x1xf32>
    %max3A_9 = arith.maximumf %add3A, %max3A_8 : vector<256x1xf32>
    %get3A_10 = arith.constant 0 : index
    %get3A_11 = arith.constant 0 : index
    %get3A_12 = vector.load %arg1[%get3A_10, %get3A_11] : memref<256x128xf32, #tpu.memory_space<vmem>>, vector<256x128xf32>
    %get3A_13 = arith.constant 0 : index
    %get3A_14 = arith.constant 0 : index
    %get3A_15 = vector.load %arg2[%get3A_13, %get3A_14] : memref<256x128xf32, #tpu.memory_space<vmem>>, vector<256x128xf32>
    %add3A_16 = arith.addf %get3A_12, %get3A_15 : vector<256x128xf32>
    %div3A = vector.broadcast %max3A_9 : vector<256x1xf32> to vector<256x128xf32>
    %div3A_17 = arith.divf %add3A_16, %div3A : vector<256x128xf32>
    %get3A_18 = arith.constant 0 : index
    %get3A_19 = arith.constant 0 : index
    %get3A_20 = vector.load %arg3[%get3A_18, %get3A_19] : memref<256x128xf32, #tpu.memory_space<vmem>>, vector<256x128xf32>
    %add3A_21 = arith.addf %div3A_17, %get3A_20 : vector<256x128xf32>
    %max3A_22 = arith.constant 0.000000e+00 : f32
    %max3A_23 = vector.broadcast %max3A_22 : f32 to vector<256x128xf32>
    %max3A_24 = arith.maximumf %add3A_21, %max3A_23 : vector<256x128xf32>
    %get3A_25 = arith.constant 0 : index
    %get3A_26 = arith.constant 0 : index
    %get3A_27 = arith.constant 0 : index
    %get3A_28 = vector.load %arg6[%get3A_25, %get3A_26, %get3A_27] : memref<1x1x256xi32, #tpu.memory_space<vmem>>, vector<1x1x256xi32>
    %get3A_29 = vector.shape_cast %get3A_28 : vector<1x1x256xi32> to vector<256xi32>
    %broadcast_in_dim3A = vector.shape_cast %get3A_29 : vector<256xi32> to vector<256x1xi32>
    %iota3A = tpu.iota {dimensions = array<i32: 1>} : vector<256x128xi32>
    %eq3A_30 = vector.broadcast %broadcast_in_dim3A : vector<256x1xi32> to vector<256x128xi32>
    %eq3A_31 = arith.cmpi eq, %eq3A_30, %iota3A : vector<256x128xi32>
    %convert_element_type3A_32 = arith.extui %eq3A_31 : vector<256x128xi1> to vector<256x128xi32>
    %convert_element_type3A_33 = arith.sitofp %convert_element_type3A_32 : vector<256x128xi32> to vector<256x128xf32>
    %get3A_34 = arith.constant 0 : index
    %get3A_35 = arith.constant 0 : index
    %get3A_36 = vector.load %arg12[%get3A_34, %get3A_35] : memref<128x128xf32, #tpu.memory_space<vmem>>, vector<128x128xf32>
    %dot_general3A = arith.constant dense<0.000000e+00> : vector<128x128xf32>
    %dot_general3A_37 = tpu.matmul %convert_element_type3A_33, %max3A_24, %dot_general3A {dimension_numbers = #tpu.dot_dimension_numbers<[0], [0], [1], [1], [0, 1, 1, 1], [], []>, transpose_lhs_hint = false} : vector<256x128xf32>, vector<256x128xf32>, vector<128x128xf32> -> vector<128x128xf32>
    %add3A_38 = arith.addf %get3A_36, %dot_general3A_37 : vector<128x128xf32>
    %swap3A = arith.constant 0 : index
    %swap3A_39 = arith.constant 0 : index
    %swap3A_40 = vector.load %arg12[%swap3A, %swap3A_39] : memref<128x128xf32, #tpu.memory_space<vmem>>, vector<128x128xf32>
    tpu.vector_store %arg12[%swap3A, %swap3A_39], %add3A_38 {strides = array<i32>} : memref<128x128xf32, #tpu.memory_space<vmem>>, vector<128x128xf32>,
    %get3A_41 = arith.constant 0 : index
    %get3A_42 = arith.constant 0 : index
    %get3A_43 = vector.load %arg13[%get3A_41, %get3A_42] : memref<128x8xf32, #tpu.memory_space<vmem>>, vector<128x8xf32>
    %broadcast_in_dim3A_44 = arith.constant 1.000000e+00 : f32
    %broadcast_in_dim3A_45 = vector.broadcast %broadcast_in_dim3A_44 : f32 to vector<256x8xf32>
    %dot_general3A_46 = arith.constant dense<0.000000e+00> : vector<128x8xf32>
    %dot_general3A_47 = tpu.matmul %convert_element_type3A_33, %broadcast_in_dim3A_45, %dot_general3A_46 {dimension_numbers = #tpu.dot_dimension_numbers<[0], [0], [1], [1], [0, 1, 1, 1], [], []>, transpose_lhs_hint = false} : vector<256x128xf32>, vector<256x8xf32>, vector<128x8xf32> -> vector<128x8xf32>
    %add3A_48 = arith.addf %get3A_43, %dot_general3A_47 : vector<128x8xf32>
    %swap3A_49 = arith.constant 0 : index
    %swap3A_50 = arith.constant 0 : index
    %swap3A_51 = vector.load %arg13[%swap3A_49, %swap3A_50] : memref<128x8xf32, #tpu.memory_space<vmem>>, vector<128x8xf32>
    tpu.vector_store %arg13[%swap3A_49, %swap3A_50], %add3A_48 {strides = array<i32>} : memref<128x8xf32, #tpu.memory_space<vmem>>, vector<128x8xf32>,
    %eq3A_52 = arith.constant 39 : i32
    %eq3A_53 = arith.cmpi eq, %arg0, %eq3A_52 : i32
    %convert_element_type3A_54 = arith.extui %eq3A_53 : i1 to i32
    %cond3A_55 = arith.constant 0 : i32
    %cond3A_56 = arith.cmpi ne, %convert_element_type3A_54, %cond3A_55 : i32
    scf.if %cond3A_56 {
      %get3A_57 = arith.constant 0 : index
      %get3A_58 = arith.constant 0 : index
      %get3A_59 = vector.load %arg12[%get3A_57, %get3A_58] : memref<128x128xf32, #tpu.memory_space<vmem>>, vector<128x128xf32>
      %get3A_60 = arith.constant 0 : index
      %get3A_61 = arith.constant 0 : index
      %get3A_62 = vector.load %arg13[%get3A_60, %get3A_61] : memref<128x8xf32, #tpu.memory_space<vmem>>, vector<128x8xf32>
      %slice3A_63 = vector.extract_strided_slice %get3A_62 {offsets = [0, 0], sizes = [128, 1], strides = [1, 1]} : vector<128x8xf32> to vector<128x1xf32>
      %max3A_64 = arith.constant 1.000000e+00 : f32
      %max3A_65 = vector.broadcast %max3A_64 : f32 to vector<128x1xf32>
      %max3A_66 = arith.maximumf %slice3A_63, %max3A_65 : vector<128x1xf32>
      %div3A_67 = vector.broadcast %max3A_66 : vector<128x1xf32> to vector<128x128xf32>
      %div3A_68 = arith.divf %get3A_59, %div3A_67 : vector<128x128xf32>
      %get3A_69 = arith.constant 0 : index
      %get3A_70 = arith.constant 0 : index
      %get3A_71 = vector.load %arg7[%get3A_69, %get3A_70] : memref<64x128xf32, #tpu.memory_space<vmem>>, vector<64x128xf32>
      %dot_general3A_72 = arith.constant dense<0.000000e+00> : vector<128x64xf32>
      %dot_general3A_73 = tpu.matmul %div3A_68, %get3A_71, %dot_general3A_72 {dimension_numbers = #tpu.dot_dimension_numbers<[1], [1], [0], [0], [0, 0, 1, 0], [], []>, transpose_lhs_hint = false} : vector<128x128xf32>, vector<64x128xf32>, vector<128x64xf32> -> vector<128x64xf32>
      %get3A_74 = arith.constant 0 : index
      %get3A_75 = arith.constant 0 : index
      %get3A_76 = vector.load %arg8[%get3A_74, %get3A_75] : memref<1x64xf32, #tpu.memory_space<vmem>>, vector<1x64xf32>
      %add3A_77 = vector.broadcast %get3A_76 : vector<1x64xf32> to vector<128x64xf32>
      %add3A_78 = arith.addf %dot_general3A_73, %add3A_77 : vector<128x64xf32>
      %get3A_79 = arith.constant 0 : index
      %get3A_80 = arith.constant 0 : index
      %get3A_81 = vector.load %arg9[%get3A_79, %get3A_80] : memref<2x64xf32, #tpu.memory_space<vmem>>, vector<2x64xf32>
      %dot_general3A_82 = arith.constant dense<0.000000e+00> : vector<128x2xf32>
      %dot_general3A_83 = tpu.matmul %add3A_78, %get3A_81, %dot_general3A_82 {dimension_numbers = #tpu.dot_dimension_numbers<[1], [1], [0], [0], [0, 0, 1, 0], [], []>, transpose_lhs_hint = false} : vector<128x64xf32>, vector<2x64xf32>, vector<128x2xf32> -> vector<128x2xf32>
      %get3A_84 = arith.constant 0 : index
      %get3A_85 = arith.constant 0 : index
      %get3A_86 = vector.load %arg10[%get3A_84, %get3A_85] : memref<1x2xf32, #tpu.memory_space<vmem>>, vector<1x2xf32>
      %add3A_87 = vector.broadcast %get3A_86 : vector<1x2xf32> to vector<128x2xf32>
      %add3A_88 = arith.addf %dot_general3A_83, %add3A_87 : vector<128x2xf32>
      %reduce_max3A = arith.constant dense<0xFF800000> : vector<128xf32>
      %reduce_max3A_89 = vector.multi_reduction <maximumf>, %add3A_88, %reduce_max3A [1] : vector<128x2xf32> to vector<128xf32>
      %broadcast_in_dim3A_90 = vector.shape_cast %reduce_max3A_89 : vector<128xf32> to vector<128x1xf32>
      %sub3A = vector.broadcast %broadcast_in_dim3A_90 : vector<128x1xf32> to vector<128x2xf32>
      %sub3A_91 = arith.subf %add3A_88, %sub3A : vector<128x2xf32>
      %exp3A = math.exp %sub3A_91 : vector<128x2xf32>
      %reduce_sum3A = arith.constant dense<0.000000e+00> : vector<128xf32>
      %reduce_sum3A_92 = vector.multi_reduction <add>, %exp3A, %reduce_sum3A [1] : vector<128x2xf32> to vector<128xf32>
      %broadcast_in_dim3A_93 = vector.shape_cast %reduce_sum3A_92 : vector<128xf32> to vector<128x1xf32>
      %div3A_94 = vector.broadcast %broadcast_in_dim3A_93 : vector<128x1xf32> to vector<128x2xf32>
      %div3A_95 = arith.divf %exp3A, %div3A_94 : vector<128x2xf32>
      %swap3A_96 = arith.constant 0 : index
      %swap3A_97 = arith.constant 0 : index
      %swap3A_98 = vector.load %arg11[%swap3A_96, %swap3A_97] : memref<128x2xf32, #tpu.memory_space<vmem>>, vector<128x2xf32>
      tpu.vector_store %arg11[%swap3A_96, %swap3A_97], %div3A_95 {strides = array<i32>} : memref<128x2xf32, #tpu.memory_space<vmem>>, vector<128x2xf32>,
    } else {
    }
    return
  }
  func.func @transform_0(%arg0: i32) -> (i32, i32) {
    %c0_i32 = arith.constant 0 : i32
    %c0_i32_0 = arith.constant 0 : i32
    return %arg0, %c0_i32 : i32, i32
  }
  func.func @transform_1(%arg0: i32) -> (i32, i32) {
    %add3A = arith.constant 40 : i32
    %add3A_0 = arith.addi %arg0, %add3A : i32
    %c0_i32 = arith.constant 0 : i32
    %c0_i32_1 = arith.constant 0 : i32
    return %add3A_0, %c0_i32 : i32, i32
  }
  func.func @transform_2(%arg0: i32) -> (i32, i32) {
    %c0_i32 = arith.constant 0 : i32
    %c0_i32_0 = arith.constant 0 : i32
    return %arg0, %c0_i32 : i32, i32
  }
  func.func @transform_3(%arg0: i32) -> (i32, i32) {
    %c0_i32 = arith.constant 0 : i32
    %c0_i32_0 = arith.constant 0 : i32
    return %arg0, %c0_i32 : i32, i32
  }
  func.func @transform_4(%arg0: i32) -> (i32, i32) {
    %add3A = arith.constant 40 : i32
    %add3A_0 = arith.addi %arg0, %add3A : i32
    %c0_i32 = arith.constant 0 : i32
    %c0_i32_1 = arith.constant 0 : i32
    return %add3A_0, %c0_i32 : i32, i32
  }
  func.func @transform_5(%arg0: i32) -> (i32, i32, i32) {
    %c0_i32 = arith.constant 0 : i32
    %c0_i32_0 = arith.constant 0 : i32
    %c0_i32_1 = arith.constant 0 : i32
    return %arg0, %c0_i32, %c0_i32_0 : i32, i32, i32
  }
  func.func @transform_6(%arg0: i32) -> (i32, i32) {
    %c0_i32 = arith.constant 0 : i32
    %c0_i32_0 = arith.constant 0 : i32
    %c0_i32_1 = arith.constant 0 : i32
    return %c0_i32, %c0_i32_0 : i32, i32
  }
  func.func @transform_7(%arg0: i32) -> (i32, i32) {
    %c0_i32 = arith.constant 0 : i32
    %c0_i32_0 = arith.constant 0 : i32
    %c0_i32_1 = arith.constant 0 : i32
    return %c0_i32, %c0_i32_0 : i32, i32
  }
  func.func @transform_8(%arg0: i32) -> (i32, i32) {
    %c0_i32 = arith.constant 0 : i32
    %c0_i32_0 = arith.constant 0 : i32
    %c0_i32_1 = arith.constant 0 : i32
    return %c0_i32, %c0_i32_0 : i32, i32
  }
  func.func @transform_9(%arg0: i32) -> (i32, i32) {
    %c0_i32 = arith.constant 0 : i32
    %c0_i32_0 = arith.constant 0 : i32
    %c0_i32_1 = arith.constant 0 : i32
    return %c0_i32, %c0_i32_0 : i32, i32
  }
  func.func @transform_10(%arg0: i32) -> (i32, i32) {
    %c0_i32 = arith.constant 0 : i32
    %c0_i32_0 = arith.constant 0 : i32
    %c0_i32_1 = arith.constant 0 : i32
    return %c0_i32, %c0_i32_0 : i32, i32
  }
}

</mosaic_0001>

<sc_bundles>
// kernel: kernel.11.cloned.1.call-start
scs
__scs_entry_jumppad:
0x0: {  	(pc) =	sbr.rel $0x88, $3  }
0x1: {  	(tag) =	ssettag $0x0;
	lr =	simm.s32 $0x1  }
0x2: {  	[smem:$0x3F94] =	sst lr;
	_ =	strace $0xD0000000  }
0x3: {  	_ = 	snop  }
0x4: {  	_ = 	snop  }
0x5: {  	_ = 	snop  }
0x6: {  	_ = 	snop  }
0x7: {  	_ = 	snop  }
__scs_overlays_trampoline_lowered:
0x8: {  	[smem:$0x3FA3] =	sst s0  }
0x9: {  	[smem:$0x3FA4] =	sst s1  }
0xa: {  	[smem:$0x3FA5] =	sst s2  }
0xb: {  	[smem:$0x3FA6] =	sst s3  }
0xc: {  	[smem:$0x3FA7] =	sst s4  }
0xd: {  	[smem:$0x3FA8] =	sst s5  }
0xe: {  	[smem:$0x3FA9] =	sst s6  }
0xf: {  	[smem:$0x3FAA] =	sst s7  }
0x10: {  	[smem:$0x3FAB] =	sst s8  }
0x11: {  	[smem:$0x3FAC] =	sst s9;
	s0 =	simm.s32 @!p0 $0x0  }
0x12: {  	s1 =	sld [smem:$0x3F92];
	s0 =	simm.s32 @p0 $0x1  }
0x13: {  	[smem:$0x3FAD] =	sst s0;
	s0 =	simm.s32 @!p1 $0x0  }
0x14: {  	s2 =	sld [smem:$0x3F91];
	s0 =	simm.s32 @p1 $0x1  }
0x15: {  	[smem:$0x3FAE] =	sst s0;
	s0 =	simm.s32 @!p2 $0x0  }
0x16: {  	s3 =	sld [smem:$0x3FDB];
	s0 =	simm.s32 @p2 $0x1  }
0x17: {  	s4 =	simm.s32 $0x1BF5;
	[smem:$0x3FB0] =	sst s0  }
0x18: {  	s0 =	sld [smem:$0x3F93];
	_ =	swait.ge [sflag:s4], $0x0  }
0x19: {  	s7 =	sld [smem:$0x3F94]  }
0x1a: {  	s8 =	sadd.s32 $0xFFFFE003, lr  }
0x1b: {  	s9 =	sadd.s32 $0xFFFFFEF7, lr;
	s5 =	simm.s32 $0xFFFFFFFF;
	p2 =	slt.u32 s8, $0xFFFFF086  }
0x1c: {  	p1 =	slt.u32 s9, $0xF7A;
	s5 =	simm.s32 @!p2 $0x0  }
0x1d: {  	s5 =	simm.s32 @p1 $0x1;
	p0 =	seq.s32 s7, s2  }
0x1e: {  	s7 =	smul.u32 @!p0 $0xF7A, s2;
	p2 =	seq.s32 @!p0 s5, $0x0  }
0x1f: {  	s9 =	smul.u32 $0xF7A, s1;
	s8 =	simm.s32 @!p0 $0x1BF5;
	p2 =	por !p2, p0  }
0x20: {  	[sflag:s8] =	ssyncset.s32 @!p0 $0xFFFFF086;
	s6 =	sadd.s32 @!p0 s3, s7;
	s7 =	simm.s32 @!p0 $0x108  }
0x21: {  	s3 =	sadd.s32 s3, s9;
	s6 =	sadd.s32 @!p0 $0x88, s6;
	s7 =	simm.s32 @p2 $0x1082  }
0x22: {  	[simem:s7], [sflag:s8] =	dma.local @!p0 [hbm:s6], $0xF7A  }
0x23: {  	s9 =	sor.u32 $0xD0000000, s2;
	s6 =	simm.s32 $0x108;
	_ =	swait.ge @!p0 [sflag:s8], $0x0  }
0x24: {  	s3 =	sadd.s32 $0x88, s3;
	s6 =	simm.s32 @!p1 $0x1082;
	[sflag:s4] =	ssyncset.s32 $0xFFFFF086  }
0x25: {  	[simem:s6], [sflag:s4] =	dma.local [hbm:s3], $0xF7A  }
0x26: {  	[smem:$0x3F94] =	sst s1;
	(tag) =	ssettag s2;
	_ =	strace s9  }
0x27: {  	s1 =	sld [smem:$0x3FA4]  }
0x28: {  	s2 =	sld [smem:$0x3FA5]  }
0x29: {  	s4 =	sld [smem:$0x3FA7]  }
0x2a: {  	p0 =	seq.s32 s5, $0x0;
	s5 =	sld [smem:$0x3FA8]  }
0x2b: {  	s6 =	sld [smem:$0x3FA9]  }
0x2c: {  	s7 =	sld [smem:$0x3FAA]  }
0x2d: {  	s3 =	simm.s32 $0x108;
	s8 =	sld [smem:$0x3FAB]  }
0x2e: {  	s3 =	simm.s32 @!p0 $0x1082;
	s9 =	sld [smem:$0x3FAC]  }
0x2f: {  	lr =	sadd.s32 s0, s3;
	s0 =	sld [smem:$0x3FA3]  }
0x30: {  	s3 =	sld [smem:$0x3FA6]  }
0x31: {  	[smem:$0x3FAF] =	sst s10  }
0x32: {  	s10 =	sld [smem:$0x3FAD];
	_ =	sdelay $0x3  }
0x33: {  	p0 =	seq.s32 s10, $0x1;
	s10 =	sld [smem:$0x3FAF];
	_ =	sdelay $0x3  }
0x34: {  	[smem:$0x3FAF] =	sst s10  }
0x35: {  	s10 =	sld [smem:$0x3FAE];
	_ =	sdelay $0x3  }
0x36: {  	p1 =	seq.s32 s10, $0x1;
	s10 =	sld [smem:$0x3FAF];
	_ =	sdelay $0x3  }
0x37: {  	[smem:$0x3FAF] =	sst s10  }
0x38: {  	s10 =	sld [smem:$0x3FB0]  }
0x39: {  	_ = 	snop;
	(pc) =	sbr.ind lr, $3  }
0x3a: {  	_ = 	snop  }
0x3b: {  	_ = 	snop  }
0x3c: {  	p2 =	seq.s32 s10, $0x1;
	s10 =	sld [smem:$0x3FAF]  }
0x3d: {  	_ =	shalt  }
0x3e: {  	_ =	shalt  }
0x3f: {  	_ =	shalt  }
0x40: {  	_ =	shalt  }
0x41: {  	_ =	shalt  }
0x42: {  	_ =	shalt  }
0x43: {  	_ =	shalt  }
0x44: {  	_ =	shalt  }
0x45: {  	_ =	shalt  }
0x46: {  	_ =	shalt  }
0x47: {  	_ =	shalt  }
0x48: {  	_ =	shalt  }
0x49: {  	_ =	shalt  }
0x4a: {  	_ =	shalt  }
0x4b: {  	_ =	shalt  }
0x4c: {  	_ =	shalt  }
0x4d: {  	_ =	shalt  }
0x4e: {  	_ =	shalt  }
0x4f: {  	_ =	shalt  }
0x50: {  	_ =	shalt  }
0x51: {  	_ =	shalt  }
0x52: {  	_ =	shalt  }
0x53: {  	_ =	shalt  }
0x54: {  	_ =	shalt  }
0x55: {  	_ =	shalt  }
0x56: {  	_ =	shalt  }
0x57: {  	_ =	shalt  }
0x58: {  	_ =	shalt  }
0x59: {  	_ =	shalt  }
0x5a: {  	_ =	shalt  }
0x5b: {  	_ =	shalt  }
0x5c: {  	_ =	shalt  }
0x5d: {  	_ =	shalt  }
0x5e: {  	_ =	shalt  }
0x5f: {  	_ =	shalt  }
0x60: {  	_ =	shalt  }
0x61: {  	_ =	shalt  }
0x62: {  	_ =	shalt  }
0x63: {  	_ =	shalt  }
0x64: {  	_ =	shalt  }
0x65: {  	_ =	shalt  }
0x66: {  	_ =	shalt  }
0x67: {  	_ =	shalt  }
0x68: {  	_ =	shalt  }
0x69: {  	_ =	shalt  }
0x6a: {  	_ =	shalt  }
0x6b: {  	_ =	shalt  }
0x6c: {  	_ =	shalt  }
0x6d: {  	_ =	shalt  }
0x6e: {  	_ =	shalt  }
0x6f: {  	_ =	shalt  }
0x70: {  	_ =	shalt  }
0x71: {  	_ =	shalt  }
0x72: {  	_ =	shalt  }
0x73: {  	_ =	shalt  }
0x74: {  	_ =	shalt  }
0x75: {  	_ =	shalt  }
0x76: {  	_ =	shalt  }
0x77: {  	_ =	shalt  }
0x78: {  	_ =	shalt  }
0x79: {  	_ =	shalt  }
0x7a: {  	_ =	shalt  }
0x7b: {  	_ =	shalt  }
0x7c: {  	_ =	shalt  }
0x7d: {  	_ =	shalt  }
0x7e: {  	_ =	shalt  }
0x7f: {  	_ =	shalt  }
0x80: {  	_ =	shalt  }
0x81: {  	_ =	shalt  }
0x82: {  	_ =	shalt  }
0x83: {  	_ =	shalt  }
0x84: {  	_ =	shalt  }
0x85: {  	_ =	shalt  }
0x86: {  	_ =	shalt  }
0x87: {  	_ =	shalt  }
.Lfunc_end0:
.L_simem_size_0:
called_computation.1_lowered:
.L_overlay_start_0:
0x88: {  	s2 =	sld [smem:$0x3FD9]  }
0x89: {  	s3 =	sld [smem:$0x3FFE];
	_ =	sdelay $0x1  }
0x8a: {  	s1 =	srdreg.scid  }
0x8b: {  	s0 =	sand.u32 $0x1, s1  }
0x8c: {  	s16 =	sshll.u32 s0, $0xA;
	s2 =	sadd.s32 s3, s2  }
0x8d: {  	s2 =	sadd.s32 s2, s16  }
0x8e: {  	[smem:$0x3FBB] =	sst s2  }
0x8f: {  	_ = 	snop  }
0x90: {  	(tm) =	ssettm $0x1  }
0x91: {  	s17 =	sld [smem:$0x3FFB];
	_ =	sdelay $0x3  }
0x92: {  	_ =	strace s17  }
0x93: {  	s2 =	sld [smem:$0x3FFC];
	_ =	sdelay $0x3  }
0x94: {  	_ =	strace s2  }
0x95: {  	s2 =	sld [smem:$0x3FFD];
	_ =	sdelay $0x3  }
0x96: {  	_ =	strace s2  }
0x97: {  	_ =	strace $0x8FFFFFFF  }
0x98: {  	s18 =	sld [smem:$0x3FDB];
	_ =	sdelay $0x1  }
0x99: {  	s19 =	simm.s32 $_scs_section_size  }
0x9a: {  	s4 =	simm.s32 $_size__tile_overlayer_lowered;
	s5 =	simm.s32 $_tile_overlayer_lowered  }
0x9b: {  	s22 =	simm.s32 $0x1BFF;
	s21 =	sshll.u32 s5, $0x1;
	s2 =	sadd.s32 s19, s18  }
0x9c: {  	s6 =	simm.s32 $0x0;
	s20 =	sshll.u32 s4, $0x1;
	s4 =	sadd.s32 s21, s2  }
0x9d: {  	[timem:s6], [sflag:s22] =	dma.local [hbm:s4], s20  }
0x9e: {  	_ =	swait.ge [sflag:s22], s20  }
0x9f: {  	s3 =	ssub.s32 $0x0, s20;
	[sflag:s22] =	ssyncset.done $0x0  }
0xa0: {  	[sflag:s22] =	ssyncadd.s32 s3;
	_ =	sdelay $0x1  }
0xa1: {  	s23 =	simm.s32 $0x1B8B  }
0xa2: {  	_ =	swait.ge [sflag:s23], $0x1  }
0xa3: {  	[sflag:s23] =	ssyncset.done $0x0  }
0xa4: {  	s25 =	simm.s32 $0x1B8E;
	s24 =	sld [smem:$0x3FFE];
	[sflag:s23] =	ssyncadd.s32 $0xFFFFFFFF  }
0xa5: {  	s26 =	simm.s32 $execute0_lowered;
	[smem:$0x3FD2] =	sst s25  }
0xa6: {  	s4 =	sshll.u32 s26, $0x1;
	_ =	strace $0x80000046;
	[dreg:$0x1] =	wrdreg $0xFFFFFFFF  }
0xa7: {  	s28 =	simm.s32 $_size_execute0_lowered;
	s2 =	sadd.s32 s2, s4;
	[dreg:$0x0] =	wrdreg $0x0  }
0xa8: {  	s4 =	sshll.u32 s28, $0x1;
	[dreg:$0x2] =	wrdreg s2  }
0xa9: {  	[dreg:$0x3] =	wrdreg s4  }
0xaa: {  	[dreg:$0x4] =	wrdreg $0xC0  }
0xab: {  	_ =	task [dreg:s6], $0x5FFFF  }
0xac: {  	[dreg:$0x1] =	wrdreg $0xFFFFFFFF  }
0xad: {  	[dreg:$0x0] =	wrdreg $0x60  }
0xae: {  	[dreg:$0x2] =	wrdreg s24  }
0xaf: {  	[dreg:$0x3] =	wrdreg $0x90000  }
0xb0: {  	[dreg:$0x4] =	wrdreg $0xA  }
0xb1: {  	_ =	task.clear_ibuf [dreg:s6], $0x5FFFF;
	_ =	strace $0x90000046  }
0xb2: {  	s29 =	simm.s32 $0xA;
	_ =	strace $0x80000048  }
0xb3: {  	_ =	swait.ge [sflag:s29], $0x1  }
0xb4: {  	[sflag:s29] =	ssyncadd.s32 $0xFFFFFFFF  }
0xb5: {  	_ =	strace $0x90000048  }
0xb6: {  	_ =	sfence  }
0xb7: {  	s30 =	sld [smem:$0x0];
	_ =	sdelay $0x2  }
0xb8: {  	s31 =	sshll.u32 s1, $0xD;
	s1 =	sshrl.u32 s1, $0x2  }
0xb9: {  	s3 =	sand.u32 $0x4000, s31;
	s1 =	sadd.s32 s1, s30  }
0xba: {  	s0 =	sor.u32 s3, s0;
	s1 =	sshll.u32 s1, $0x11  }
0xbb: {  	s0 =	sor.u32 s1, s0  }
0xbc: {  	s0 =	sadd.s32 $0x8F2B, s0  }
0xbd: {  	[sflag:s0] =	ssyncadd.remote.s32 $0x1  }
0xbe: {  	_ =	sfence.sel $0xFFFF  }
0xbf: {  	[dreg:$0x0] =	wrdreg $0xFFFFFFFF;
	(pc) =	sbr.abs _section_cstart, $3  }
0xc0: {  	[dreg:$0x1] =	wrdreg $0xFFFFFFFF  }
0xc1: {  	_ =	task.clear_ibuf [dreg:s6], $0x2FFFF;
	_ =	strace $0x9FFFFFFF  }
0xc2: {  	(tm) =	ssettm $0x7FFFFFFF  }
0xc3: {  	_ =	shalt  }
tec
execute0_lowered:
.L_overlay_start_1:
0x0: {  	(tag) =	ssettag $0x1  }
0x1: {  	s0 =	rddreg [dreg:$0x0]  }
0x2: {  	s2 =	rddreg [dreg:$0x1];
	s9 =	stileid.u32  }
0x3: {  	s4 =	srdreg.scid;
	s3 =	simm.s32 $0x0;
	s13 =	simm.s32 $0x100  }
0x4: {  	s14 =	simm.s32 $0x880;
	s16 =	simm.s32 $0x180;
	s17 =	simm.s32 $0x900  }
0x5: {  	s18 =	simm.s32 $0x200;
	[smem:$0x7FF] =	sst s3;
	s10 =	sadd.s32 $0xB1400, s0  }
0x6: {  	s20 =	simm.s32 $0x980;
	_ =	strace $0x80000047;
	[dreg:$0x11] =	wrdreg s10  }
0x7: {  	s21 =	simm.s32 $0x280;
	s22 =	simm.s32 $0xA00;
	[dreg:$0x5] =	wrdreg s13  }
0x8: {  	s23 =	simm.s32 $0x300;
	s24 =	simm.s32 $0xA80;
	[dreg:$0x6] =	wrdreg s14  }
0x9: {  	s25 =	simm.s32 $0x380;
	s26 =	simm.s32 $0xB00;
	[dreg:$0x7] =	wrdreg s16  }
0xa: {  	s28 =	simm.s32 $0x680;
	s29 =	simm.s32 $0xE00;
	[dreg:$0x8] =	wrdreg s17  }
0xb: {  	s30 =	simm.s32 $0x700;
	s31 =	simm.s32 $0xE80;
	[dreg:$0x9] =	wrdreg s18  }
0xc: {  	s1 =	smul.u32 $0x500, s9;
	s5 =	sand.u32 $0x1, s4;
	[dreg:$0xa] =	wrdreg s20  }
0xd: {  	s6 =	smul.u32 $0x2800, s9;
	s4 =	sadd.s32 $0x61400, s0;
	[dreg:$0xb] =	wrdreg s21  }
0xe: {  	s11 =	smul.u32 $0x50000, s9;
	s15 =	sshll.u32 s9, $0x6;
	[dreg:$0xc] =	wrdreg s22  }
0xf: {  	s9 =	simm.s32 $0x0;
	s7 =	smul.u32 $0x28000, s5;
	[dreg:$0xd] =	wrdreg s23  }
0x10: {  	s8 =	smul.u32 $0x5000, s5;
	s5 =	ssub.s32 $0x2, s5;
	[dreg:$0xe] =	wrdreg s24  }
0x11: {  	s13 =	simm.s32 $0x1000;
	s14 =	simm.s32 $0x5000;
	[dreg:$0xf] =	wrdreg s25  }
0x12: {  	s16 =	simm.s32 $0x2;
	[dreg:$0x10] =	wrdreg s26;
	s17 =	simm.s32 $0x400  }
0x13: {  	s18 =	simm.s32 $0xB80;
	s20 =	simm.s32 $0xC00;
	s21 =	simm.s32 $0x500  }
0x14: {  	s22 =	simm.s32 $0xC80;
	s23 =	simm.s32 $0x580;
	s24 =	simm.s32 $0xD00  }
0x15: {  	s25 =	simm.s32 $0x600;
	s26 =	simm.s32 $0xD80;
	s1 =	sadd.s32 s1, s0  }
0x16: {  	s10 =	sshrl.u32 s5, $0x1;
	s12 =	sshrl.u32 s11, $0x2;
	s11 =	simm.s32 $0x800  }
0x17: {  	s6 =	sadd.s32 s6, s7;
	s8 =	sadd.s32 s8, s1;
	s5 =	ssub.s32 s5, s10  }
0x18: {  	s1 =	sadd.s32 $0xC400, s1;
	s7 =	sor.u32 $0x1C03, s15;
	s10 =	simm.s32 $0x3  }
0x19: {  	s15 =	simm.s32 $0x1;
	s0 =	sadd.s32 s6, s0;
	[dreg:$0x4] =	wrdreg s1  }
0x1a: {  	s6 =	sadd.s32 $0x2400, s8;
	s19 =	smax.u32 s5, $0x1;
	[dreg:$0x12] =	wrdreg s7  }
0x1b: {  	s1 =	simm.s32 $0xF00;
	s5 =	simm.s32 $0xF80;
	[dreg:$0x3] =	wrdreg s6  }
0x1c: {  	s6 =	sadd.s32 s12, s2;
	s0 =	sadd.s32 $0xB3C00, s0;
	[dreg:$0x14] =	wrdreg s19  }
0x1d: {  	s12 =	simm.s32 $0x80;
	[dreg:$0x13] =	wrdreg s0;
	s8 =	sshrl.u32 s6, $0x3  }
0x1e: {  	s19 =	simm.s32 $0x480;
	s0 =	simm.s32 $0x780;
	[dreg:$0x15] =	wrdreg s8  }
.LBB2_1:
0x1f: {  	[dreg:$0x16] =	wrdreg s9  }
0x20: {  	s6 =	rddreg [dreg:$0x11]  }
0x21: {  	[spmem:s8], [sflag:s7] =	dma.local [hbm:s6], $0x2800  }
0x22: {  	_ =	swait.ge [sflag:s10], $0x2800  }
0x23: {  	[sflag:s10] =	ssyncset.done $0x0  }
0x24: {  	[sflag:s10] =	ssyncadd.s32 $0xFFFFD800  }
0x25: {  	[bflag:$0x0] =	sbarrier.arrive $0xFFFF  }
0x26: {  	s8 =	rddreg [dreg:$0x3]  }
0x27: {  	s6 =	sadd.s32 $0x0, s8  }
0x28: {  	[tilespmem:s3], [sflag:$0x3] =	stream.linear.gather [hbm4b:s6+s3], $0x800, $0x38;
	[tilespmem:$0x1D000] =	vst v63  }
0x29: {  	_ =	swait.ge [sflag:s10], $0x800  }
0x2a: {  	s9 =	rddreg [dreg:$0x4];
	[sflag:s10] =	ssyncset.done $0x0  }
0x2b: {  	[sflag:s10] =	ssyncadd.s32 $0xFFFFF800;
	s6 =	sadd.s32 $0x0, s9  }
0x2c: {  	[tilespmem:s11], [sflag:$0x3] =	stream.linear.gather [hbm4b:s6+s3], $0x800, $0x38;
	[tilespmem:$0x1D000] =	vst v63  }
0x2d: {  	_ =	swait.ge [sflag:s10], $0x800  }
0x2e: {  	[sflag:s10] =	ssyncset.done $0x0  }
0x2f: {  	[sflag:s10] =	ssyncadd.s32 $0xFFFFF800  }
0x30: {  	[tilespmem:s13], [sflag:$0x1] =	stream.indirect.gather [hbm4b:s4+s12], $0x80, s3, s12, $0xb8;
	[tilespmem:$0x1D000] =	vst v63  }
0x31: {  	_ = 	snop  }
0x32: {  	[tilespmem:s14], [sflag:$0x2] =	stream.indirect.gather [hbm4b:s4+s12], $0x80, s12, s12, $0xb8;
	[tilespmem:$0x1D000] =	vst v63  }
0x33: {  	_ =	swait.ge [sflag:s15], $0x4000  }
0x34: {  	[sflag:s15] =	ssyncset.done $0x0  }
0x35: {  	[sflag:s15] =	ssyncadd.s32 $0xFFFFC000  }
0x36: {  	[spmem:s2] =	stream.indirect.scatter.add.f32 [tilespmem:s13], [sflag:$0x3], $0x80, s11, s12, $0xb8;
	[tilespmem:$0x1D000] =	vst v63  }
0x37: {  	_ =	swait.ge [sflag:s10], $0x4000  }
0x38: {  	[sflag:s10] =	ssyncset.done $0x0  }
0x39: {  	s7 =	rddreg [dreg:$0x5];
	[sflag:s10] =	ssyncadd.s32 $0xFFFFC000  }
0x3a: {  	[tilespmem:s13], [sflag:$0x1] =	stream.indirect.gather [hbm4b:s4+s12], $0x80, s7, s12, $0xb8;
	[tilespmem:$0x1D000] =	vst v63  }
0x3b: {  	_ =	swait.ge [sflag:s16], $0x4000  }
0x3c: {  	[sflag:s16] =	ssyncset.done $0x0  }
0x3d: {  	s8 =	rddreg [dreg:$0x6];
	[sflag:s16] =	ssyncadd.s32 $0xFFFFC000  }
0x3e: {  	[spmem:s2] =	stream.indirect.scatter.add.f32 [tilespmem:s14], [sflag:$0x3], $0x80, s8, s12, $0xb8;
	[tilespmem:$0x1D000] =	vst v63  }
0x3f: {  	_ =	swait.ge [sflag:s10], $0x4000  }
0x40: {  	[sflag:s10] =	ssyncset.done $0x0  }
0x41: {  	s9 =	rddreg [dreg:$0x7];
	[sflag:s10] =	ssyncadd.s32 $0xFFFFC000  }
0x42: {  	[tilespmem:s14], [sflag:$0x2] =	stream.indirect.gather [hbm4b:s4+s12], $0x80, s9, s12, $0xb8;
	[tilespmem:$0x1D000] =	vst v63  }
0x43: {  	_ =	swait.ge [sflag:s15], $0x4000  }
0x44: {  	[sflag:s15] =	ssyncset.done $0x0  }
0x45: {  	s7 =	rddreg [dreg:$0x8];
	[sflag:s15] =	ssyncadd.s32 $0xFFFFC000  }
0x46: {  	[spmem:s2] =	stream.indirect.scatter.add.f32 [tilespmem:s13], [sflag:$0x3], $0x80, s7, s12, $0xb8;
	[tilespmem:$0x1D000] =	vst v63  }
0x47: {  	_ =	swait.ge [sflag:s10], $0x4000  }
0x48: {  	[sflag:s10] =	ssyncset.done $0x0  }
0x49: {  	s8 =	rddreg [dreg:$0x9];
	[sflag:s10] =	ssyncadd.s32 $0xFFFFC000  }
0x4a: {  	[tilespmem:s13], [sflag:$0x1] =	stream.indirect.gather [hbm4b:s4+s12], $0x80, s8, s12, $0xb8;
	[tilespmem:$0x1D000] =	vst v63  }
0x4b: {  	_ =	swait.ge [sflag:s16], $0x4000  }
0x4c: {  	[sflag:s16] =	ssyncset.done $0x0  }
0x4d: {  	s9 =	rddreg [dreg:$0xa];
	[sflag:s16] =	ssyncadd.s32 $0xFFFFC000  }
0x4e: {  	[spmem:s2] =	stream.indirect.scatter.add.f32 [tilespmem:s14], [sflag:$0x3], $0x80, s9, s12, $0xb8;
	[tilespmem:$0x1D000] =	vst v63  }
0x4f: {  	_ =	swait.ge [sflag:s10], $0x4000  }
0x50: {  	[sflag:s10] =	ssyncset.done $0x0  }
0x51: {  	s7 =	rddreg [dreg:$0xb];
	[sflag:s10] =	ssyncadd.s32 $0xFFFFC000  }
0x52: {  	[tilespmem:s14], [sflag:$0x2] =	stream.indirect.gather [hbm4b:s4+s12], $0x80, s7, s12, $0xb8;
	[tilespmem:$0x1D000] =	vst v63  }
0x53: {  	_ =	swait.ge [sflag:s15], $0x4000  }
0x54: {  	[sflag:s15] =	ssyncset.done $0x0  }
0x55: {  	s8 =	rddreg [dreg:$0xc];
	[sflag:s15] =	ssyncadd.s32 $0xFFFFC000  }
0x56: {  	[spmem:s2] =	stream.indirect.scatter.add.f32 [tilespmem:s13], [sflag:$0x3], $0x80, s8, s12, $0xb8;
	[tilespmem:$0x1D000] =	vst v63  }
0x57: {  	_ =	swait.ge [sflag:s10], $0x4000  }
0x58: {  	[sflag:s10] =	ssyncset.done $0x0  }
0x59: {  	s9 =	rddreg [dreg:$0xd];
	[sflag:s10] =	ssyncadd.s32 $0xFFFFC000  }
0x5a: {  	[tilespmem:s13], [sflag:$0x1] =	stream.indirect.gather [hbm4b:s4+s12], $0x80, s9, s12, $0xb8;
	[tilespmem:$0x1D000] =	vst v63  }
0x5b: {  	_ =	swait.ge [sflag:s16], $0x4000  }
0x5c: {  	[sflag:s16] =	ssyncset.done $0x0  }
0x5d: {  	s7 =	rddreg [dreg:$0xe];
	[sflag:s16] =	ssyncadd.s32 $0xFFFFC000  }
0x5e: {  	[spmem:s2] =	stream.indirect.scatter.add.f32 [tilespmem:s14], [sflag:$0x3], $0x80, s7, s12, $0xb8;
	[tilespmem:$0x1D000] =	vst v63  }
0x5f: {  	_ =	swait.ge [sflag:s10], $0x4000  }
0x60: {  	[sflag:s10] =	ssyncset.done $0x0  }
0x61: {  	s8 =	rddreg [dreg:$0xf];
	[sflag:s10] =	ssyncadd.s32 $0xFFFFC000  }
0x62: {  	[tilespmem:s14], [sflag:$0x2] =	stream.indirect.gather [hbm4b:s4+s12], $0x80, s8, s12, $0xb8;
	[tilespmem:$0x1D000] =	vst v63  }
0x63: {  	_ =	swait.ge [sflag:s15], $0x4000  }
0x64: {  	[sflag:s15] =	ssyncset.done $0x0  }
0x65: {  	s9 =	rddreg [dreg:$0x10];
	[sflag:s15] =	ssyncadd.s32 $0xFFFFC000  }
0x66: {  	[spmem:s2] =	stream.indirect.scatter.add.f32 [tilespmem:s13], [sflag:$0x3], $0x80, s9, s12, $0xb8;
	[tilespmem:$0x1D000] =	vst v63  }
0x67: {  	_ =	swait.ge [sflag:s10], $0x4000  }
0x68: {  	[sflag:s10] =	ssyncset.done $0x0  }
0x69: {  	[sflag:s10] =	ssyncadd.s32 $0xFFFFC000  }
0x6a: {  	[tilespmem:s13], [sflag:$0x1] =	stream.indirect.gather [hbm4b:s4+s12], $0x80, s17, s12, $0xb8;
	[tilespmem:$0x1D000] =	vst v63  }
0x6b: {  	_ =	swait.ge [sflag:s16], $0x4000  }
0x6c: {  	[sflag:s16] =	ssyncset.done $0x0  }
0x6d: {  	[sflag:s16] =	ssyncadd.s32 $0xFFFFC000  }
0x6e: {  	[spmem:s2] =	stream.indirect.scatter.add.f32 [tilespmem:s14], [sflag:$0x3], $0x80, s18, s12, $0xb8;
	[tilespmem:$0x1D000] =	vst v63  }
0x6f: {  	_ =	swait.ge [sflag:s10], $0x4000  }
0x70: {  	[sflag:s10] =	ssyncset.done $0x0  }
0x71: {  	[sflag:s10] =	ssyncadd.s32 $0xFFFFC000  }
0x72: {  	[tilespmem:s14], [sflag:$0x2] =	stream.indirect.gather [hbm4b:s4+s12], $0x80, s19, s12, $0xb8;
	[tilespmem:$0x1D000] =	vst v63  }
0x73: {  	_ =	swait.ge [sflag:s15], $0x4000  }
0x74: {  	[sflag:s15] =	ssyncset.done $0x0  }
0x75: {  	[sflag:s15] =	ssyncadd.s32 $0xFFFFC000  }
0x76: {  	[spmem:s2] =	stream.indirect.scatter.add.f32 [tilespmem:s13], [sflag:$0x3], $0x80, s20, s12, $0xb8;
	[tilespmem:$0x1D000] =	vst v63  }
0x77: {  	_ =	swait.ge [sflag:s10], $0x4000  }
0x78: {  	[sflag:s10] =	ssyncset.done $0x0  }
0x79: {  	[sflag:s10] =	ssyncadd.s32 $0xFFFFC000  }
0x7a: {  	[tilespmem:s13], [sflag:$0x1] =	stream.indirect.gather [hbm4b:s4+s12], $0x80, s21, s12, $0xb8;
	[tilespmem:$0x1D000] =	vst v63  }
0x7b: {  	_ =	swait.ge [sflag:s16], $0x4000  }
0x7c: {  	[sflag:s16] =	ssyncset.done $0x0  }
0x7d: {  	[sflag:s16] =	ssyncadd.s32 $0xFFFFC000  }
0x7e: {  	[spmem:s2] =	stream.indirect.scatter.add.f32 [tilespmem:s14], [sflag:$0x3], $0x80, s22, s12, $0xb8;
	[tilespmem:$0x1D000] =	vst v63  }
0x7f: {  	_ =	swait.ge [sflag:s10], $0x4000  }
0x80: {  	[sflag:s10] =	ssyncset.done $0x0  }
0x81: {  	[sflag:s10] =	ssyncadd.s32 $0xFFFFC000  }
0x82: {  	[tilespmem:s14], [sflag:$0x2] =	stream.indirect.gather [hbm4b:s4+s12], $0x80, s23, s12, $0xb8;
	[tilespmem:$0x1D000] =	vst v63  }
0x83: {  	_ =	swait.ge [sflag:s15], $0x4000  }
0x84: {  	[sflag:s15] =	ssyncset.done $0x0  }
0x85: {  	[sflag:s15] =	ssyncadd.s32 $0xFFFFC000  }
0x86: {  	[spmem:s2] =	stream.indirect.scatter.add.f32 [tilespmem:s13], [sflag:$0x3], $0x80, s24, s12, $0xb8;
	[tilespmem:$0x1D000] =	vst v63  }
0x87: {  	_ =	swait.ge [sflag:s10], $0x4000  }
0x88: {  	[sflag:s10] =	ssyncset.done $0x0  }
0x89: {  	[sflag:s10] =	ssyncadd.s32 $0xFFFFC000  }
0x8a: {  	[tilespmem:s13], [sflag:$0x1] =	stream.indirect.gather [hbm4b:s4+s12], $0x80, s25, s12, $0xb8;
	[tilespmem:$0x1D000] =	vst v63  }
0x8b: {  	_ =	swait.ge [sflag:s16], $0x4000  }
0x8c: {  	[sflag:s16] =	ssyncset.done $0x0  }
0x8d: {  	[sflag:s16] =	ssyncadd.s32 $0xFFFFC000  }
0x8e: {  	[spmem:s2] =	stream.indirect.scatter.add.f32 [tilespmem:s14], [sflag:$0x3], $0x80, s26, s12, $0xb8;
	[tilespmem:$0x1D000] =	vst v63  }
0x8f: {  	_ =	swait.ge [sflag:s10], $0x4000  }
0x90: {  	[sflag:s10] =	ssyncset.done $0x0  }
0x91: {  	[sflag:s10] =	ssyncadd.s32 $0xFFFFC000  }
0x92: {  	[tilespmem:s14], [sflag:$0x2] =	stream.indirect.gather [hbm4b:s4+s12], $0x80, s28, s12, $0xb8;
	[tilespmem:$0x1D000] =	vst v63  }
0x93: {  	_ =	swait.ge [sflag:s15], $0x4000  }
0x94: {  	[sflag:s15] =	ssyncset.done $0x0  }
0x95: {  	[sflag:s15] =	ssyncadd.s32 $0xFFFFC000  }
0x96: {  	[spmem:s2] =	stream.indirect.scatter.add.f32 [tilespmem:s13], [sflag:$0x3], $0x80, s29, s12, $0xb8;
	[tilespmem:$0x1D000] =	vst v63  }
0x97: {  	_ =	swait.ge [sflag:s10], $0x4000  }
0x98: {  	[sflag:s10] =	ssyncset.done $0x0  }
0x99: {  	[sflag:s10] =	ssyncadd.s32 $0xFFFFC000  }
0x9a: {  	[tilespmem:s13], [sflag:$0x1] =	stream.indirect.gather [hbm4b:s4+s12], $0x80, s30, s12, $0xb8;
	[tilespmem:$0x1D000] =	vst v63  }
0x9b: {  	_ =	swait.ge [sflag:s16], $0x4000  }
0x9c: {  	[sflag:s16] =	ssyncset.done $0x0  }
0x9d: {  	[sflag:s16] =	ssyncadd.s32 $0xFFFFC000  }
0x9e: {  	[spmem:s2] =	stream.indirect.scatter.add.f32 [tilespmem:s14], [sflag:$0x3], $0x80, s31, s12, $0xb8;
	[tilespmem:$0x1D000] =	vst v63  }
0x9f: {  	_ =	swait.ge [sflag:s10], $0x4000  }
0xa0: {  	[sflag:s10] =	ssyncset.done $0x0  }
0xa1: {  	[sflag:s10] =	ssyncadd.s32 $0xFFFFC000  }
0xa2: {  	[tilespmem:s14], [sflag:$0x2] =	stream.indirect.gather [hbm4b:s4+s12], $0x80, s0, s12, $0xb8;
	[tilespmem:$0x1D000] =	vst v63  }
0xa3: {  	_ =	swait.ge [sflag:s15], $0x4000  }
0xa4: {  	[sflag:s15] =	ssyncset.done $0x0  }
0xa5: {  	[sflag:s15] =	ssyncadd.s32 $0xFFFFC000  }
0xa6: {  	[spmem:s2] =	stream.indirect.scatter.add.f32 [tilespmem:s13], [sflag:$0x3], $0x80, s1, s12, $0xb8;
	[tilespmem:$0x1D000] =	vst v63  }
0xa7: {  	_ =	swait.ge [sflag:s10], $0x4000  }
0xa8: {  	[sflag:s10] =	ssyncset.done $0x0  }
0xa9: {  	[sflag:s10] =	ssyncadd.s32 $0xFFFFC000  }
0xaa: {  	_ =	swait.ge [sflag:s16], $0x4000  }
0xab: {  	[sflag:s16] =	ssyncset.done $0x0  }
0xac: {  	[sflag:s16] =	ssyncadd.s32 $0xFFFFC000  }
0xad: {  	[spmem:s2] =	stream.indirect.scatter.add.f32 [tilespmem:s14], [sflag:$0x3], $0x80, s5, s12, $0xb8;
	[tilespmem:$0x1D000] =	vst v63  }
0xae: {  	s6 =	simm.s32 $0x200;
	_ =	swait.ge [sflag:s10], $0x4000  }
0xaf: {  	s8 =	simm.s32 $0x100;
	s9 =	rddreg [dreg:$0x3];
	[sflag:s10] =	ssyncset.done $0x0  }
.LBB2_2:
0xb0: {  	[sflag:s10] =	ssyncadd.s32 $0xFFFFC000;
	s9 =	sadd.s32 s8, s9  }
0xb1: {  	[tilespmem:s3], [sflag:$0x3] =	stream.linear.gather [hbm4b:s9+s3], $0x800, $0x38;
	[tilespmem:$0x1D000] =	vst v63  }
0xb2: {  	_ =	swait.ge [sflag:s10], $0x800  }
0xb3: {  	s9 =	rddreg [dreg:$0x4];
	[sflag:s10] =	ssyncset.done $0x0  }
0xb4: {  	[sflag:s10] =	ssyncadd.s32 $0xFFFFF800;
	s9 =	sadd.s32 s8, s9  }
0xb5: {  	[tilespmem:s11], [sflag:$0x3] =	stream.linear.gather [hbm4b:s9+s3], $0x800, $0x38;
	[tilespmem:$0x1D000] =	vst v63  }
0xb6: {  	_ =	swait.ge [sflag:s10], $0x800  }
0xb7: {  	[sflag:s10] =	ssyncset.done $0x0  }
0xb8: {  	[sflag:s10] =	ssyncadd.s32 $0xFFFFF800  }
0xb9: {  	[tilespmem:s13], [sflag:$0x1] =	stream.indirect.gather [hbm4b:s4+s12], $0x80, s3, s12, $0xb8;
	[tilespmem:$0x1D000] =	vst v63  }
0xba: {  	_ = 	snop  }
0xbb: {  	[tilespmem:s14], [sflag:$0x2] =	stream.indirect.gather [hbm4b:s4+s12], $0x80, s12, s12, $0xb8;
	[tilespmem:$0x1D000] =	vst v63  }
0xbc: {  	_ =	swait.ge [sflag:s15], $0x4000  }
0xbd: {  	[sflag:s15] =	ssyncset.done $0x0  }
0xbe: {  	[sflag:s15] =	ssyncadd.s32 $0xFFFFC000  }
0xbf: {  	[spmem:s2] =	stream.indirect.scatter.add.f32 [tilespmem:s13], [sflag:$0x3], $0x80, s11, s12, $0xb8;
	[tilespmem:$0x1D000] =	vst v63  }
0xc0: {  	_ =	swait.ge [sflag:s10], $0x4000  }
0xc1: {  	[sflag:s10] =	ssyncset.done $0x0  }
0xc2: {  	s9 =	rddreg [dreg:$0x5];
	[sflag:s10] =	ssyncadd.s32 $0xFFFFC000  }
0xc3: {  	[tilespmem:s13], [sflag:$0x1] =	stream.indirect.gather [hbm4b:s4+s12], $0x80, s9, s12, $0xb8;
	[tilespmem:$0x1D000] =	vst v63  }
0xc4: {  	_ =	swait.ge [sflag:s16], $0x4000  }
0xc5: {  	[sflag:s16] =	ssyncset.done $0x0  }
0xc6: {  	s9 =	rddreg [dreg:$0x6];
	[sflag:s16] =	ssyncadd.s32 $0xFFFFC000  }
0xc7: {  	[spmem:s2] =	stream.indirect.scatter.add.f32 [tilespmem:s14], [sflag:$0x3], $0x80, s9, s12, $0xb8;
	[tilespmem:$0x1D000] =	vst v63  }
0xc8: {  	_ =	swait.ge [sflag:s10], $0x4000  }
0xc9: {  	[sflag:s10] =	ssyncset.done $0x0  }
0xca: {  	s9 =	rddreg [dreg:$0x7];
	[sflag:s10] =	ssyncadd.s32 $0xFFFFC000  }
0xcb: {  	[tilespmem:s14], [sflag:$0x2] =	stream.indirect.gather [hbm4b:s4+s12], $0x80, s9, s12, $0xb8;
	[tilespmem:$0x1D000] =	vst v63  }
0xcc: {  	_ =	swait.ge [sflag:s15], $0x4000  }
0xcd: {  	[sflag:s15] =	ssyncset.done $0x0  }
0xce: {  	s9 =	rddreg [dreg:$0x8];
	[sflag:s15] =	ssyncadd.s32 $0xFFFFC000  }
0xcf: {  	[spmem:s2] =	stream.indirect.scatter.add.f32 [tilespmem:s13], [sflag:$0x3], $0x80, s9, s12, $0xb8;
	[tilespmem:$0x1D000] =	vst v63  }
0xd0: {  	_ =	swait.ge [sflag:s10], $0x4000  }
0xd1: {  	[sflag:s10] =	ssyncset.done $0x0  }
0xd2: {  	s9 =	rddreg [dreg:$0x9];
	[sflag:s10] =	ssyncadd.s32 $0xFFFFC000  }
0xd3: {  	[tilespmem:s13], [sflag:$0x1] =	stream.indirect.gather [hbm4b:s4+s12], $0x80, s9, s12, $0xb8;
	[tilespmem:$0x1D000] =	vst v63  }
0xd4: {  	_ =	swait.ge [sflag:s16], $0x4000  }
0xd5: {  	[sflag:s16] =	ssyncset.done $0x0  }
0xd6: {  	s9 =	rddreg [dreg:$0xa];
	[sflag:s16] =	ssyncadd.s32 $0xFFFFC000  }
0xd7: {  	[spmem:s2] =	stream.indirect.scatter.add.f32 [tilespmem:s14], [sflag:$0x3], $0x80, s9, s12, $0xb8;
	[tilespmem:$0x1D000] =	vst v63  }
0xd8: {  	_ =	swait.ge [sflag:s10], $0x4000  }
0xd9: {  	[sflag:s10] =	ssyncset.done $0x0  }
0xda: {  	s9 =	rddreg [dreg:$0xb];
	[sflag:s10] =	ssyncadd.s32 $0xFFFFC000  }
0xdb: {  	[tilespmem:s14], [sflag:$0x2] =	stream.indirect.gather [hbm4b:s4+s12], $0x80, s9, s12, $0xb8;
	[tilespmem:$0x1D000] =	vst v63  }
0xdc: {  	_ =	swait.ge [sflag:s15], $0x4000  }
0xdd: {  	[sflag:s15] =	ssyncset.done $0x0  }
0xde: {  	s9 =	rddreg [dreg:$0xc];
	[sflag:s15] =	ssyncadd.s32 $0xFFFFC000  }
0xdf: {  	[spmem:s2] =	stream.indirect.scatter.add.f32 [tilespmem:s13], [sflag:$0x3], $0x80, s9, s12, $0xb8;
	[tilespmem:$0x1D000] =	vst v63  }
0xe0: {  	_ =	swait.ge [sflag:s10], $0x4000  }
0xe1: {  	[sflag:s10] =	ssyncset.done $0x0  }
0xe2: {  	s9 =	rddreg [dreg:$0xd];
	[sflag:s10] =	ssyncadd.s32 $0xFFFFC000  }
0xe3: {  	[tilespmem:s13], [sflag:$0x1] =	stream.indirect.gather [hbm4b:s4+s12], $0x80, s9, s12, $0xb8;
	[tilespmem:$0x1D000] =	vst v63  }
0xe4: {  	_ =	swait.ge [sflag:s16], $0x4000  }
0xe5: {  	[sflag:s16] =	ssyncset.done $0x0  }
0xe6: {  	s9 =	rddreg [dreg:$0xe];
	[sflag:s16] =	ssyncadd.s32 $0xFFFFC000  }
0xe7: {  	[spmem:s2] =	stream.indirect.scatter.add.f32 [tilespmem:s14], [sflag:$0x3], $0x80, s9, s12, $0xb8;
	[tilespmem:$0x1D000] =	vst v63  }
0xe8: {  	_ =	swait.ge [sflag:s10], $0x4000  }
0xe9: {  	[sflag:s10] =	ssyncset.done $0x0  }
0xea: {  	s9 =	rddreg [dreg:$0xf];
	[sflag:s10] =	ssyncadd.s32 $0xFFFFC000  }
0xeb: {  	[tilespmem:s14], [sflag:$0x2] =	stream.indirect.gather [hbm4b:s4+s12], $0x80, s9, s12, $0xb8;
	[tilespmem:$0x1D000] =	vst v63  }
0xec: {  	_ =	swait.ge [sflag:s15], $0x4000  }
0xed: {  	[sflag:s15] =	ssyncset.done $0x0  }
0xee: {  	s9 =	rddreg [dreg:$0x10];
	[sflag:s15] =	ssyncadd.s32 $0xFFFFC000  }
0xef: {  	[spmem:s2] =	stream.indirect.scatter.add.f32 [tilespmem:s13], [sflag:$0x3], $0x80, s9, s12, $0xb8;
	[tilespmem:$0x1D000] =	vst v63  }
0xf0: {  	_ =	swait.ge [sflag:s10], $0x4000  }
0xf1: {  	[sflag:s10] =	ssyncset.done $0x0  }
0xf2: {  	[sflag:s10] =	ssyncadd.s32 $0xFFFFC000  }
0xf3: {  	[tilespmem:s13], [sflag:$0x1] =	stream.indirect.gather [hbm4b:s4+s12], $0x80, s17, s12, $0xb8;
	[tilespmem:$0x1D000] =	vst v63  }
0xf4: {  	_ =	swait.ge [sflag:s16], $0x4000  }
0xf5: {  	[sflag:s16] =	ssyncset.done $0x0  }
0xf6: {  	[sflag:s16] =	ssyncadd.s32 $0xFFFFC000  }
0xf7: {  	[spmem:s2] =	stream.indirect.scatter.add.f32 [tilespmem:s14], [sflag:$0x3], $0x80, s18, s12, $0xb8;
	[tilespmem:$0x1D000] =	vst v63  }
0xf8: {  	_ =	swait.ge [sflag:s10], $0x4000  }
0xf9: {  	[sflag:s10] =	ssyncset.done $0x0  }
0xfa: {  	[sflag:s10] =	ssyncadd.s32 $0xFFFFC000  }
0xfb: {  	[tilespmem:s14], [sflag:$0x2] =	stream.indirect.gather [hbm4b:s4+s12], $0x80, s19, s12, $0xb8;
	[tilespmem:$0x1D000] =	vst v63  }
0xfc: {  	_ =	swait.ge [sflag:s15], $0x4000  }
0xfd: {  	[sflag:s15] =	ssyncset.done $0x0  }
0xfe: {  	[sflag:s15] =	ssyncadd.s32 $0xFFFFC000  }
0xff: {  	[spmem:s2] =	stream.indirect.scatter.add.f32 [tilespmem:s13], [sflag:$0x3], $0x80, s20, s12, $0xb8;
	[tilespmem:$0x1D000] =	vst v63  }
0x100: {  	_ =	swait.ge [sflag:s10], $0x4000  }
0x101: {  	[sflag:s10] =	ssyncset.done $0x0  }
0x102: {  	[sflag:s10] =	ssyncadd.s32 $0xFFFFC000  }
0x103: {  	[tilespmem:s13], [sflag:$0x1] =	stream.indirect.gather [hbm4b:s4+s12], $0x80, s21, s12, $0xb8;
	[tilespmem:$0x1D000] =	vst v63  }
0x104: {  	_ =	swait.ge [sflag:s16], $0x4000  }
0x105: {  	[sflag:s16] =	ssyncset.done $0x0  }
0x106: {  	[sflag:s16] =	ssyncadd.s32 $0xFFFFC000  }
0x107: {  	[spmem:s2] =	stream.indirect.scatter.add.f32 [tilespmem:s14], [sflag:$0x3], $0x80, s22, s12, $0xb8;
	[tilespmem:$0x1D000] =	vst v63  }
0x108: {  	_ =	swait.ge [sflag:s10], $0x4000  }
0x109: {  	[sflag:s10] =	ssyncset.done $0x0  }
0x10a: {  	[sflag:s10] =	ssyncadd.s32 $0xFFFFC000  }
0x10b: {  	[tilespmem:s14], [sflag:$0x2] =	stream.indirect.gather [hbm4b:s4+s12], $0x80, s23, s12, $0xb8;
	[tilespmem:$0x1D000] =	vst v63  }
0x10c: {  	_ =	swait.ge [sflag:s15], $0x4000  }
0x10d: {  	[sflag:s15] =	ssyncset.done $0x0  }
0x10e: {  	[sflag:s15] =	ssyncadd.s32 $0xFFFFC000  }
0x10f: {  	[spmem:s2] =	stream.indirect.scatter.add.f32 [tilespmem:s13], [sflag:$0x3], $0x80, s24, s12, $0xb8;
	[tilespmem:$0x1D000] =	vst v63  }
0x110: {  	_ =	swait.ge [sflag:s10], $0x4000  }
0x111: {  	[sflag:s10] =	ssyncset.done $0x0  }
0x112: {  	[sflag:s10] =	ssyncadd.s32 $0xFFFFC000  }
0x113: {  	[tilespmem:s13], [sflag:$0x1] =	stream.indirect.gather [hbm4b:s4+s12], $0x80, s25, s12, $0xb8;
	[tilespmem:$0x1D000] =	vst v63  }
0x114: {  	_ =	swait.ge [sflag:s16], $0x4000  }
0x115: {  	[sflag:s16] =	ssyncset.done $0x0  }
0x116: {  	[sflag:s16] =	ssyncadd.s32 $0xFFFFC000  }
0x117: {  	[spmem:s2] =	stream.indirect.scatter.add.f32 [tilespmem:s14], [sflag:$0x3], $0x80, s26, s12, $0xb8;
	[tilespmem:$0x1D000] =	vst v63  }
0x118: {  	_ =	swait.ge [sflag:s10], $0x4000  }
0x119: {  	[sflag:s10] =	ssyncset.done $0x0  }
0x11a: {  	[sflag:s10] =	ssyncadd.s32 $0xFFFFC000  }
0x11b: {  	[tilespmem:s14], [sflag:$0x2] =	stream.indirect.gather [hbm4b:s4+s12], $0x80, s28, s12, $0xb8;
	[tilespmem:$0x1D000] =	vst v63  }
0x11c: {  	_ =	swait.ge [sflag:s15], $0x4000  }
0x11d: {  	[sflag:s15] =	ssyncset.done $0x0  }
0x11e: {  	[sflag:s15] =	ssyncadd.s32 $0xFFFFC000  }
0x11f: {  	[spmem:s2] =	stream.indirect.scatter.add.f32 [tilespmem:s13], [sflag:$0x3], $0x80, s29, s12, $0xb8;
	[tilespmem:$0x1D000] =	vst v63  }
0x120: {  	_ =	swait.ge [sflag:s10], $0x4000  }
0x121: {  	[sflag:s10] =	ssyncset.done $0x0  }
0x122: {  	[sflag:s10] =	ssyncadd.s32 $0xFFFFC000  }
0x123: {  	[tilespmem:s13], [sflag:$0x1] =	stream.indirect.gather [hbm4b:s4+s12], $0x80, s30, s12, $0xb8;
	[tilespmem:$0x1D000] =	vst v63  }
0x124: {  	_ =	swait.ge [sflag:s16], $0x4000  }
0x125: {  	[sflag:s16] =	ssyncset.done $0x0  }
0x126: {  	[sflag:s16] =	ssyncadd.s32 $0xFFFFC000  }
0x127: {  	[spmem:s2] =	stream.indirect.scatter.add.f32 [tilespmem:s14], [sflag:$0x3], $0x80, s31, s12, $0xb8;
	[tilespmem:$0x1D000] =	vst v63  }
0x128: {  	_ =	swait.ge [sflag:s10], $0x4000  }
0x129: {  	[sflag:s10] =	ssyncset.done $0x0  }
0x12a: {  	[sflag:s10] =	ssyncadd.s32 $0xFFFFC000  }
0x12b: {  	[tilespmem:s14], [sflag:$0x2] =	stream.indirect.gather [hbm4b:s4+s12], $0x80, s0, s12, $0xb8;
	[tilespmem:$0x1D000] =	vst v63  }
0x12c: {  	_ =	swait.ge [sflag:s15], $0x4000  }
0x12d: {  	[sflag:s15] =	ssyncset.done $0x0  }
0x12e: {  	[sflag:s15] =	ssyncadd.s32 $0xFFFFC000  }
0x12f: {  	[spmem:s2] =	stream.indirect.scatter.add.f32 [tilespmem:s13], [sflag:$0x3], $0x80, s1, s12, $0xb8;
	[tilespmem:$0x1D000] =	vst v63  }
0x130: {  	_ =	swait.ge [sflag:s10], $0x4000  }
0x131: {  	[sflag:s10] =	ssyncset.done $0x0  }
0x132: {  	[sflag:s10] =	ssyncadd.s32 $0xFFFFC000  }
0x133: {  	p0 =	sne.s32 s6, $0x400;
	_ =	swait.ge [sflag:s16], $0x4000  }
.Ltmp0:
0x134: {  	[sflag:s16] =	ssyncset.done $0x0;
	(pc) =	sbr.rel @p0 .LBB2_2-.Ltmp0, $4  }
0x135: {  	[sflag:s16] =	ssyncadd.s32 $0xFFFFC000  }
0x136: {  	[spmem:s2] =	stream.indirect.scatter.add.f32 [tilespmem:s14], [sflag:$0x3], $0x80, s5, s12, $0xb8;
	[tilespmem:$0x1D000] =	vst v63  }
0x137: {  	s7 =	smov.u32 s6;
	s6 =	sadd.s32 $0x100, s6;
	_ =	swait.ge [sflag:s10], $0x4000  }
0x138: {  	s8 =	smov.u32 s7;
	s9 =	rddreg [dreg:$0x3];
	[sflag:s10] =	ssyncset.done $0x0  }
0x139: {  	[sflag:s10] =	ssyncadd.s32 $0xFFFFC000;
	s6 =	sadd.s32 s8, s9  }
0x13a: {  	[tilespmem:s3], [sflag:$0x3] =	stream.linear.gather [hbm4b:s6+s3], $0x800, $0x38;
	[tilespmem:$0x1D000] =	vst v63  }
0x13b: {  	_ =	swait.ge [sflag:s10], $0x800  }
0x13c: {  	s7 =	rddreg [dreg:$0x4];
	[sflag:s10] =	ssyncset.done $0x0  }
0x13d: {  	s6 =	sadd.s32 s8, s7;
	[sflag:s10] =	ssyncadd.s32 $0xFFFFF800  }
0x13e: {  	[tilespmem:s11], [sflag:$0x3] =	stream.linear.gather [hbm4b:s6+s3], $0x800, $0x38;
	[tilespmem:$0x1D000] =	vst v63  }
0x13f: {  	_ =	swait.ge [sflag:s10], $0x800  }
0x140: {  	[sflag:s10] =	ssyncset.done $0x0  }
0x141: {  	[sflag:s10] =	ssyncadd.s32 $0xFFFFF800  }
0x142: {  	[tilespmem:s13], [sflag:$0x1] =	stream.indirect.gather [hbm4b:s4+s12], $0x80, s3, s12, $0xb8;
	[tilespmem:$0x1D000] =	vst v63  }
0x143: {  	_ = 	snop  }
0x144: {  	[tilespmem:s14], [sflag:$0x2] =	stream.indirect.gather [hbm4b:s4+s12], $0x80, s12, s12, $0xb8;
	[tilespmem:$0x1D000] =	vst v63  }
0x145: {  	_ =	swait.ge [sflag:s15], $0x4000  }
0x146: {  	[sflag:s15] =	ssyncset.done $0x0  }
0x147: {  	[sflag:s15] =	ssyncadd.s32 $0xFFFFC000  }
0x148: {  	[spmem:s2] =	stream.indirect.scatter.add.f32 [tilespmem:s13], [sflag:$0x3], $0x80, s11, s12, $0xb8;
	[tilespmem:$0x1D000] =	vst v63  }
0x149: {  	_ =	swait.ge [sflag:s10], $0x4000  }
0x14a: {  	[sflag:s10] =	ssyncset.done $0x0  }
0x14b: {  	s9 =	rddreg [dreg:$0x5];
	[sflag:s10] =	ssyncadd.s32 $0xFFFFC000  }
0x14c: {  	[tilespmem:s13], [sflag:$0x1] =	stream.indirect.gather [hbm4b:s4+s12], $0x80, s9, s12, $0xb8;
	[tilespmem:$0x1D000] =	vst v63  }
0x14d: {  	_ =	swait.ge [sflag:s16], $0x4000  }
0x14e: {  	[sflag:s16] =	ssyncset.done $0x0  }
0x14f: {  	s7 =	rddreg [dreg:$0x6];
	[sflag:s16] =	ssyncadd.s32 $0xFFFFC000  }
0x150: {  	[spmem:s2] =	stream.indirect.scatter.add.f32 [tilespmem:s14], [sflag:$0x3], $0x80, s7, s12, $0xb8;
	[tilespmem:$0x1D000] =	vst v63  }
0x151: {  	_ =	swait.ge [sflag:s10], $0x4000  }
0x152: {  	[sflag:s10] =	ssyncset.done $0x0  }
0x153: {  	s8 =	rddreg [dreg:$0x7];
	[sflag:s10] =	ssyncadd.s32 $0xFFFFC000  }
0x154: {  	[tilespmem:s14], [sflag:$0x2] =	stream.indirect.gather [hbm4b:s4+s12], $0x80, s8, s12, $0xb8;
	[tilespmem:$0x1D000] =	vst v63  }
0x155: {  	_ =	swait.ge [sflag:s15], $0x4000  }
0x156: {  	[sflag:s15] =	ssyncset.done $0x0  }
0x157: {  	s9 =	rddreg [dreg:$0x8];
	[sflag:s15] =	ssyncadd.s32 $0xFFFFC000  }
0x158: {  	[spmem:s2] =	stream.indirect.scatter.add.f32 [tilespmem:s13], [sflag:$0x3], $0x80, s9, s12, $0xb8;
	[tilespmem:$0x1D000] =	vst v63  }
0x159: {  	_ =	swait.ge [sflag:s10], $0x4000  }
0x15a: {  	[sflag:s10] =	ssyncset.done $0x0  }
0x15b: {  	s7 =	rddreg [dreg:$0x9];
	[sflag:s10] =	ssyncadd.s32 $0xFFFFC000  }
0x15c: {  	[tilespmem:s13], [sflag:$0x1] =	stream.indirect.gather [hbm4b:s4+s12], $0x80, s7, s12, $0xb8;
	[tilespmem:$0x1D000] =	vst v63  }
0x15d: {  	_ =	swait.ge [sflag:s16], $0x4000  }
0x15e: {  	[sflag:s16] =	ssyncset.done $0x0  }
0x15f: {  	s8 =	rddreg [dreg:$0xa];
	[sflag:s16] =	ssyncadd.s32 $0xFFFFC000  }
0x160: {  	[spmem:s2] =	stream.indirect.scatter.add.f32 [tilespmem:s14], [sflag:$0x3], $0x80, s8, s12, $0xb8;
	[tilespmem:$0x1D000] =	vst v63  }
0x161: {  	_ =	swait.ge [sflag:s10], $0x4000  }
0x162: {  	[sflag:s10] =	ssyncset.done $0x0  }
0x163: {  	s9 =	rddreg [dreg:$0xb];
	[sflag:s10] =	ssyncadd.s32 $0xFFFFC000  }
0x164: {  	[tilespmem:s14], [sflag:$0x2] =	stream.indirect.gather [hbm4b:s4+s12], $0x80, s9, s12, $0xb8;
	[tilespmem:$0x1D000] =	vst v63  }
0x165: {  	_ =	swait.ge [sflag:s15], $0x4000  }
0x166: {  	[sflag:s15] =	ssyncset.done $0x0  }
0x167: {  	s7 =	rddreg [dreg:$0xc];
	[sflag:s15] =	ssyncadd.s32 $0xFFFFC000  }
0x168: {  	[spmem:s2] =	stream.indirect.scatter.add.f32 [tilespmem:s13], [sflag:$0x3], $0x80, s7, s12, $0xb8;
	[tilespmem:$0x1D000] =	vst v63  }
0x169: {  	_ =	swait.ge [sflag:s10], $0x4000  }
0x16a: {  	[sflag:s10] =	ssyncset.done $0x0  }
0x16b: {  	s8 =	rddreg [dreg:$0xd];
	[sflag:s10] =	ssyncadd.s32 $0xFFFFC000  }
0x16c: {  	[tilespmem:s13], [sflag:$0x1] =	stream.indirect.gather [hbm4b:s4+s12], $0x80, s8, s12, $0xb8;
	[tilespmem:$0x1D000] =	vst v63  }
0x16d: {  	_ =	swait.ge [sflag:s16], $0x4000  }
0x16e: {  	[sflag:s16] =	ssyncset.done $0x0  }
0x16f: {  	s9 =	rddreg [dreg:$0xe];
	[sflag:s16] =	ssyncadd.s32 $0xFFFFC000  }
0x170: {  	[spmem:s2] =	stream.indirect.scatter.add.f32 [tilespmem:s14], [sflag:$0x3], $0x80, s9, s12, $0xb8;
	[tilespmem:$0x1D000] =	vst v63  }
0x171: {  	_ =	swait.ge [sflag:s10], $0x4000  }
0x172: {  	[sflag:s10] =	ssyncset.done $0x0  }
0x173: {  	s7 =	rddreg [dreg:$0xf];
	[sflag:s10] =	ssyncadd.s32 $0xFFFFC000  }
0x174: {  	[tilespmem:s14], [sflag:$0x2] =	stream.indirect.gather [hbm4b:s4+s12], $0x80, s7, s12, $0xb8;
	[tilespmem:$0x1D000] =	vst v63  }
0x175: {  	_ =	swait.ge [sflag:s15], $0x4000  }
0x176: {  	[sflag:s15] =	ssyncset.done $0x0  }
0x177: {  	s8 =	rddreg [dreg:$0x10];
	[sflag:s15] =	ssyncadd.s32 $0xFFFFC000  }
0x178: {  	[spmem:s2] =	stream.indirect.scatter.add.f32 [tilespmem:s13], [sflag:$0x3], $0x80, s8, s12, $0xb8;
	[tilespmem:$0x1D000] =	vst v63  }
0x179: {  	_ =	swait.ge [sflag:s10], $0x4000  }
0x17a: {  	[sflag:s10] =	ssyncset.done $0x0  }
0x17b: {  	[sflag:s10] =	ssyncadd.s32 $0xFFFFC000  }
0x17c: {  	[tilespmem:s13], [sflag:$0x1] =	stream.indirect.gather [hbm4b:s4+s12], $0x80, s17, s12, $0xb8;
	[tilespmem:$0x1D000] =	vst v63  }
0x17d: {  	_ =	swait.ge [sflag:s16], $0x4000  }
0x17e: {  	[sflag:s16] =	ssyncset.done $0x0  }
0x17f: {  	[sflag:s16] =	ssyncadd.s32 $0xFFFFC000  }
0x180: {  	[spmem:s2] =	stream.indirect.scatter.add.f32 [tilespmem:s14], [sflag:$0x3], $0x80, s18, s12, $0xb8;
	[tilespmem:$0x1D000] =	vst v63  }
0x181: {  	_ =	swait.ge [sflag:s10], $0x4000  }
0x182: {  	[sflag:s10] =	ssyncset.done $0x0  }
0x183: {  	[sflag:s10] =	ssyncadd.s32 $0xFFFFC000  }
0x184: {  	[tilespmem:s14], [sflag:$0x2] =	stream.indirect.gather [hbm4b:s4+s12], $0x80, s19, s12, $0xb8;
	[tilespmem:$0x1D000] =	vst v63  }
0x185: {  	_ =	swait.ge [sflag:s15], $0x4000  }
0x186: {  	[sflag:s15] =	ssyncset.done $0x0  }
0x187: {  	[sflag:s15] =	ssyncadd.s32 $0xFFFFC000  }
0x188: {  	[spmem:s2] =	stream.indirect.scatter.add.f32 [tilespmem:s13], [sflag:$0x3], $0x80, s20, s12, $0xb8;
	[tilespmem:$0x1D000] =	vst v63  }
0x189: {  	_ =	swait.ge [sflag:s10], $0x4000  }
0x18a: {  	[sflag:s10] =	ssyncset.done $0x0  }
0x18b: {  	[sflag:s10] =	ssyncadd.s32 $0xFFFFC000  }
0x18c: {  	[tilespmem:s13], [sflag:$0x1] =	stream.indirect.gather [hbm4b:s4+s12], $0x80, s21, s12, $0xb8;
	[tilespmem:$0x1D000] =	vst v63  }
0x18d: {  	_ =	swait.ge [sflag:s16], $0x4000  }
0x18e: {  	[sflag:s16] =	ssyncset.done $0x0  }
0x18f: {  	[sflag:s16] =	ssyncadd.s32 $0xFFFFC000  }
0x190: {  	[spmem:s2] =	stream.indirect.scatter.add.f32 [tilespmem:s14], [sflag:$0x3], $0x80, s22, s12, $0xb8;
	[tilespmem:$0x1D000] =	vst v63  }
0x191: {  	_ =	swait.ge [sflag:s10], $0x4000  }
0x192: {  	[sflag:s10] =	ssyncset.done $0x0  }
0x193: {  	[sflag:s10] =	ssyncadd.s32 $0xFFFFC000  }
0x194: {  	[tilespmem:s14], [sflag:$0x2] =	stream.indirect.gather [hbm4b:s4+s12], $0x80, s23, s12, $0xb8;
	[tilespmem:$0x1D000] =	vst v63  }
0x195: {  	_ =	swait.ge [sflag:s15], $0x4000  }
0x196: {  	[sflag:s15] =	ssyncset.done $0x0  }
0x197: {  	[sflag:s15] =	ssyncadd.s32 $0xFFFFC000  }
0x198: {  	[spmem:s2] =	stream.indirect.scatter.add.f32 [tilespmem:s13], [sflag:$0x3], $0x80, s24, s12, $0xb8;
	[tilespmem:$0x1D000] =	vst v63  }
0x199: {  	_ =	swait.ge [sflag:s10], $0x4000  }
0x19a: {  	[sflag:s10] =	ssyncset.done $0x0  }
0x19b: {  	[sflag:s10] =	ssyncadd.s32 $0xFFFFC000  }
0x19c: {  	[tilespmem:s13], [sflag:$0x1] =	stream.indirect.gather [hbm4b:s4+s12], $0x80, s25, s12, $0xb8;
	[tilespmem:$0x1D000] =	vst v63  }
0x19d: {  	_ =	swait.ge [sflag:s16], $0x4000  }
0x19e: {  	[sflag:s16] =	ssyncset.done $0x0  }
0x19f: {  	[sflag:s16] =	ssyncadd.s32 $0xFFFFC000  }
0x1a0: {  	[spmem:s2] =	stream.indirect.scatter.add.f32 [tilespmem:s14], [sflag:$0x3], $0x80, s26, s12, $0xb8;
	[tilespmem:$0x1D000] =	vst v63  }
0x1a1: {  	_ =	swait.ge [sflag:s10], $0x4000  }
0x1a2: {  	[sflag:s10] =	ssyncset.done $0x0  }
0x1a3: {  	[sflag:s10] =	ssyncadd.s32 $0xFFFFC000  }
0x1a4: {  	[tilespmem:s14], [sflag:$0x2] =	stream.indirect.gather [hbm4b:s4+s12], $0x80, s28, s12, $0xb8;
	[tilespmem:$0x1D000] =	vst v63  }
0x1a5: {  	_ =	swait.ge [sflag:s15], $0x4000  }
0x1a6: {  	[sflag:s15] =	ssyncset.done $0x0  }
0x1a7: {  	[sflag:s15] =	ssyncadd.s32 $0xFFFFC000  }
0x1a8: {  	[spmem:s2] =	stream.indirect.scatter.add.f32 [tilespmem:s13], [sflag:$0x3], $0x80, s29, s12, $0xb8;
	[tilespmem:$0x1D000] =	vst v63  }
0x1a9: {  	_ =	swait.ge [sflag:s10], $0x4000  }
0x1aa: {  	[sflag:s10] =	ssyncset.done $0x0  }
0x1ab: {  	[sflag:s10] =	ssyncadd.s32 $0xFFFFC000  }
0x1ac: {  	[tilespmem:s13], [sflag:$0x1] =	stream.indirect.gather [hbm4b:s4+s12], $0x80, s30, s12, $0xb8;
	[tilespmem:$0x1D000] =	vst v63  }
0x1ad: {  	_ =	swait.ge [sflag:s16], $0x4000  }
0x1ae: {  	[sflag:s16] =	ssyncset.done $0x0  }
0x1af: {  	[sflag:s16] =	ssyncadd.s32 $0xFFFFC000  }
0x1b0: {  	[spmem:s2] =	stream.indirect.scatter.add.f32 [tilespmem:s14], [sflag:$0x3], $0x80, s31, s12, $0xb8;
	[tilespmem:$0x1D000] =	vst v63  }
0x1b1: {  	_ =	swait.ge [sflag:s10], $0x4000  }
0x1b2: {  	[sflag:s10] =	ssyncset.done $0x0  }
0x1b3: {  	[sflag:s10] =	ssyncadd.s32 $0xFFFFC000  }
0x1b4: {  	[tilespmem:s14], [sflag:$0x2] =	stream.indirect.gather [hbm4b:s4+s12], $0x80, s0, s12, $0xb8;
	[tilespmem:$0x1D000] =	vst v63  }
0x1b5: {  	_ =	swait.ge [sflag:s15], $0x4000  }
0x1b6: {  	[sflag:s15] =	ssyncset.done $0x0  }
0x1b7: {  	[sflag:s15] =	ssyncadd.s32 $0xFFFFC000  }
0x1b8: {  	[spmem:s2] =	stream.indirect.scatter.add.f32 [tilespmem:s13], [sflag:$0x3], $0x80, s1, s12, $0xb8;
	[tilespmem:$0x1D000] =	vst v63  }
0x1b9: {  	_ =	swait.ge [sflag:s10], $0x4000  }
0x1ba: {  	[sflag:s10] =	ssyncset.done $0x0  }
0x1bb: {  	[sflag:s10] =	ssyncadd.s32 $0xFFFFC000  }
0x1bc: {  	_ =	swait.ge [sflag:s16], $0x4000  }
0x1bd: {  	[sflag:s16] =	ssyncset.done $0x0  }
0x1be: {  	[sflag:s16] =	ssyncadd.s32 $0xFFFFC000  }
0x1bf: {  	[spmem:s2] =	stream.indirect.scatter.add.f32 [tilespmem:s14], [sflag:$0x3], $0x80, s5, s12, $0xb8;
	[tilespmem:$0x1D000] =	vst v63  }
0x1c0: {  	_ =	swait.ge [sflag:s10], $0x4000  }
0x1c1: {  	[sflag:s10] =	ssyncset.done $0x0  }
0x1c2: {  	[sflag:s10] =	ssyncadd.s32 $0xFFFFC000  }
0x1c3: {  	[bflag:$0x0] =	sbarrier.arrive $0xFFFF  }
0x1c4: {  	s7 =	rddreg [dreg:$0x12]  }
0x1c5: {  	s9 =	rddreg [dreg:$0x13]  }
0x1c6: {  	s8 =	rddreg [dreg:$0x15]  }
0x1c7: {  	[hbm:s9], [sflag:s7] =	dma.local [spmem:s8], $0x2800  }
0x1c8: {  	_ =	swait.ge [sflag:s10], $0x2800  }
0x1c9: {  	s6 =	rddreg [dreg:$0x16]  }
0x1ca: {  	s9 =	sadd.s32 $0x1, s6;
	s6 =	rddreg [dreg:$0x14]  }
0x1cb: {  	p0 =	sne.s32 s9, s6  }
.Ltmp1:
0x1cc: {  	_ = 	snop;
	(pc) =	sbr.rel @p0 .LBB2_1-.Ltmp1, $3  }
0x1cd: {  	_ =	sdelay $0x1  }
0x1ce: {  	[sflag:s10] =	ssyncset.done $0x0  }
0x1cf: {  	[sflag:s10] =	ssyncadd.s32 $0xFFFFD800  }
0x1d0: {  	_ =	sfence.sel $0x180000  }
0x1d1: {  	[bflag:$0x0] =	sbarrier.arrive $0xFFFF  }
0x1d2: {  	_ =	strace $0x90000047  }
0x1d3: {  	s0 =	stileid.u32;
	[bflag:$0x2] =	sbarrier.arrive $0xFFFF  }
0x1d4: {  	p0 =	sne.s32 s0, $0x0;
	s0 =	rddreg [dreg:$0x2]  }
0x1d5: {  	s0 =	sadd.s32 @!p0 $0x100000, s0  }
0x1d6: {  	[sflag:s0] =	ssyncadd.tile.s32 @!p0 $0x1;
	_ =	shalt  }
.Lfunc_end2:
_tile_overlayer_lowered:
.L_overlay_start_2:
0x1d7: {  	(tag) =	ssettag $0x2  }
0x1d8: {  	s0 =	rddreg [dreg:$0x0];
	s2 =	stileid.u32  }
0x1d9: {  	s1 =	rddreg [dreg:$0x1];
	p0 =	sne.s32 s2, $0x0  }
0x1da: {  	s3 =	rddreg [dreg:$0x2];
	[bflag:$0x3] =	sbarrier.arrive $0xFFFF;
	s2 =	simm.s32 @!p0 $0x1C03  }
0x1db: {  	[timem:s3], [sflag:s2] =	dma.local @!p0 [hbm:s0], s1  }
0x1dc: {  	s0 =	simm.s32 @!p0 $0x3  }
0x1dd: {  	_ =	swait.ge @!p0 [sflag:s0], s1  }
0x1de: {  	s1 =	ssub.s32 @!p0 $0x0, s1;
	[sflag:s0] =	ssyncset.done @!p0 $0x0  }
0x1df: {  	[sflag:s0] =	ssyncadd.s32 @!p0 s1  }
0x1e0: {  	[bflag:$0x3] =	sbarrier.arrive $0xFFFF  }
0x1e1: {  	_ =	shalt  }

// kernel: kernel.14.cloned.1.call-start
scs
__scs_entry_jumppad:
0x0: {  	(pc) =	sbr.rel $0x88, $3  }
0x1: {  	(tag) =	ssettag $0x0;
	lr =	simm.s32 $0x1  }
0x2: {  	[smem:$0x3F94] =	sst lr;
	_ =	strace $0xD0000000  }
0x3: {  	_ = 	snop  }
0x4: {  	_ = 	snop  }
0x5: {  	_ = 	snop  }
0x6: {  	_ = 	snop  }
0x7: {  	_ = 	snop  }
__scs_overlays_trampoline_lowered:
0x8: {  	[smem:$0x3FA3] =	sst s0  }
0x9: {  	[smem:$0x3FA4] =	sst s1  }
0xa: {  	[smem:$0x3FA5] =	sst s2  }
0xb: {  	[smem:$0x3FA6] =	sst s3  }
0xc: {  	[smem:$0x3FA7] =	sst s4  }
0xd: {  	[smem:$0x3FA8] =	sst s5  }
0xe: {  	[smem:$0x3FA9] =	sst s6  }
0xf: {  	[smem:$0x3FAA] =	sst s7  }
0x10: {  	[smem:$0x3FAB] =	sst s8  }
0x11: {  	[smem:$0x3FAC] =	sst s9;
	s0 =	simm.s32 @!p0 $0x0  }
0x12: {  	s1 =	sld [smem:$0x3F92];
	s0 =	simm.s32 @p0 $0x1  }
0x13: {  	[smem:$0x3FAD] =	sst s0;
	s0 =	simm.s32 @!p1 $0x0  }
0x14: {  	s2 =	sld [smem:$0x3F91];
	s0 =	simm.s32 @p1 $0x1  }
0x15: {  	[smem:$0x3FAE] =	sst s0;
	s0 =	simm.s32 @!p2 $0x0  }
0x16: {  	s3 =	sld [smem:$0x3FDB];
	s0 =	simm.s32 @p2 $0x1  }
0x17: {  	s4 =	simm.s32 $0x1BF5;
	[smem:$0x3FB0] =	sst s0  }
0x18: {  	s0 =	sld [smem:$0x3F93];
	_ =	swait.ge [sflag:s4], $0x0  }
0x19: {  	s7 =	sld [smem:$0x3F94]  }
0x1a: {  	s8 =	sadd.s32 $0xFFFFE003, lr  }
0x1b: {  	s9 =	sadd.s32 $0xFFFFFEF7, lr;
	s5 =	simm.s32 $0xFFFFFFFF;
	p2 =	slt.u32 s8, $0xFFFFF086  }
0x1c: {  	p1 =	slt.u32 s9, $0xF7A;
	s5 =	simm.s32 @!p2 $0x0  }
0x1d: {  	s5 =	simm.s32 @p1 $0x1;
	p0 =	seq.s32 s7, s2  }
0x1e: {  	s7 =	smul.u32 @!p0 $0xF7A, s2;
	p2 =	seq.s32 @!p0 s5, $0x0  }
0x1f: {  	s9 =	smul.u32 $0xF7A, s1;
	s8 =	simm.s32 @!p0 $0x1BF5;
	p2 =	por !p2, p0  }
0x20: {  	[sflag:s8] =	ssyncset.s32 @!p0 $0xFFFFF086;
	s6 =	sadd.s32 @!p0 s3, s7;
	s7 =	simm.s32 @!p0 $0x108  }
0x21: {  	s3 =	sadd.s32 s3, s9;
	s6 =	sadd.s32 @!p0 $0x88, s6;
	s7 =	simm.s32 @p2 $0x1082  }
0x22: {  	[simem:s7], [sflag:s8] =	dma.local @!p0 [hbm:s6], $0xF7A  }
0x23: {  	s9 =	sor.u32 $0xD0000000, s2;
	s6 =	simm.s32 $0x108;
	_ =	swait.ge @!p0 [sflag:s8], $0x0  }
0x24: {  	s3 =	sadd.s32 $0x88, s3;
	s6 =	simm.s32 @!p1 $0x1082;
	[sflag:s4] =	ssyncset.s32 $0xFFFFF086  }
0x25: {  	[simem:s6], [sflag:s4] =	dma.local [hbm:s3], $0xF7A  }
0x26: {  	[smem:$0x3F94] =	sst s1;
	(tag) =	ssettag s2;
	_ =	strace s9  }
0x27: {  	s1 =	sld [smem:$0x3FA4]  }
0x28: {  	s2 =	sld [smem:$0x3FA5]  }
0x29: {  	s4 =	sld [smem:$0x3FA7]  }
0x2a: {  	p0 =	seq.s32 s5, $0x0;
	s5 =	sld [smem:$0x3FA8]  }
0x2b: {  	s6 =	sld [smem:$0x3FA9]  }
0x2c: {  	s7 =	sld [smem:$0x3FAA]  }
0x2d: {  	s3 =	simm.s32 $0x108;
	s8 =	sld [smem:$0x3FAB]  }
0x2e: {  	s3 =	simm.s32 @!p0 $0x1082;
	s9 =	sld [smem:$0x3FAC]  }
0x2f: {  	lr =	sadd.s32 s0, s3;
	s0 =	sld [smem:$0x3FA3]  }
0x30: {  	s3 =	sld [smem:$0x3FA6]  }
0x31: {  	[smem:$0x3FAF] =	sst s10  }
0x32: {  	s10 =	sld [smem:$0x3FAD];
	_ =	sdelay $0x3  }
0x33: {  	p0 =	seq.s32 s10, $0x1;
	s10 =	sld [smem:$0x3FAF];
	_ =	sdelay $0x3  }
0x34: {  	[smem:$0x3FAF] =	sst s10  }
0x35: {  	s10 =	sld [smem:$0x3FAE];
	_ =	sdelay $0x3  }
0x36: {  	p1 =	seq.s32 s10, $0x1;
	s10 =	sld [smem:$0x3FAF];
	_ =	sdelay $0x3  }
0x37: {  	[smem:$0x3FAF] =	sst s10  }
0x38: {  	s10 =	sld [smem:$0x3FB0]  }
0x39: {  	_ = 	snop;
	(pc) =	sbr.ind lr, $3  }
0x3a: {  	_ = 	snop  }
0x3b: {  	_ = 	snop  }
0x3c: {  	p2 =	seq.s32 s10, $0x1;
	s10 =	sld [smem:$0x3FAF]  }
0x3d: {  	_ =	shalt  }
0x3e: {  	_ =	shalt  }
0x3f: {  	_ =	shalt  }
0x40: {  	_ =	shalt  }
0x41: {  	_ =	shalt  }
0x42: {  	_ =	shalt  }
0x43: {  	_ =	shalt  }
0x44: {  	_ =	shalt  }
0x45: {  	_ =	shalt  }
0x46: {  	_ =	shalt  }
0x47: {  	_ =	shalt  }
0x48: {  	_ =	shalt  }
0x49: {  	_ =	shalt  }
0x4a: {  	_ =	shalt  }
0x4b: {  	_ =	shalt  }
0x4c: {  	_ =	shalt  }
0x4d: {  	_ =	shalt  }
0x4e: {  	_ =	shalt  }
0x4f: {  	_ =	shalt  }
0x50: {  	_ =	shalt  }
0x51: {  	_ =	shalt  }
0x52: {  	_ =	shalt  }
0x53: {  	_ =	shalt  }
0x54: {  	_ =	shalt  }
0x55: {  	_ =	shalt  }
0x56: {  	_ =	shalt  }
0x57: {  	_ =	shalt  }
0x58: {  	_ =	shalt  }
0x59: {  	_ =	shalt  }
0x5a: {  	_ =	shalt  }
0x5b: {  	_ =	shalt  }
0x5c: {  	_ =	shalt  }
0x5d: {  	_ =	shalt  }
0x5e: {  	_ =	shalt  }
0x5f: {  	_ =	shalt  }
0x60: {  	_ =	shalt  }
0x61: {  	_ =	shalt  }
0x62: {  	_ =	shalt  }
0x63: {  	_ =	shalt  }
0x64: {  	_ =	shalt  }
0x65: {  	_ =	shalt  }
0x66: {  	_ =	shalt  }
0x67: {  	_ =	shalt  }
0x68: {  	_ =	shalt  }
0x69: {  	_ =	shalt  }
0x6a: {  	_ =	shalt  }
0x6b: {  	_ =	shalt  }
0x6c: {  	_ =	shalt  }
0x6d: {  	_ =	shalt  }
0x6e: {  	_ =	shalt  }
0x6f: {  	_ =	shalt  }
0x70: {  	_ =	shalt  }
0x71: {  	_ =	shalt  }
0x72: {  	_ =	shalt  }
0x73: {  	_ =	shalt  }
0x74: {  	_ =	shalt  }
0x75: {  	_ =	shalt  }
0x76: {  	_ =	shalt  }
0x77: {  	_ =	shalt  }
0x78: {  	_ =	shalt  }
0x79: {  	_ =	shalt  }
0x7a: {  	_ =	shalt  }
0x7b: {  	_ =	shalt  }
0x7c: {  	_ =	shalt  }
0x7d: {  	_ =	shalt  }
0x7e: {  	_ =	shalt  }
0x7f: {  	_ =	shalt  }
0x80: {  	_ =	shalt  }
0x81: {  	_ =	shalt  }
0x82: {  	_ =	shalt  }
0x83: {  	_ =	shalt  }
0x84: {  	_ =	shalt  }
0x85: {  	_ =	shalt  }
0x86: {  	_ =	shalt  }
0x87: {  	_ =	shalt  }
.Lfunc_end0:
.L_simem_size_0:
called_computation.2_lowered:
.L_overlay_start_0:
0x88: {  	s2 =	sld [smem:$0x3FD9]  }
0x89: {  	s3 =	sld [smem:$0x3FFE];
	_ =	sdelay $0x1  }
0x8a: {  	s1 =	srdreg.scid  }
0x8b: {  	s0 =	sand.u32 $0x1, s1  }
0x8c: {  	s16 =	sshll.u32 s0, $0xA;
	s2 =	sadd.s32 s3, s2  }
0x8d: {  	s2 =	sadd.s32 s2, s16  }
0x8e: {  	[smem:$0x3FBB] =	sst s2  }
0x8f: {  	_ = 	snop  }
0x90: {  	(tm) =	ssettm $0x1  }
0x91: {  	s17 =	sld [smem:$0x3FFB];
	_ =	sdelay $0x3  }
0x92: {  	_ =	strace s17  }
0x93: {  	s2 =	sld [smem:$0x3FFC];
	_ =	sdelay $0x3  }
0x94: {  	_ =	strace s2  }
0x95: {  	s2 =	sld [smem:$0x3FFD];
	_ =	sdelay $0x3  }
0x96: {  	_ =	strace s2  }
0x97: {  	_ =	strace $0x8FFFFFFF  }
0x98: {  	s18 =	sld [smem:$0x3FDB];
	_ =	sdelay $0x1  }
0x99: {  	s19 =	simm.s32 $_scs_section_size  }
0x9a: {  	s4 =	simm.s32 $_size__tile_overlayer_lowered;
	s5 =	simm.s32 $_tile_overlayer_lowered  }
0x9b: {  	s22 =	simm.s32 $0x1BFF;
	s21 =	sshll.u32 s5, $0x1;
	s2 =	sadd.s32 s19, s18  }
0x9c: {  	s6 =	simm.s32 $0x0;
	s20 =	sshll.u32 s4, $0x1;
	s4 =	sadd.s32 s21, s2  }
0x9d: {  	[timem:s6], [sflag:s22] =	dma.local [hbm:s4], s20  }
0x9e: {  	_ =	swait.ge [sflag:s22], s20  }
0x9f: {  	s3 =	ssub.s32 $0x0, s20;
	[sflag:s22] =	ssyncset.done $0x0  }
0xa0: {  	[sflag:s22] =	ssyncadd.s32 s3;
	_ =	sdelay $0x1  }
0xa1: {  	s23 =	simm.s32 $0x1B8B  }
0xa2: {  	_ =	swait.ge [sflag:s23], $0x1  }
0xa3: {  	[sflag:s23] =	ssyncset.done $0x0  }
0xa4: {  	s25 =	simm.s32 $0x1B8E;
	s24 =	sld [smem:$0x3FFE];
	[sflag:s23] =	ssyncadd.s32 $0xFFFFFFFF  }
0xa5: {  	s26 =	simm.s32 $execute0_lowered;
	[smem:$0x3FD2] =	sst s25  }
0xa6: {  	s4 =	sshll.u32 s26, $0x1;
	_ =	strace $0x8000004C;
	[dreg:$0x1] =	wrdreg $0xFFFFFFFF  }
0xa7: {  	s28 =	simm.s32 $_size_execute0_lowered;
	s2 =	sadd.s32 s2, s4;
	[dreg:$0x0] =	wrdreg $0x0  }
0xa8: {  	s4 =	sshll.u32 s28, $0x1;
	[dreg:$0x2] =	wrdreg s2  }
0xa9: {  	[dreg:$0x3] =	wrdreg s4  }
0xaa: {  	[dreg:$0x4] =	wrdreg $0xC0  }
0xab: {  	_ =	task [dreg:s6], $0x5FFFF  }
0xac: {  	[dreg:$0x1] =	wrdreg $0xFFFFFFFF  }
0xad: {  	[dreg:$0x0] =	wrdreg $0x60  }
0xae: {  	[dreg:$0x2] =	wrdreg s24  }
0xaf: {  	[dreg:$0x3] =	wrdreg $0x88000  }
0xb0: {  	[dreg:$0x4] =	wrdreg $0x9  }
0xb1: {  	_ =	task.clear_ibuf [dreg:s6], $0x5FFFF;
	_ =	strace $0x9000004C  }
0xb2: {  	s29 =	simm.s32 $0x9;
	_ =	strace $0x8000004E  }
0xb3: {  	_ =	swait.ge [sflag:s29], $0x1  }
0xb4: {  	[sflag:s29] =	ssyncadd.s32 $0xFFFFFFFF  }
0xb5: {  	_ =	strace $0x9000004E  }
0xb6: {  	_ =	sfence  }
0xb7: {  	s30 =	sld [smem:$0x0];
	_ =	sdelay $0x2  }
0xb8: {  	s31 =	sshll.u32 s1, $0xD;
	s1 =	sshrl.u32 s1, $0x2  }
0xb9: {  	s3 =	sand.u32 $0x4000, s31;
	s1 =	sadd.s32 s1, s30  }
0xba: {  	s0 =	sor.u32 s3, s0;
	s1 =	sshll.u32 s1, $0x11  }
0xbb: {  	s0 =	sor.u32 s1, s0  }
0xbc: {  	s0 =	sadd.s32 $0x8F2B, s0  }
0xbd: {  	[sflag:s0] =	ssyncadd.remote.s32 $0x1  }
0xbe: {  	_ =	sfence.sel $0xFFFF  }
0xbf: {  	[dreg:$0x0] =	wrdreg $0xFFFFFFFF;
	(pc) =	sbr.abs _section_cstart, $3  }
0xc0: {  	[dreg:$0x1] =	wrdreg $0xFFFFFFFF  }
0xc1: {  	_ =	task.clear_ibuf [dreg:s6], $0x2FFFF;
	_ =	strace $0x9FFFFFFF  }
0xc2: {  	(tm) =	ssettm $0x7FFFFFFF  }
0xc3: {  	_ =	shalt  }
tec
execute0_lowered:
.L_overlay_start_1:
0x0: {  	(tag) =	ssettag $0x1  }
0x1: {  	s0 =	rddreg [dreg:$0x0]  }
0x2: {  	s2 =	srdreg.scid;
	s1 =	rddreg [dreg:$0x1]  }
0x3: {  	s3 =	simm.s32 $0x0;
	s10 =	stileid.u32;
	s12 =	simm.s32 $0x3  }
0x4: {  	s13 =	simm.s32 $0x400;
	s14 =	simm.s32 $0x80;
	s15 =	simm.s32 $0x800  }
0x5: {  	s16 =	simm.s32 $0x4800;
	s28 =	simm.s32 $0x300;
	s7 =	smul.u32 $0x2800, s10  }
0x6: {  	s29 =	simm.s32 $0x680;
	s30 =	simm.s32 $0x380;
	s19 =	smul.u32 $0x50000, s10  }
0x7: {  	s31 =	simm.s32 $0x700;
	s2 =	sand.u32 $0x1, s2;
	s22 =	smul.u32 $0x280, s10  }
0x8: {  	[smem:$0x7FF] =	sst s3;
	s4 =	sadd.s32 $0xB3C00, s0;
	s5 =	smul.u32 $0x7800, s2  }
0x9: {  	s11 =	sadd.s32 $0xB1400, s0;
	s21 =	sshll.u32 s10, $0x6;
	s6 =	smul.u32 $0x2800, s2  }
0xa: {  	_ =	strace $0x8000004D;
	s8 =	smul.u32 $0x28000, s2;
	s2 =	ssub.s32 $0x2, s2  }
0xb: {  	[dreg:$0x3] =	wrdreg s11;
	s18 =	sshrl.u32 s2, $0x1;
	s20 =	sshrl.u32 s19, $0x2  }
0xc: {  	s19 =	simm.s32 $0x2;
	s5 =	sadd.s32 s5, s0;
	s9 =	sadd.s32 s6, s0  }
0xd: {  	s17 =	sadd.s32 s7, s8;
	s2 =	ssub.s32 s2, s18;
	s23 =	sadd.s32 s20, s1  }
0xe: {  	s6 =	sor.u32 $0x1C03, s21;
	s18 =	simm.s32 $0x100;
	s20 =	simm.s32 $0x480  }
0xf: {  	s21 =	simm.s32 $0x180;
	s0 =	sadd.s32 s17, s0;
	s24 =	smax.u32 s2, $0x1  }
0x10: {  	s25 =	sadd.s32 s22, s5;
	s26 =	sadd.s32 s22, s9;
	s7 =	sshrl.u32 s23, $0x3  }
0x11: {  	s17 =	simm.s32 $0x1;
	s22 =	simm.s32 $0x500;
	s23 =	simm.s32 $0x200  }
0x12: {  	s2 =	simm.s32 $0x0;
	[dreg:$0x4] =	wrdreg s6;
	s0 =	sadd.s32 $0x2400, s0  }
0x13: {  	[dreg:$0x6] =	wrdreg s24;
	s9 =	sadd.s32 $0x159400, s25;
	s10 =	sadd.s32 $0x103C00, s26  }
0x14: {  	s24 =	simm.s32 $0x580;
	s25 =	simm.s32 $0x280;
	[dreg:$0x7] =	wrdreg s7  }
0x15: {  	s26 =	simm.s32 $0x600;
	[dreg:$0x5] =	wrdreg s0;
	s0 =	simm.s32 $0x780  }
.LBB2_1:
0x16: {  	s5 =	rddreg [dreg:$0x3]  }
0x17: {  	[spmem:s7], [sflag:s6] =	dma.local [hbm:s5], $0x2800  }
0x18: {  	_ =	swait.ge [sflag:s12], $0x2800  }
0x19: {  	[sflag:s12] =	ssyncset.done $0x0  }
0x1a: {  	[sflag:s12] =	ssyncadd.s32 $0xFFFFD800  }
0x1b: {  	s8 =	sadd.s32 $0x0, s9;
	[bflag:$0x0] =	sbarrier.arrive $0xFFFF  }
0x1c: {  	[tilespmem:s3], [sflag:$0x3] =	stream.linear.gather [hbm4b:s8+s3], $0x400, $0x38;
	[tilespmem:$0x1C800] =	vst v63  }
0x1d: {  	_ =	swait.ge [sflag:s12], $0x400  }
0x1e: {  	[sflag:s12] =	ssyncset.done $0x0  }
0x1f: {  	s11 =	sadd.s32 $0x0, s10;
	[sflag:s12] =	ssyncadd.s32 $0xFFFFFC00  }
0x20: {  	[tilespmem:s13], [sflag:$0x3] =	stream.linear.gather [hbm4b:s11+s3], $0x400, $0x38;
	[tilespmem:$0x1C800] =	vst v63  }
0x21: {  	_ =	swait.ge [sflag:s12], $0x400  }
0x22: {  	[sflag:s12] =	ssyncset.done $0x0  }
0x23: {  	[sflag:s12] =	ssyncadd.s32 $0xFFFFFC00  }
0x24: {  	[tilespmem:s15], [sflag:$0x1] =	stream.indirect.gather [hbm4b:s4+s14], $0x80, s3, s14, $0xb8;
	[tilespmem:$0x1C800] =	vst v63  }
0x25: {  	_ = 	snop  }
0x26: {  	[tilespmem:s16], [sflag:$0x2] =	stream.indirect.gather [hbm4b:s4+s14], $0x80, s14, s14, $0xb8;
	[tilespmem:$0x1C800] =	vst v63  }
0x27: {  	_ =	swait.ge [sflag:s17], $0x4000  }
0x28: {  	[sflag:s17] =	ssyncset.done $0x0  }
0x29: {  	[sflag:s17] =	ssyncadd.s32 $0xFFFFC000  }
0x2a: {  	[spmem:s1] =	stream.indirect.scatter.add.f32 [tilespmem:s15], [sflag:$0x3], $0x80, s13, s14, $0xb8;
	[tilespmem:$0x1C800] =	vst v63  }
0x2b: {  	_ =	swait.ge [sflag:s12], $0x4000  }
0x2c: {  	[sflag:s12] =	ssyncset.done $0x0  }
0x2d: {  	[sflag:s12] =	ssyncadd.s32 $0xFFFFC000  }
0x2e: {  	[tilespmem:s15], [sflag:$0x1] =	stream.indirect.gather [hbm4b:s4+s14], $0x80, s18, s14, $0xb8;
	[tilespmem:$0x1C800] =	vst v63  }
0x2f: {  	_ =	swait.ge [sflag:s19], $0x4000  }
0x30: {  	[sflag:s19] =	ssyncset.done $0x0  }
0x31: {  	[sflag:s19] =	ssyncadd.s32 $0xFFFFC000  }
0x32: {  	[spmem:s1] =	stream.indirect.scatter.add.f32 [tilespmem:s16], [sflag:$0x3], $0x80, s20, s14, $0xb8;
	[tilespmem:$0x1C800] =	vst v63  }
0x33: {  	_ =	swait.ge [sflag:s12], $0x4000  }
0x34: {  	[sflag:s12] =	ssyncset.done $0x0  }
0x35: {  	[sflag:s12] =	ssyncadd.s32 $0xFFFFC000  }
0x36: {  	[tilespmem:s16], [sflag:$0x2] =	stream.indirect.gather [hbm4b:s4+s14], $0x80, s21, s14, $0xb8;
	[tilespmem:$0x1C800] =	vst v63  }
0x37: {  	_ =	swait.ge [sflag:s17], $0x4000  }
0x38: {  	[sflag:s17] =	ssyncset.done $0x0  }
0x39: {  	[sflag:s17] =	ssyncadd.s32 $0xFFFFC000  }
0x3a: {  	[spmem:s1] =	stream.indirect.scatter.add.f32 [tilespmem:s15], [sflag:$0x3], $0x80, s22, s14, $0xb8;
	[tilespmem:$0x1C800] =	vst v63  }
0x3b: {  	_ =	swait.ge [sflag:s12], $0x4000  }
0x3c: {  	[sflag:s12] =	ssyncset.done $0x0  }
0x3d: {  	[sflag:s12] =	ssyncadd.s32 $0xFFFFC000  }
0x3e: {  	[tilespmem:s15], [sflag:$0x1] =	stream.indirect.gather [hbm4b:s4+s14], $0x80, s23, s14, $0xb8;
	[tilespmem:$0x1C800] =	vst v63  }
0x3f: {  	_ =	swait.ge [sflag:s19], $0x4000  }
0x40: {  	[sflag:s19] =	ssyncset.done $0x0  }
0x41: {  	[sflag:s19] =	ssyncadd.s32 $0xFFFFC000  }
0x42: {  	[spmem:s1] =	stream.indirect.scatter.add.f32 [tilespmem:s16], [sflag:$0x3], $0x80, s24, s14, $0xb8;
	[tilespmem:$0x1C800] =	vst v63  }
0x43: {  	_ =	swait.ge [sflag:s12], $0x4000  }
0x44: {  	[sflag:s12] =	ssyncset.done $0x0  }
0x45: {  	[sflag:s12] =	ssyncadd.s32 $0xFFFFC000  }
0x46: {  	[tilespmem:s16], [sflag:$0x2] =	stream.indirect.gather [hbm4b:s4+s14], $0x80, s25, s14, $0xb8;
	[tilespmem:$0x1C800] =	vst v63  }
0x47: {  	_ =	swait.ge [sflag:s17], $0x4000  }
0x48: {  	[sflag:s17] =	ssyncset.done $0x0  }
0x49: {  	[sflag:s17] =	ssyncadd.s32 $0xFFFFC000  }
0x4a: {  	[spmem:s1] =	stream.indirect.scatter.add.f32 [tilespmem:s15], [sflag:$0x3], $0x80, s26, s14, $0xb8;
	[tilespmem:$0x1C800] =	vst v63  }
0x4b: {  	_ =	swait.ge [sflag:s12], $0x4000  }
0x4c: {  	[sflag:s12] =	ssyncset.done $0x0  }
0x4d: {  	[sflag:s12] =	ssyncadd.s32 $0xFFFFC000  }
0x4e: {  	[tilespmem:s15], [sflag:$0x1] =	stream.indirect.gather [hbm4b:s4+s14], $0x80, s28, s14, $0xb8;
	[tilespmem:$0x1C800] =	vst v63  }
0x4f: {  	_ =	swait.ge [sflag:s19], $0x4000  }
0x50: {  	[sflag:s19] =	ssyncset.done $0x0  }
0x51: {  	[sflag:s19] =	ssyncadd.s32 $0xFFFFC000  }
0x52: {  	[spmem:s1] =	stream.indirect.scatter.add.f32 [tilespmem:s16], [sflag:$0x3], $0x80, s29, s14, $0xb8;
	[tilespmem:$0x1C800] =	vst v63  }
0x53: {  	_ =	swait.ge [sflag:s12], $0x4000  }
0x54: {  	[sflag:s12] =	ssyncset.done $0x0  }
0x55: {  	[sflag:s12] =	ssyncadd.s32 $0xFFFFC000  }
0x56: {  	[tilespmem:s16], [sflag:$0x2] =	stream.indirect.gather [hbm4b:s4+s14], $0x80, s30, s14, $0xb8;
	[tilespmem:$0x1C800] =	vst v63  }
0x57: {  	_ =	swait.ge [sflag:s17], $0x4000  }
0x58: {  	[sflag:s17] =	ssyncset.done $0x0  }
0x59: {  	[sflag:s17] =	ssyncadd.s32 $0xFFFFC000  }
0x5a: {  	[spmem:s1] =	stream.indirect.scatter.add.f32 [tilespmem:s15], [sflag:$0x3], $0x80, s31, s14, $0xb8;
	[tilespmem:$0x1C800] =	vst v63  }
0x5b: {  	_ =	swait.ge [sflag:s12], $0x4000  }
0x5c: {  	[sflag:s12] =	ssyncset.done $0x0  }
0x5d: {  	[sflag:s12] =	ssyncadd.s32 $0xFFFFC000  }
0x5e: {  	_ =	swait.ge [sflag:s19], $0x4000  }
0x5f: {  	[sflag:s19] =	ssyncset.done $0x0  }
0x60: {  	[sflag:s19] =	ssyncadd.s32 $0xFFFFC000  }
0x61: {  	[spmem:s1] =	stream.indirect.scatter.add.f32 [tilespmem:s16], [sflag:$0x3], $0x80, s0, s14, $0xb8;
	[tilespmem:$0x1C800] =	vst v63  }
0x62: {  	_ =	swait.ge [sflag:s12], $0x4000  }
0x63: {  	s5 =	simm.s32 $0x80;
	s7 =	simm.s32 $0x100;
	[sflag:s12] =	ssyncset.done $0x0  }
.LBB2_2:
0x64: {  	s6 =	sadd.s32 s5, s9  }
0x65: {  	[sflag:s12] =	ssyncadd.s32 $0xFFFFC000;
	s11 =	smov.u32 s7;
	s8 =	sadd.s32 $0x80, s7  }
0x66: {  	[tilespmem:s3], [sflag:$0x3] =	stream.linear.gather [hbm4b:s6+s3], $0x400, $0x38;
	[tilespmem:$0x1C800] =	vst v63  }
0x67: {  	p0 =	sne.s32 s7, $0x200;
	_ =	swait.ge [sflag:s12], $0x400  }
0x68: {  	[sflag:s12] =	ssyncset.done $0x0  }
0x69: {  	s6 =	sadd.s32 s5, s10;
	s5 =	smov.u32 s11;
	[sflag:s12] =	ssyncadd.s32 $0xFFFFFC00  }
0x6a: {  	[tilespmem:s13], [sflag:$0x3] =	stream.linear.gather [hbm4b:s6+s3], $0x400, $0x38;
	[tilespmem:$0x1C800] =	vst v63  }
0x6b: {  	_ =	swait.ge [sflag:s12], $0x400  }
0x6c: {  	[sflag:s12] =	ssyncset.done $0x0  }
0x6d: {  	[sflag:s12] =	ssyncadd.s32 $0xFFFFFC00  }
0x6e: {  	[tilespmem:s15], [sflag:$0x1] =	stream.indirect.gather [hbm4b:s4+s14], $0x80, s3, s14, $0xb8;
	[tilespmem:$0x1C800] =	vst v63  }
0x6f: {  	_ = 	snop  }
0x70: {  	[tilespmem:s16], [sflag:$0x2] =	stream.indirect.gather [hbm4b:s4+s14], $0x80, s14, s14, $0xb8;
	[tilespmem:$0x1C800] =	vst v63  }
0x71: {  	_ =	swait.ge [sflag:s17], $0x4000  }
0x72: {  	[sflag:s17] =	ssyncset.done $0x0  }
0x73: {  	[sflag:s17] =	ssyncadd.s32 $0xFFFFC000  }
0x74: {  	[spmem:s1] =	stream.indirect.scatter.add.f32 [tilespmem:s15], [sflag:$0x3], $0x80, s13, s14, $0xb8;
	[tilespmem:$0x1C800] =	vst v63  }
0x75: {  	_ =	swait.ge [sflag:s12], $0x4000  }
0x76: {  	[sflag:s12] =	ssyncset.done $0x0  }
0x77: {  	[sflag:s12] =	ssyncadd.s32 $0xFFFFC000  }
0x78: {  	[tilespmem:s15], [sflag:$0x1] =	stream.indirect.gather [hbm4b:s4+s14], $0x80, s18, s14, $0xb8;
	[tilespmem:$0x1C800] =	vst v63  }
0x79: {  	_ =	swait.ge [sflag:s19], $0x4000  }
0x7a: {  	[sflag:s19] =	ssyncset.done $0x0  }
0x7b: {  	[sflag:s19] =	ssyncadd.s32 $0xFFFFC000  }
0x7c: {  	[spmem:s1] =	stream.indirect.scatter.add.f32 [tilespmem:s16], [sflag:$0x3], $0x80, s20, s14, $0xb8;
	[tilespmem:$0x1C800] =	vst v63  }
0x7d: {  	_ =	swait.ge [sflag:s12], $0x4000  }
0x7e: {  	[sflag:s12] =	ssyncset.done $0x0  }
0x7f: {  	[sflag:s12] =	ssyncadd.s32 $0xFFFFC000  }
0x80: {  	[tilespmem:s16], [sflag:$0x2] =	stream.indirect.gather [hbm4b:s4+s14], $0x80, s21, s14, $0xb8;
	[tilespmem:$0x1C800] =	vst v63  }
0x81: {  	_ =	swait.ge [sflag:s17], $0x4000  }
0x82: {  	[sflag:s17] =	ssyncset.done $0x0  }
0x83: {  	[sflag:s17] =	ssyncadd.s32 $0xFFFFC000  }
0x84: {  	[spmem:s1] =	stream.indirect.scatter.add.f32 [tilespmem:s15], [sflag:$0x3], $0x80, s22, s14, $0xb8;
	[tilespmem:$0x1C800] =	vst v63  }
0x85: {  	_ =	swait.ge [sflag:s12], $0x4000  }
0x86: {  	[sflag:s12] =	ssyncset.done $0x0  }
0x87: {  	[sflag:s12] =	ssyncadd.s32 $0xFFFFC000  }
0x88: {  	[tilespmem:s15], [sflag:$0x1] =	stream.indirect.gather [hbm4b:s4+s14], $0x80, s23, s14, $0xb8;
	[tilespmem:$0x1C800] =	vst v63  }
0x89: {  	_ =	swait.ge [sflag:s19], $0x4000  }
0x8a: {  	[sflag:s19] =	ssyncset.done $0x0  }
0x8b: {  	[sflag:s19] =	ssyncadd.s32 $0xFFFFC000  }
0x8c: {  	[spmem:s1] =	stream.indirect.scatter.add.f32 [tilespmem:s16], [sflag:$0x3], $0x80, s24, s14, $0xb8;
	[tilespmem:$0x1C800] =	vst v63  }
0x8d: {  	_ =	swait.ge [sflag:s12], $0x4000  }
0x8e: {  	[sflag:s12] =	ssyncset.done $0x0  }
0x8f: {  	[sflag:s12] =	ssyncadd.s32 $0xFFFFC000  }
0x90: {  	[tilespmem:s16], [sflag:$0x2] =	stream.indirect.gather [hbm4b:s4+s14], $0x80, s25, s14, $0xb8;
	[tilespmem:$0x1C800] =	vst v63  }
0x91: {  	_ =	swait.ge [sflag:s17], $0x4000  }
0x92: {  	[sflag:s17] =	ssyncset.done $0x0  }
0x93: {  	[sflag:s17] =	ssyncadd.s32 $0xFFFFC000  }
0x94: {  	[spmem:s1] =	stream.indirect.scatter.add.f32 [tilespmem:s15], [sflag:$0x3], $0x80, s26, s14, $0xb8;
	[tilespmem:$0x1C800] =	vst v63  }
0x95: {  	_ =	swait.ge [sflag:s12], $0x4000  }
0x96: {  	[sflag:s12] =	ssyncset.done $0x0  }
0x97: {  	[sflag:s12] =	ssyncadd.s32 $0xFFFFC000  }
0x98: {  	[tilespmem:s15], [sflag:$0x1] =	stream.indirect.gather [hbm4b:s4+s14], $0x80, s28, s14, $0xb8;
	[tilespmem:$0x1C800] =	vst v63  }
0x99: {  	_ =	swait.ge [sflag:s19], $0x4000  }
0x9a: {  	[sflag:s19] =	ssyncset.done $0x0  }
0x9b: {  	[sflag:s19] =	ssyncadd.s32 $0xFFFFC000  }
0x9c: {  	[spmem:s1] =	stream.indirect.scatter.add.f32 [tilespmem:s16], [sflag:$0x3], $0x80, s29, s14, $0xb8;
	[tilespmem:$0x1C800] =	vst v63  }
0x9d: {  	_ =	swait.ge [sflag:s12], $0x4000  }
0x9e: {  	[sflag:s12] =	ssyncset.done $0x0  }
0x9f: {  	[sflag:s12] =	ssyncadd.s32 $0xFFFFC000  }
0xa0: {  	[tilespmem:s16], [sflag:$0x2] =	stream.indirect.gather [hbm4b:s4+s14], $0x80, s30, s14, $0xb8;
	[tilespmem:$0x1C800] =	vst v63  }
0xa1: {  	_ =	swait.ge [sflag:s17], $0x4000  }
0xa2: {  	[sflag:s17] =	ssyncset.done $0x0  }
0xa3: {  	[sflag:s17] =	ssyncadd.s32 $0xFFFFC000  }
0xa4: {  	[spmem:s1] =	stream.indirect.scatter.add.f32 [tilespmem:s15], [sflag:$0x3], $0x80, s31, s14, $0xb8;
	[tilespmem:$0x1C800] =	vst v63  }
0xa5: {  	_ =	swait.ge [sflag:s12], $0x4000  }
0xa6: {  	[sflag:s12] =	ssyncset.done $0x0  }
0xa7: {  	[sflag:s12] =	ssyncadd.s32 $0xFFFFC000  }
0xa8: {  	_ =	swait.ge [sflag:s19], $0x4000  }
.Ltmp0:
0xa9: {  	[sflag:s19] =	ssyncset.done $0x0;
	(pc) =	sbr.rel @p0 .LBB2_2-.Ltmp0, $4  }
0xaa: {  	[sflag:s19] =	ssyncadd.s32 $0xFFFFC000  }
0xab: {  	[spmem:s1] =	stream.indirect.scatter.add.f32 [tilespmem:s16], [sflag:$0x3], $0x80, s0, s14, $0xb8;
	[tilespmem:$0x1C800] =	vst v63  }
0xac: {  	_ =	swait.ge [sflag:s12], $0x4000  }
0xad: {  	s7 =	smov.u32 s8;
	[sflag:s12] =	ssyncset.done $0x0  }
0xae: {  	s6 =	sadd.s32 s5, s9;
	[sflag:s12] =	ssyncadd.s32 $0xFFFFC000  }
0xaf: {  	[tilespmem:s3], [sflag:$0x3] =	stream.linear.gather [hbm4b:s6+s3], $0x400, $0x38;
	[tilespmem:$0x1C800] =	vst v63  }
0xb0: {  	_ =	swait.ge [sflag:s12], $0x400  }
0xb1: {  	[sflag:s12] =	ssyncset.done $0x0  }
0xb2: {  	s7 =	sadd.s32 s5, s10;
	[sflag:s12] =	ssyncadd.s32 $0xFFFFFC00  }
0xb3: {  	[tilespmem:s13], [sflag:$0x3] =	stream.linear.gather [hbm4b:s7+s3], $0x400, $0x38;
	[tilespmem:$0x1C800] =	vst v63  }
0xb4: {  	_ =	swait.ge [sflag:s12], $0x400  }
0xb5: {  	[sflag:s12] =	ssyncset.done $0x0  }
0xb6: {  	[sflag:s12] =	ssyncadd.s32 $0xFFFFFC00  }
0xb7: {  	[tilespmem:s15], [sflag:$0x1] =	stream.indirect.gather [hbm4b:s4+s14], $0x80, s3, s14, $0xb8;
	[tilespmem:$0x1C800] =	vst v63  }
0xb8: {  	_ = 	snop  }
0xb9: {  	[tilespmem:s16], [sflag:$0x2] =	stream.indirect.gather [hbm4b:s4+s14], $0x80, s14, s14, $0xb8;
	[tilespmem:$0x1C800] =	vst v63  }
0xba: {  	_ =	swait.ge [sflag:s17], $0x4000  }
0xbb: {  	[sflag:s17] =	ssyncset.done $0x0  }
0xbc: {  	[sflag:s17] =	ssyncadd.s32 $0xFFFFC000  }
0xbd: {  	[spmem:s1] =	stream.indirect.scatter.add.f32 [tilespmem:s15], [sflag:$0x3], $0x80, s13, s14, $0xb8;
	[tilespmem:$0x1C800] =	vst v63  }
0xbe: {  	_ =	swait.ge [sflag:s12], $0x4000  }
0xbf: {  	[sflag:s12] =	ssyncset.done $0x0  }
0xc0: {  	[sflag:s12] =	ssyncadd.s32 $0xFFFFC000  }
0xc1: {  	[tilespmem:s15], [sflag:$0x1] =	stream.indirect.gather [hbm4b:s4+s14], $0x80, s18, s14, $0xb8;
	[tilespmem:$0x1C800] =	vst v63  }
0xc2: {  	_ =	swait.ge [sflag:s19], $0x4000  }
0xc3: {  	[sflag:s19] =	ssyncset.done $0x0  }
0xc4: {  	[sflag:s19] =	ssyncadd.s32 $0xFFFFC000  }
0xc5: {  	[spmem:s1] =	stream.indirect.scatter.add.f32 [tilespmem:s16], [sflag:$0x3], $0x80, s20, s14, $0xb8;
	[tilespmem:$0x1C800] =	vst v63  }
0xc6: {  	_ =	swait.ge [sflag:s12], $0x4000  }
0xc7: {  	[sflag:s12] =	ssyncset.done $0x0  }
0xc8: {  	[sflag:s12] =	ssyncadd.s32 $0xFFFFC000  }
0xc9: {  	[tilespmem:s16], [sflag:$0x2] =	stream.indirect.gather [hbm4b:s4+s14], $0x80, s21, s14, $0xb8;
	[tilespmem:$0x1C800] =	vst v63  }
0xca: {  	_ =	swait.ge [sflag:s17], $0x4000  }
0xcb: {  	[sflag:s17] =	ssyncset.done $0x0  }
0xcc: {  	[sflag:s17] =	ssyncadd.s32 $0xFFFFC000  }
0xcd: {  	[spmem:s1] =	stream.indirect.scatter.add.f32 [tilespmem:s15], [sflag:$0x3], $0x80, s22, s14, $0xb8;
	[tilespmem:$0x1C800] =	vst v63  }
0xce: {  	_ =	swait.ge [sflag:s12], $0x4000  }
0xcf: {  	[sflag:s12] =	ssyncset.done $0x0  }
0xd0: {  	[sflag:s12] =	ssyncadd.s32 $0xFFFFC000  }
0xd1: {  	[tilespmem:s15], [sflag:$0x1] =	stream.indirect.gather [hbm4b:s4+s14], $0x80, s23, s14, $0xb8;
	[tilespmem:$0x1C800] =	vst v63  }
0xd2: {  	_ =	swait.ge [sflag:s19], $0x4000  }
0xd3: {  	[sflag:s19] =	ssyncset.done $0x0  }
0xd4: {  	[sflag:s19] =	ssyncadd.s32 $0xFFFFC000  }
0xd5: {  	[spmem:s1] =	stream.indirect.scatter.add.f32 [tilespmem:s16], [sflag:$0x3], $0x80, s24, s14, $0xb8;
	[tilespmem:$0x1C800] =	vst v63  }
0xd6: {  	_ =	swait.ge [sflag:s12], $0x4000  }
0xd7: {  	[sflag:s12] =	ssyncset.done $0x0  }
0xd8: {  	[sflag:s12] =	ssyncadd.s32 $0xFFFFC000  }
0xd9: {  	[tilespmem:s16], [sflag:$0x2] =	stream.indirect.gather [hbm4b:s4+s14], $0x80, s25, s14, $0xb8;
	[tilespmem:$0x1C800] =	vst v63  }
0xda: {  	_ =	swait.ge [sflag:s17], $0x4000  }
0xdb: {  	[sflag:s17] =	ssyncset.done $0x0  }
0xdc: {  	[sflag:s17] =	ssyncadd.s32 $0xFFFFC000  }
0xdd: {  	[spmem:s1] =	stream.indirect.scatter.add.f32 [tilespmem:s15], [sflag:$0x3], $0x80, s26, s14, $0xb8;
	[tilespmem:$0x1C800] =	vst v63  }
0xde: {  	_ =	swait.ge [sflag:s12], $0x4000  }
0xdf: {  	[sflag:s12] =	ssyncset.done $0x0  }
0xe0: {  	[sflag:s12] =	ssyncadd.s32 $0xFFFFC000  }
0xe1: {  	[tilespmem:s15], [sflag:$0x1] =	stream.indirect.gather [hbm4b:s4+s14], $0x80, s28, s14, $0xb8;
	[tilespmem:$0x1C800] =	vst v63  }
0xe2: {  	_ =	swait.ge [sflag:s19], $0x4000  }
0xe3: {  	[sflag:s19] =	ssyncset.done $0x0  }
0xe4: {  	[sflag:s19] =	ssyncadd.s32 $0xFFFFC000  }
0xe5: {  	[spmem:s1] =	stream.indirect.scatter.add.f32 [tilespmem:s16], [sflag:$0x3], $0x80, s29, s14, $0xb8;
	[tilespmem:$0x1C800] =	vst v63  }
0xe6: {  	_ =	swait.ge [sflag:s12], $0x4000  }
0xe7: {  	[sflag:s12] =	ssyncset.done $0x0  }
0xe8: {  	[sflag:s12] =	ssyncadd.s32 $0xFFFFC000  }
0xe9: {  	[tilespmem:s16], [sflag:$0x2] =	stream.indirect.gather [hbm4b:s4+s14], $0x80, s30, s14, $0xb8;
	[tilespmem:$0x1C800] =	vst v63  }
0xea: {  	_ =	swait.ge [sflag:s17], $0x4000  }
0xeb: {  	[sflag:s17] =	ssyncset.done $0x0  }
0xec: {  	[sflag:s17] =	ssyncadd.s32 $0xFFFFC000  }
0xed: {  	[spmem:s1] =	stream.indirect.scatter.add.f32 [tilespmem:s15], [sflag:$0x3], $0x80, s31, s14, $0xb8;
	[tilespmem:$0x1C800] =	vst v63  }
0xee: {  	_ =	swait.ge [sflag:s12], $0x4000  }
0xef: {  	[sflag:s12] =	ssyncset.done $0x0  }
0xf0: {  	[sflag:s12] =	ssyncadd.s32 $0xFFFFC000  }
0xf1: {  	_ =	swait.ge [sflag:s19], $0x4000  }
0xf2: {  	[sflag:s19] =	ssyncset.done $0x0  }
0xf3: {  	[sflag:s19] =	ssyncadd.s32 $0xFFFFC000  }
0xf4: {  	[spmem:s1] =	stream.indirect.scatter.add.f32 [tilespmem:s16], [sflag:$0x3], $0x80, s0, s14, $0xb8;
	[tilespmem:$0x1C800] =	vst v63  }
0xf5: {  	_ =	swait.ge [sflag:s12], $0x4000  }
0xf6: {  	[sflag:s12] =	ssyncset.done $0x0  }
0xf7: {  	[sflag:s12] =	ssyncadd.s32 $0xFFFFC000  }
0xf8: {  	[bflag:$0x0] =	sbarrier.arrive $0xFFFF  }
0xf9: {  	s6 =	rddreg [dreg:$0x4]  }
0xfa: {  	s8 =	rddreg [dreg:$0x5]  }
0xfb: {  	s7 =	rddreg [dreg:$0x7]  }
0xfc: {  	[hbm:s8], [sflag:s6] =	dma.local [spmem:s7], $0x2800  }
0xfd: {  	_ =	swait.ge [sflag:s12], $0x2800  }
0xfe: {  	s2 =	sadd.s32 $0x1, s2;
	s11 =	rddreg [dreg:$0x6]  }
0xff: {  	p0 =	sne.s32 s2, s11  }
.Ltmp1:
0x100: {  	_ = 	snop;
	(pc) =	sbr.rel @p0 .LBB2_1-.Ltmp1, $3  }
0x101: {  	_ =	sdelay $0x1  }
0x102: {  	[sflag:s12] =	ssyncset.done $0x0  }
0x103: {  	[sflag:s12] =	ssyncadd.s32 $0xFFFFD800  }
0x104: {  	_ =	sfence.sel $0x180000  }
0x105: {  	[bflag:$0x0] =	sbarrier.arrive $0xFFFF  }
0x106: {  	_ =	strace $0x9000004D  }
0x107: {  	s0 =	stileid.u32;
	[bflag:$0x2] =	sbarrier.arrive $0xFFFF  }
0x108: {  	p0 =	sne.s32 s0, $0x0;
	s0 =	rddreg [dreg:$0x2]  }
0x109: {  	s0 =	sadd.s32 @!p0 $0x100000, s0  }
0x10a: {  	[sflag:s0] =	ssyncadd.tile.s32 @!p0 $0x1;
	_ =	shalt  }
.Lfunc_end2:
_tile_overlayer_lowered:
.L_overlay_start_2:
0x10b: {  	(tag) =	ssettag $0x2  }
0x10c: {  	s0 =	rddreg [dreg:$0x0];
	s2 =	stileid.u32  }
0x10d: {  	s1 =	rddreg [dreg:$0x1];
	p0 =	sne.s32 s2, $0x0  }
0x10e: {  	s3 =	rddreg [dreg:$0x2];
	[bflag:$0x3] =	sbarrier.arrive $0xFFFF;
	s2 =	simm.s32 @!p0 $0x1C03  }
0x10f: {  	[timem:s3], [sflag:s2] =	dma.local @!p0 [hbm:s0], s1  }
0x110: {  	s0 =	simm.s32 @!p0 $0x3  }
0x111: {  	_ =	swait.ge @!p0 [sflag:s0], s1  }
0x112: {  	s1 =	ssub.s32 @!p0 $0x0, s1;
	[sflag:s0] =	ssyncset.done @!p0 $0x0  }
0x113: {  	[sflag:s0] =	ssyncadd.s32 @!p0 s1  }
0x114: {  	[bflag:$0x3] =	sbarrier.arrive $0xFFFF  }
0x115: {  	_ =	shalt  }

// kernel: kernel.8.cloned.1.call-start
scs
__scs_entry_jumppad:
0x0: {  	(pc) =	sbr.rel $0x88, $3  }
0x1: {  	(tag) =	ssettag $0x0;
	lr =	simm.s32 $0x1  }
0x2: {  	[smem:$0x3F94] =	sst lr;
	_ =	strace $0xD0000000  }
0x3: {  	_ = 	snop  }
0x4: {  	_ = 	snop  }
0x5: {  	_ = 	snop  }
0x6: {  	_ = 	snop  }
0x7: {  	_ = 	snop  }
__scs_overlays_trampoline_lowered:
0x8: {  	[smem:$0x3FA3] =	sst s0  }
0x9: {  	[smem:$0x3FA4] =	sst s1  }
0xa: {  	[smem:$0x3FA5] =	sst s2  }
0xb: {  	[smem:$0x3FA6] =	sst s3  }
0xc: {  	[smem:$0x3FA7] =	sst s4  }
0xd: {  	[smem:$0x3FA8] =	sst s5  }
0xe: {  	[smem:$0x3FA9] =	sst s6  }
0xf: {  	[smem:$0x3FAA] =	sst s7  }
0x10: {  	[smem:$0x3FAB] =	sst s8  }
0x11: {  	[smem:$0x3FAC] =	sst s9;
	s0 =	simm.s32 @!p0 $0x0  }
0x12: {  	s1 =	sld [smem:$0x3F92];
	s0 =	simm.s32 @p0 $0x1  }
0x13: {  	[smem:$0x3FAD] =	sst s0;
	s0 =	simm.s32 @!p1 $0x0  }
0x14: {  	s2 =	sld [smem:$0x3F91];
	s0 =	simm.s32 @p1 $0x1  }
0x15: {  	[smem:$0x3FAE] =	sst s0;
	s0 =	simm.s32 @!p2 $0x0  }
0x16: {  	s3 =	sld [smem:$0x3FDB];
	s0 =	simm.s32 @p2 $0x1  }
0x17: {  	s4 =	simm.s32 $0x1BF5;
	[smem:$0x3FB0] =	sst s0  }
0x18: {  	s0 =	sld [smem:$0x3F93];
	_ =	swait.ge [sflag:s4], $0x0  }
0x19: {  	s7 =	sld [smem:$0x3F94]  }
0x1a: {  	s8 =	sadd.s32 $0xFFFFE003, lr  }
0x1b: {  	s9 =	sadd.s32 $0xFFFFFEF7, lr;
	s5 =	simm.s32 $0xFFFFFFFF;
	p2 =	slt.u32 s8, $0xFFFFF086  }
0x1c: {  	p1 =	slt.u32 s9, $0xF7A;
	s5 =	simm.s32 @!p2 $0x0  }
0x1d: {  	s5 =	simm.s32 @p1 $0x1;
	p0 =	seq.s32 s7, s2  }
0x1e: {  	s7 =	smul.u32 @!p0 $0xF7A, s2;
	p2 =	seq.s32 @!p0 s5, $0x0  }
0x1f: {  	s9 =	smul.u32 $0xF7A, s1;
	s8 =	simm.s32 @!p0 $0x1BF5;
	p2 =	por !p2, p0  }
0x20: {  	[sflag:s8] =	ssyncset.s32 @!p0 $0xFFFFF086;
	s6 =	sadd.s32 @!p0 s3, s7;
	s7 =	simm.s32 @!p0 $0x108  }
0x21: {  	s3 =	sadd.s32 s3, s9;
	s6 =	sadd.s32 @!p0 $0x88, s6;
	s7 =	simm.s32 @p2 $0x1082  }
0x22: {  	[simem:s7], [sflag:s8] =	dma.local @!p0 [hbm:s6], $0xF7A  }
0x23: {  	s9 =	sor.u32 $0xD0000000, s2;
	s6 =	simm.s32 $0x108;
	_ =	swait.ge @!p0 [sflag:s8], $0x0  }
0x24: {  	s3 =	sadd.s32 $0x88, s3;
	s6 =	simm.s32 @!p1 $0x1082;
	[sflag:s4] =	ssyncset.s32 $0xFFFFF086  }
0x25: {  	[simem:s6], [sflag:s4] =	dma.local [hbm:s3], $0xF7A  }
0x26: {  	[smem:$0x3F94] =	sst s1;
	(tag) =	ssettag s2;
	_ =	strace s9  }
0x27: {  	s1 =	sld [smem:$0x3FA4]  }
0x28: {  	s2 =	sld [smem:$0x3FA5]  }
0x29: {  	s4 =	sld [smem:$0x3FA7]  }
0x2a: {  	p0 =	seq.s32 s5, $0x0;
	s5 =	sld [smem:$0x3FA8]  }
0x2b: {  	s6 =	sld [smem:$0x3FA9]  }
0x2c: {  	s7 =	sld [smem:$0x3FAA]  }
0x2d: {  	s3 =	simm.s32 $0x108;
	s8 =	sld [smem:$0x3FAB]  }
0x2e: {  	s3 =	simm.s32 @!p0 $0x1082;
	s9 =	sld [smem:$0x3FAC]  }
0x2f: {  	lr =	sadd.s32 s0, s3;
	s0 =	sld [smem:$0x3FA3]  }
0x30: {  	s3 =	sld [smem:$0x3FA6]  }
0x31: {  	[smem:$0x3FAF] =	sst s10  }
0x32: {  	s10 =	sld [smem:$0x3FAD];
	_ =	sdelay $0x3  }
0x33: {  	p0 =	seq.s32 s10, $0x1;
	s10 =	sld [smem:$0x3FAF];
	_ =	sdelay $0x3  }
0x34: {  	[smem:$0x3FAF] =	sst s10  }
0x35: {  	s10 =	sld [smem:$0x3FAE];
	_ =	sdelay $0x3  }
0x36: {  	p1 =	seq.s32 s10, $0x1;
	s10 =	sld [smem:$0x3FAF];
	_ =	sdelay $0x3  }
0x37: {  	[smem:$0x3FAF] =	sst s10  }
0x38: {  	s10 =	sld [smem:$0x3FB0]  }
0x39: {  	_ = 	snop;
	(pc) =	sbr.ind lr, $3  }
0x3a: {  	_ = 	snop  }
0x3b: {  	_ = 	snop  }
0x3c: {  	p2 =	seq.s32 s10, $0x1;
	s10 =	sld [smem:$0x3FAF]  }
0x3d: {  	_ =	shalt  }
0x3e: {  	_ =	shalt  }
0x3f: {  	_ =	shalt  }
0x40: {  	_ =	shalt  }
0x41: {  	_ =	shalt  }
0x42: {  	_ =	shalt  }
0x43: {  	_ =	shalt  }
0x44: {  	_ =	shalt  }
0x45: {  	_ =	shalt  }
0x46: {  	_ =	shalt  }
0x47: {  	_ =	shalt  }
0x48: {  	_ =	shalt  }
0x49: {  	_ =	shalt  }
0x4a: {  	_ =	shalt  }
0x4b: {  	_ =	shalt  }
0x4c: {  	_ =	shalt  }
0x4d: {  	_ =	shalt  }
0x4e: {  	_ =	shalt  }
0x4f: {  	_ =	shalt  }
0x50: {  	_ =	shalt  }
0x51: {  	_ =	shalt  }
0x52: {  	_ =	shalt  }
0x53: {  	_ =	shalt  }
0x54: {  	_ =	shalt  }
0x55: {  	_ =	shalt  }
0x56: {  	_ =	shalt  }
0x57: {  	_ =	shalt  }
0x58: {  	_ =	shalt  }
0x59: {  	_ =	shalt  }
0x5a: {  	_ =	shalt  }
0x5b: {  	_ =	shalt  }
0x5c: {  	_ =	shalt  }
0x5d: {  	_ =	shalt  }
0x5e: {  	_ =	shalt  }
0x5f: {  	_ =	shalt  }
0x60: {  	_ =	shalt  }
0x61: {  	_ =	shalt  }
0x62: {  	_ =	shalt  }
0x63: {  	_ =	shalt  }
0x64: {  	_ =	shalt  }
0x65: {  	_ =	shalt  }
0x66: {  	_ =	shalt  }
0x67: {  	_ =	shalt  }
0x68: {  	_ =	shalt  }
0x69: {  	_ =	shalt  }
0x6a: {  	_ =	shalt  }
0x6b: {  	_ =	shalt  }
0x6c: {  	_ =	shalt  }
0x6d: {  	_ =	shalt  }
0x6e: {  	_ =	shalt  }
0x6f: {  	_ =	shalt  }
0x70: {  	_ =	shalt  }
0x71: {  	_ =	shalt  }
0x72: {  	_ =	shalt  }
0x73: {  	_ =	shalt  }
0x74: {  	_ =	shalt  }
0x75: {  	_ =	shalt  }
0x76: {  	_ =	shalt  }
0x77: {  	_ =	shalt  }
0x78: {  	_ =	shalt  }
0x79: {  	_ =	shalt  }
0x7a: {  	_ =	shalt  }
0x7b: {  	_ =	shalt  }
0x7c: {  	_ =	shalt  }
0x7d: {  	_ =	shalt  }
0x7e: {  	_ =	shalt  }
0x7f: {  	_ =	shalt  }
0x80: {  	_ =	shalt  }
0x81: {  	_ =	shalt  }
0x82: {  	_ =	shalt  }
0x83: {  	_ =	shalt  }
0x84: {  	_ =	shalt  }
0x85: {  	_ =	shalt  }
0x86: {  	_ =	shalt  }
0x87: {  	_ =	shalt  }
.Lfunc_end0:
.L_simem_size_0:
called_computation_lowered:
.L_overlay_start_0:
0x88: {  	s2 =	sld [smem:$0x3FD9]  }
0x89: {  	s3 =	sld [smem:$0x3FFE];
	_ =	sdelay $0x1  }
0x8a: {  	s1 =	srdreg.scid  }
0x8b: {  	s0 =	sand.u32 $0x1, s1  }
0x8c: {  	s17 =	sshll.u32 s0, $0xA;
	s2 =	sadd.s32 s3, s2  }
0x8d: {  	s2 =	sadd.s32 s2, s17  }
0x8e: {  	[smem:$0x3FBB] =	sst s2  }
0x8f: {  	_ = 	snop  }
0x90: {  	(tm) =	ssettm $0x1  }
0x91: {  	s18 =	sld [smem:$0x3FFB];
	_ =	sdelay $0x3  }
0x92: {  	_ =	strace s18  }
0x93: {  	s2 =	sld [smem:$0x3FFC];
	_ =	sdelay $0x3  }
0x94: {  	_ =	strace s2  }
0x95: {  	s2 =	sld [smem:$0x3FFD];
	_ =	sdelay $0x3  }
0x96: {  	_ =	strace s2  }
0x97: {  	_ =	strace $0x8FFFFFFF  }
0x98: {  	s19 =	sld [smem:$0x3FDB];
	_ =	sdelay $0x1  }
0x99: {  	s20 =	simm.s32 $_scs_section_size  }
0x9a: {  	s4 =	simm.s32 $_size__tile_overlayer_lowered;
	s5 =	simm.s32 $_tile_overlayer_lowered  }
0x9b: {  	s6 =	simm.s32 $0x1BFF;
	s21 =	sshll.u32 s5, $0x1;
	s3 =	sadd.s32 s20, s19  }
0x9c: {  	s22 =	simm.s32 $0x0;
	s4 =	sshll.u32 s4, $0x1;
	s5 =	sadd.s32 s21, s3  }
0x9d: {  	[timem:s22], [sflag:s6] =	dma.local [hbm:s5], s4  }
0x9e: {  	_ =	swait.ge [sflag:s6], s4  }
0x9f: {  	s4 =	ssub.s32 $0x0, s4;
	[sflag:s6] =	ssyncset.done $0x0  }
0xa0: {  	[sflag:s6] =	ssyncadd.s32 s4;
	_ =	sdelay $0x1  }
0xa1: {  	s23 =	simm.s32 $0x1B8B  }
0xa2: {  	_ =	swait.ge [sflag:s23], $0x1  }
0xa3: {  	[sflag:s23] =	ssyncset.done $0x0  }
0xa4: {  	[sflag:s23] =	ssyncadd.s32 $0xFFFFFFFF  }
0xa5: {  	s4 =	sld [smem:$0x0]  }
0xa6: {  	s5 =	sand.u32 $0xFFFFFFFE, s1  }
0xa7: {  	p0 =	sne.s32 s1, s5  }
0xa8: {  	s5 =	sshll.u32 @p0 s5, $0xE  }
0xa9: {  	s5 =	sadd.s32 @p0 $0x11B8D, s5;
	s6 =	sshll.u32 @p0 s4, $0x11  }
0xaa: {  	s5 =	sor.u32 @p0 s6, s5  }
0xab: {  	[sflag:s5] =	ssyncadd.remote.s32 @p0 $0x1;
	_ =	sdelay $0x1  }
0xac: {  	s5 =	simm.s32 @p0 $0x1B8D  }
0xad: {  	_ =	swait.eq @p0 [sflag:s5], $0x1  }
0xae: {  	[sflag:s5] =	ssyncadd.s32 @p0 $0xFFFFFFFF  }
0xaf: {  	s6 =	sshll.u32 @!p0 s1, $0xE  }
0xb0: {  	s6 =	sor.u32 @!p0 $0x4000, s6;
	s5 =	simm.s32 @!p0 $0x1B8D  }
0xb1: {  	s4 =	sshll.u32 @!p0 s4, $0x11;
	s6 =	sadd.s32 @!p0 $0x11B8D, s6;
	_ =	swait.eq @!p0 [sflag:s5], $0x1  }
0xb2: {  	s4 =	sor.u32 @!p0 s4, s6;
	[sflag:s5] =	ssyncadd.s32 @!p0 $0xFFFFFFFF  }
0xb3: {  	s25 =	simm.s32 $0x1B8E;
	s24 =	sld [smem:$0x3FFE];
	[sflag:s4] =	ssyncadd.remote.s32 @!p0 $0x1  }
0xb4: {  	s26 =	simm.s32 $execute0_lowered;
	[smem:$0x3FD2] =	sst s25  }
0xb5: {  	s5 =	sshll.u32 s26, $0x1;
	_ =	strace $0x80000049;
	[dreg:$0x1] =	wrdreg $0xFFFFFFFF  }
0xb6: {  	s28 =	simm.s32 $_size_execute0_lowered;
	s3 =	sadd.s32 s3, s5;
	[dreg:$0x0] =	wrdreg $0x0  }
0xb7: {  	s5 =	sshll.u32 s28, $0x1;
	[dreg:$0x2] =	wrdreg s3  }
0xb8: {  	[dreg:$0x3] =	wrdreg s5  }
0xb9: {  	[dreg:$0x4] =	wrdreg $0xC0  }
0xba: {  	_ =	task [dreg:s22], $0x5FFFF  }
0xbb: {  	[dreg:$0x1] =	wrdreg $0xFFFFFFFF  }
0xbc: {  	[dreg:$0x0] =	wrdreg $0x60  }
0xbd: {  	[dreg:$0x2] =	wrdreg s24  }
0xbe: {  	[dreg:$0x3] =	wrdreg $0x44000  }
0xbf: {  	[dreg:$0x4] =	wrdreg $0x9  }
0xc0: {  	_ =	task.clear_ibuf [dreg:s22], $0x5FFFF;
	_ =	strace $0x90000049  }
0xc1: {  	s29 =	simm.s32 $0x9;
	_ =	strace $0x8000004B  }
0xc2: {  	_ =	swait.ge [sflag:s29], $0x1  }
0xc3: {  	[sflag:s29] =	ssyncadd.s32 $0xFFFFFFFF  }
0xc4: {  	_ =	strace $0x9000004B  }
0xc5: {  	_ =	sfence  }
0xc6: {  	s30 =	sld [smem:$0x0];
	_ =	sdelay $0x2  }
0xc7: {  	s31 =	sshll.u32 s1, $0xD;
	s1 =	sshrl.u32 s1, $0x2  }
0xc8: {  	s4 =	sand.u32 $0x4000, s31;
	s1 =	sadd.s32 s1, s30  }
0xc9: {  	s0 =	sor.u32 s4, s0;
	s1 =	sshll.u32 s1, $0x11  }
0xca: {  	s0 =	sor.u32 s1, s0  }
0xcb: {  	s0 =	sadd.s32 $0x8F2B, s0  }
0xcc: {  	[sflag:s0] =	ssyncadd.remote.s32 $0x1  }
0xcd: {  	_ =	sfence.sel $0xFFFF  }
0xce: {  	[dreg:$0x0] =	wrdreg $0xFFFFFFFF;
	(pc) =	sbr.abs _section_cstart, $3  }
0xcf: {  	[dreg:$0x1] =	wrdreg $0xFFFFFFFF  }
0xd0: {  	_ =	task.clear_ibuf [dreg:s22], $0x2FFFF;
	_ =	strace $0x9FFFFFFF  }
0xd1: {  	(tm) =	ssettm $0x7FFFFFFF  }
tec
execute0_lowered:
.L_overlay_start_1:
0x0: {  	(tag) =	ssettag $0x1  }
0x1: {  	s6 =	rddreg [dreg:$0x0];
	s0 =	srdreg.scid  }
0x2: {  	s2 =	rddreg [dreg:$0x1];
	s1 =	stileid.u32;
	s3 =	simm.s32 $0x0  }
0x3: {  	s13 =	simm.s32 $0x80;
	s14 =	simm.s32 $0x100;
	s15 =	simm.s32 $0x180  }
0x4: {  	s16 =	simm.s32 $0x200;
	s17 =	simm.s32 $0x280;
	s7 =	smul.u32 $0x2800, s1  }
0x5: {  	s18 =	simm.s32 $0x300;
	s19 =	simm.s32 $0x380;
	s10 =	smul.u32 $0x50000, s1  }
0x6: {  	s5 =	sand.u32 $0x1, s0;
	s0 =	rddreg [dreg:$0x2];
	s12 =	smul.u32 $0x280, s1  }
0x7: {  	s20 =	simm.s32 $0x0;
	[smem:$0x7FF] =	sst s3;
	s4 =	smul.u32 $0x2800, s5  }
0x8: {  	s11 =	sshll.u32 s1, $0x6;
	s8 =	smul.u32 $0x28000, s5;
	s30 =	ssub.s32 $0x2, s5  }
0x9: {  	_ =	strace $0x8000004A;
	s5 =	sadd.s32 $0x108C00, s6;
	s31 =	sshrl.u32 s30, $0x1  }
0xa: {  	s10 =	sshrl.u32 s10, $0x2;
	s9 =	sadd.s32 s4, s6;
	s4 =	sadd.s32 $0xB1400, s6  }
0xb: {  	s7 =	sadd.s32 s7, s8;
	s8 =	ssub.s32 s30, s31;
	s10 =	sadd.s32 s10, s2  }
0xc: {  	s7 =	sadd.s32 s7, s6;
	s6 =	sor.u32 $0x1C01, s11;
	s8 =	smax.u32 s8, $0x1  }
0xd: {  	s9 =	sadd.s32 s12, s9;
	s10 =	sshrl.u32 s10, $0x3;
	s12 =	simm.s32 $0x400  }
0xe: {  	s11 =	simm.s32 $0x1;
	s7 =	sadd.s32 $0x109400, s7;
	s9 =	sadd.s32 $0x103C00, s9  }
.LBB2_1:
0xf: {  	[spmem:s10], [sflag:s6] =	dma.local [hbm:s4], $0x2800  }
0x10: {  	_ =	swait.ge [sflag:s11], $0x2800  }
0x11: {  	[sflag:s11] =	ssyncset.done $0x0  }
0x12: {  	[sflag:s11] =	ssyncadd.s32 $0xFFFFD800  }
0x13: {  	[tilespmem:s12], [sflag:$0x1] =	stream.linear.gather [hbm4b:s5+s3], $0x4000, $0x38;
	[tilespmem:$0x18400] =	vst v63  }
0x14: {  	_ =	swait.ge [sflag:s11], $0x4000  }
0x15: {  	[sflag:s11] =	ssyncset.done $0x0  }
0x16: {  	[sflag:s11] =	ssyncadd.s32 $0xFFFFC000  }
0x17: {  	s21 =	sadd.s32 $0x0, s9;
	[bflag:$0x0] =	sbarrier.arrive $0xFFFF  }
0x18: {  	[tilespmem:s3], [sflag:$0x1] =	stream.linear.gather [hbm4b:s21+s3], $0x400, $0x38;
	[tilespmem:$0x18400] =	vst v63  }
0x19: {  	_ =	swait.ge [sflag:s11], $0x400  }
0x1a: {  	[sflag:s11] =	ssyncset.done $0x0  }
0x1b: {  	[sflag:s11] =	ssyncadd.s32 $0xFFFFFC00  }
0x1c: {  	[spmem:s2] =	stream.indirect.scatter.add.f32 [tilespmem:s12], [sflag:$0x1], $0x80, s3, s13, $0xb8;
	[tilespmem:$0x18400] =	vst v63  }
0x1d: {  	_ =	swait.ge [sflag:s11], $0x4000  }
0x1e: {  	[sflag:s11] =	ssyncset.done $0x0  }
0x1f: {  	[sflag:s11] =	ssyncadd.s32 $0xFFFFC000  }
0x20: {  	[spmem:s2] =	stream.indirect.scatter.add.f32 [tilespmem:s12], [sflag:$0x1], $0x80, s13, s13, $0xb8;
	[tilespmem:$0x18400] =	vst v63  }
0x21: {  	_ =	swait.ge [sflag:s11], $0x4000  }
0x22: {  	[sflag:s11] =	ssyncset.done $0x0  }
0x23: {  	[sflag:s11] =	ssyncadd.s32 $0xFFFFC000  }
0x24: {  	[spmem:s2] =	stream.indirect.scatter.add.f32 [tilespmem:s12], [sflag:$0x1], $0x80, s14, s13, $0xb8;
	[tilespmem:$0x18400] =	vst v63  }
0x25: {  	_ =	swait.ge [sflag:s11], $0x4000  }
0x26: {  	[sflag:s11] =	ssyncset.done $0x0  }
0x27: {  	[sflag:s11] =	ssyncadd.s32 $0xFFFFC000  }
0x28: {  	[spmem:s2] =	stream.indirect.scatter.add.f32 [tilespmem:s12], [sflag:$0x1], $0x80, s15, s13, $0xb8;
	[tilespmem:$0x18400] =	vst v63  }
0x29: {  	_ =	swait.ge [sflag:s11], $0x4000  }
0x2a: {  	[sflag:s11] =	ssyncset.done $0x0  }
0x2b: {  	[sflag:s11] =	ssyncadd.s32 $0xFFFFC000  }
0x2c: {  	[spmem:s2] =	stream.indirect.scatter.add.f32 [tilespmem:s12], [sflag:$0x1], $0x80, s16, s13, $0xb8;
	[tilespmem:$0x18400] =	vst v63  }
0x2d: {  	_ =	swait.ge [sflag:s11], $0x4000  }
0x2e: {  	[sflag:s11] =	ssyncset.done $0x0  }
0x2f: {  	[sflag:s11] =	ssyncadd.s32 $0xFFFFC000  }
0x30: {  	[spmem:s2] =	stream.indirect.scatter.add.f32 [tilespmem:s12], [sflag:$0x1], $0x80, s17, s13, $0xb8;
	[tilespmem:$0x18400] =	vst v63  }
0x31: {  	_ =	swait.ge [sflag:s11], $0x4000  }
0x32: {  	[sflag:s11] =	ssyncset.done $0x0  }
0x33: {  	[sflag:s11] =	ssyncadd.s32 $0xFFFFC000  }
0x34: {  	[spmem:s2] =	stream.indirect.scatter.add.f32 [tilespmem:s12], [sflag:$0x1], $0x80, s18, s13, $0xb8;
	[tilespmem:$0x18400] =	vst v63  }
0x35: {  	_ =	swait.ge [sflag:s11], $0x4000  }
0x36: {  	[sflag:s11] =	ssyncset.done $0x0  }
0x37: {  	[sflag:s11] =	ssyncadd.s32 $0xFFFFC000  }
0x38: {  	[spmem:s2] =	stream.indirect.scatter.add.f32 [tilespmem:s12], [sflag:$0x1], $0x80, s19, s13, $0xb8;
	[tilespmem:$0x18400] =	vst v63  }
0x39: {  	_ =	swait.ge [sflag:s11], $0x4000  }
0x3a: {  	s23 =	simm.s32 $0x100;
	s21 =	simm.s32 $0x80;
	[sflag:s11] =	ssyncset.done $0x0  }
.LBB2_2:
0x3b: {  	s24 =	sadd.s32 s21, s9  }
0x3c: {  	[sflag:s11] =	ssyncadd.s32 $0xFFFFC000;
	s21 =	smov.u32 s23;
	s22 =	sadd.s32 $0x80, s23  }
0x3d: {  	[tilespmem:s3], [sflag:$0x1] =	stream.linear.gather [hbm4b:s24+s3], $0x400, $0x38;
	[tilespmem:$0x18400] =	vst v63  }
0x3e: {  	p0 =	sne.s32 s23, $0x200;
	_ =	swait.ge [sflag:s11], $0x400  }
0x3f: {  	[sflag:s11] =	ssyncset.done $0x0  }
0x40: {  	[sflag:s11] =	ssyncadd.s32 $0xFFFFFC00  }
0x41: {  	[spmem:s2] =	stream.indirect.scatter.add.f32 [tilespmem:s12], [sflag:$0x1], $0x80, s3, s13, $0xb8;
	[tilespmem:$0x18400] =	vst v63  }
0x42: {  	_ =	swait.ge [sflag:s11], $0x4000  }
0x43: {  	[sflag:s11] =	ssyncset.done $0x0  }
0x44: {  	[sflag:s11] =	ssyncadd.s32 $0xFFFFC000  }
0x45: {  	[spmem:s2] =	stream.indirect.scatter.add.f32 [tilespmem:s12], [sflag:$0x1], $0x80, s13, s13, $0xb8;
	[tilespmem:$0x18400] =	vst v63  }
0x46: {  	_ =	swait.ge [sflag:s11], $0x4000  }
0x47: {  	[sflag:s11] =	ssyncset.done $0x0  }
0x48: {  	[sflag:s11] =	ssyncadd.s32 $0xFFFFC000  }
0x49: {  	[spmem:s2] =	stream.indirect.scatter.add.f32 [tilespmem:s12], [sflag:$0x1], $0x80, s14, s13, $0xb8;
	[tilespmem:$0x18400] =	vst v63  }
0x4a: {  	_ =	swait.ge [sflag:s11], $0x4000  }
0x4b: {  	[sflag:s11] =	ssyncset.done $0x0  }
0x4c: {  	[sflag:s11] =	ssyncadd.s32 $0xFFFFC000  }
0x4d: {  	[spmem:s2] =	stream.indirect.scatter.add.f32 [tilespmem:s12], [sflag:$0x1], $0x80, s15, s13, $0xb8;
	[tilespmem:$0x18400] =	vst v63  }
0x4e: {  	_ =	swait.ge [sflag:s11], $0x4000  }
0x4f: {  	[sflag:s11] =	ssyncset.done $0x0  }
0x50: {  	[sflag:s11] =	ssyncadd.s32 $0xFFFFC000  }
0x51: {  	[spmem:s2] =	stream.indirect.scatter.add.f32 [tilespmem:s12], [sflag:$0x1], $0x80, s16, s13, $0xb8;
	[tilespmem:$0x18400] =	vst v63  }
0x52: {  	_ =	swait.ge [sflag:s11], $0x4000  }
0x53: {  	[sflag:s11] =	ssyncset.done $0x0  }
0x54: {  	[sflag:s11] =	ssyncadd.s32 $0xFFFFC000  }
0x55: {  	[spmem:s2] =	stream.indirect.scatter.add.f32 [tilespmem:s12], [sflag:$0x1], $0x80, s17, s13, $0xb8;
	[tilespmem:$0x18400] =	vst v63  }
0x56: {  	_ =	swait.ge [sflag:s11], $0x4000  }
0x57: {  	[sflag:s11] =	ssyncset.done $0x0  }
0x58: {  	[sflag:s11] =	ssyncadd.s32 $0xFFFFC000  }
0x59: {  	[spmem:s2] =	stream.indirect.scatter.add.f32 [tilespmem:s12], [sflag:$0x1], $0x80, s18, s13, $0xb8;
	[tilespmem:$0x18400] =	vst v63  }
0x5a: {  	_ =	swait.ge [sflag:s11], $0x4000  }
.Ltmp0:
0x5b: {  	[sflag:s11] =	ssyncset.done $0x0;
	(pc) =	sbr.rel @p0 .LBB2_2-.Ltmp0, $4  }
0x5c: {  	[sflag:s11] =	ssyncadd.s32 $0xFFFFC000  }
0x5d: {  	[spmem:s2] =	stream.indirect.scatter.add.f32 [tilespmem:s12], [sflag:$0x1], $0x80, s19, s13, $0xb8;
	[tilespmem:$0x18400] =	vst v63  }
0x5e: {  	_ =	swait.ge [sflag:s11], $0x4000  }
0x5f: {  	s23 =	smov.u32 s22;
	[sflag:s11] =	ssyncset.done $0x0  }
0x60: {  	s21 =	sadd.s32 s21, s9;
	[sflag:s11] =	ssyncadd.s32 $0xFFFFC000  }
0x61: {  	[tilespmem:s3], [sflag:$0x1] =	stream.linear.gather [hbm4b:s21+s3], $0x400, $0x38;
	[tilespmem:$0x18400] =	vst v63  }
0x62: {  	_ =	swait.ge [sflag:s11], $0x400  }
0x63: {  	[sflag:s11] =	ssyncset.done $0x0  }
0x64: {  	[sflag:s11] =	ssyncadd.s32 $0xFFFFFC00  }
0x65: {  	[spmem:s2] =	stream.indirect.scatter.add.f32 [tilespmem:s12], [sflag:$0x1], $0x80, s3, s13, $0xb8;
	[tilespmem:$0x18400] =	vst v63  }
0x66: {  	_ =	swait.ge [sflag:s11], $0x4000  }
0x67: {  	[sflag:s11] =	ssyncset.done $0x0  }
0x68: {  	[sflag:s11] =	ssyncadd.s32 $0xFFFFC000  }
0x69: {  	[spmem:s2] =	stream.indirect.scatter.add.f32 [tilespmem:s12], [sflag:$0x1], $0x80, s13, s13, $0xb8;
	[tilespmem:$0x18400] =	vst v63  }
0x6a: {  	_ =	swait.ge [sflag:s11], $0x4000  }
0x6b: {  	[sflag:s11] =	ssyncset.done $0x0  }
0x6c: {  	[sflag:s11] =	ssyncadd.s32 $0xFFFFC000  }
0x6d: {  	[spmem:s2] =	stream.indirect.scatter.add.f32 [tilespmem:s12], [sflag:$0x1], $0x80, s14, s13, $0xb8;
	[tilespmem:$0x18400] =	vst v63  }
0x6e: {  	_ =	swait.ge [sflag:s11], $0x4000  }
0x6f: {  	[sflag:s11] =	ssyncset.done $0x0  }
0x70: {  	[sflag:s11] =	ssyncadd.s32 $0xFFFFC000  }
0x71: {  	[spmem:s2] =	stream.indirect.scatter.add.f32 [tilespmem:s12], [sflag:$0x1], $0x80, s15, s13, $0xb8;
	[tilespmem:$0x18400] =	vst v63  }
0x72: {  	_ =	swait.ge [sflag:s11], $0x4000  }
0x73: {  	[sflag:s11] =	ssyncset.done $0x0  }
0x74: {  	[sflag:s11] =	ssyncadd.s32 $0xFFFFC000  }
0x75: {  	[spmem:s2] =	stream.indirect.scatter.add.f32 [tilespmem:s12], [sflag:$0x1], $0x80, s16, s13, $0xb8;
	[tilespmem:$0x18400] =	vst v63  }
0x76: {  	_ =	swait.ge [sflag:s11], $0x4000  }
0x77: {  	[sflag:s11] =	ssyncset.done $0x0  }
0x78: {  	[sflag:s11] =	ssyncadd.s32 $0xFFFFC000  }
0x79: {  	[spmem:s2] =	stream.indirect.scatter.add.f32 [tilespmem:s12], [sflag:$0x1], $0x80, s17, s13, $0xb8;
	[tilespmem:$0x18400] =	vst v63  }
0x7a: {  	_ =	swait.ge [sflag:s11], $0x4000  }
0x7b: {  	[sflag:s11] =	ssyncset.done $0x0  }
0x7c: {  	[sflag:s11] =	ssyncadd.s32 $0xFFFFC000  }
0x7d: {  	[spmem:s2] =	stream.indirect.scatter.add.f32 [tilespmem:s12], [sflag:$0x1], $0x80, s18, s13, $0xb8;
	[tilespmem:$0x18400] =	vst v63  }
0x7e: {  	_ =	swait.ge [sflag:s11], $0x4000  }
0x7f: {  	[sflag:s11] =	ssyncset.done $0x0  }
0x80: {  	[sflag:s11] =	ssyncadd.s32 $0xFFFFC000  }
0x81: {  	[spmem:s2] =	stream.indirect.scatter.add.f32 [tilespmem:s12], [sflag:$0x1], $0x80, s19, s13, $0xb8;
	[tilespmem:$0x18400] =	vst v63  }
0x82: {  	_ =	swait.ge [sflag:s11], $0x4000  }
0x83: {  	s20 =	sadd.s32 $0x1, s20;
	[sflag:s11] =	ssyncset.done $0x0  }
0x84: {  	p0 =	sne.s32 s20, s8;
	[sflag:s11] =	ssyncadd.s32 $0xFFFFC000  }
.Ltmp1:
0x85: {  	[bflag:$0x0] =	sbarrier.arrive $0xFFFF;
	(pc) =	sbr.rel @p0 .LBB2_1-.Ltmp1, $4  }
0x86: {  	[hbm:s7], [sflag:s6] =	dma.local [spmem:s10], $0x2800  }
0x87: {  	_ =	swait.ge [sflag:s11], $0x2800  }
0x88: {  	[sflag:s11] =	ssyncset.done $0x0  }
0x89: {  	[sflag:s11] =	ssyncadd.s32 $0xFFFFD800  }
0x8a: {  	_ =	sfence.sel $0x180000  }
0x8b: {  	[bflag:$0x0] =	sbarrier.arrive $0xFFFF  }
0x8c: {  	p0 =	sne.s32 s1, $0x0;
	_ =	strace $0x9000004A  }
0x8d: {  	s0 =	sadd.s32 @!p0 $0x100000, s0;
	[bflag:$0x2] =	sbarrier.arrive $0xFFFF  }
0x8e: {  	[sflag:s0] =	ssyncadd.tile.s32 @!p0 $0x1;
	_ =	shalt  }
.Lfunc_end2:
_tile_overlayer_lowered:
.L_overlay_start_2:
0x8f: {  	(tag) =	ssettag $0x2  }
0x90: {  	s0 =	rddreg [dreg:$0x0];
	s2 =	stileid.u32  }
0x91: {  	s1 =	rddreg [dreg:$0x1];
	p0 =	sne.s32 s2, $0x0  }
0x92: {  	s3 =	rddreg [dreg:$0x2];
	[bflag:$0x3] =	sbarrier.arrive $0xFFFF;
	s2 =	simm.s32 @!p0 $0x1C01  }
0x93: {  	[timem:s3], [sflag:s2] =	dma.local @!p0 [hbm:s0], s1  }
0x94: {  	s0 =	simm.s32 @!p0 $0x1  }
0x95: {  	_ =	swait.ge @!p0 [sflag:s0], s1  }
0x96: {  	s1 =	ssub.s32 @!p0 $0x0, s1;
	[sflag:s0] =	ssyncset.done @!p0 $0x0  }
0x97: {  	[sflag:s0] =	ssyncadd.s32 @!p0 s1  }
0x98: {  	[bflag:$0x3] =	sbarrier.arrive $0xFFFF  }
0x99: {  	_ =	shalt  }

</sc_bundles>
